<compile_context>
chip_gen: v7x
topology: tpu7x:2x2x1
jax: 0.10.2.dev20260603
libtpu: 0.0.44.dev20260713+nightly
codegen_flags: <defaults>
</compile_context>

<pallas_src>
import jax
import jax.numpy as jnp
from jax import lax
from jax.experimental import pallas as pl
from jax.experimental.pallas import tpu as pltpu
from jax.experimental.pallas import tpu_sc as plsc

N = 10000
E = 320000
D = 128
H1 = 64
H2 = 128
HFC = 256

NC = 2
NS = 16
HALF = 5120
AR = 5248
RPT = AR // NS
P = 2 * HALF
CH = 128
NCHUNK = E // CH
ROUNDS = -(-NCHUNK // NS)


def _make_edge_pass(layer1):
    mesh = plsc.VectorSubcoreMesh(core_axis_name="c", subcore_axis_name="s")
    out_type = jax.ShapeDtypeStruct((NC, AR, 128), jnp.float32)
    scratch = [
        pltpu.VMEM((CH,), jnp.int32),
        pltpu.VMEM((CH,), jnp.int32),
        pltpu.VMEM((CH,), jnp.int32),
        pltpu.VMEM((CH,), jnp.int32),
        pltpu.VMEM((CH,), jnp.int32),
        pltpu.VMEM((CH, 128), jnp.float32),
        pltpu.VMEM((CH, 128), jnp.float32),
        pltpu.VMEM((CH, 128), jnp.float32),
        pltpu.VMEM((CH, 128), jnp.float32),
        pltpu.VMEM((CH, 128), jnp.float32),
        pltpu.VMEM_SHARED((AR, 128), jnp.float32),
        pltpu.SemaphoreType.DMA,
        pltpu.SemaphoreType.DMA,
        pltpu.SemaphoreType.DMA,
        pltpu.SemaphoreType.DMA,
    ]

    def body(a_hbm, b_hbm, ei_hbm, zz_hbm, out_hbm,
             dst0, dst1, src0, src1, dstl, rd0, rd1, rs0, rs1, mb, acc,
             sa0, sa1, sb0, sb1):
        dstv = (dst0, dst1)
        srcv = (src0, src1)
        rd = (rd0, rd1)
        rs = (rs0, rs1)
        sem_a = (sa0, sa1)
        sem_b = (sb0, sb1)
        c = lax.axis_index("c")
        s = lax.axis_index("s")
        base_row = s * RPT
        pltpu.sync_copy(zz_hbm.at[pl.ds(base_row, RPT)],
                        acc.at[pl.ds(base_row, RPT)])
        if layer1:
            def onerow(r, _):
                for q in range(4, 8):
                    mb[r, pl.ds(q * 16, 16)] = jnp.ones((16,), jnp.float32)
                return 0
            lax.fori_loop(0, CH, onerow, 0)
        plsc.subcore_barrier()
        rbase = c * HALF

        def issue(b, k):
            @pl.when(k < NCHUNK)
            def _():
                off = pl.multiple_of(k * CH, 8)
                pltpu.sync_copy(ei_hbm.at[1, pl.ds(off, CH)], dstv[b])
                pltpu.sync_copy(ei_hbm.at[0, pl.ds(off, CH)], srcv[b])
                pltpu.async_copy(a_hbm.at[dstv[b]], rd[b], sem_a[b])
                pltpu.async_copy(b_hbm.at[srcv[b]], rs[b], sem_b[b])

        def process(b, k):
            @pl.when(k < NCHUNK)
            def _():
                pltpu.make_async_copy(a_hbm.at[dstv[b]], rd[b],
                                      sem_a[b]).wait()
                pltpu.make_async_copy(b_hbm.at[srcv[b]], rs[b],
                                      sem_b[b]).wait()

                def row(r, _):
                    if layer1:
                        for q in range(4):
                            va = rd[b][r, pl.ds(q * 16, 16)]
                            vb = rs[b][r, pl.ds(64 + q * 16, 16)]
                            mb[r, pl.ds(q * 16, 16)] = jnp.maximum(va + vb, 0.0)
                    else:
                        for q in range(8):
                            va = rd[b][r, pl.ds(q * 16, 16)]
                            vb = rs[b][r, pl.ds(q * 16, 16)]
                            mb[r, pl.ds(q * 16, 16)] = jnp.maximum(va + vb, 0.0)
                    return 0
                lax.fori_loop(0, CH, row, 0)
                for q in range(CH // 16):
                    l = dstv[b][pl.ds(q * 16, 16)] - rbase
                    ok = (l >= 0) & (l < HALF)
                    dstl[pl.ds(q * 16, 16)] = jnp.where(ok, l, HALF)
                pltpu.sync_copy(mb, acc.at[dstl], add=True)

        issue(0, s)

        def pair(g, _):
            for b in (0, 1):
                u = 2 * g + b
                k = u * NS + s
                issue(1 - b, k + NS)
                process(b, k)
            return 0
        lax.fori_loop(0, (ROUNDS + 1) // 2, pair, 0)
        plsc.subcore_barrier()
        pltpu.sync_copy(acc.at[pl.ds(base_row, RPT)],
                        out_hbm.at[c, pl.ds(base_row, RPT)])

    return pl.kernel(body, out_type=out_type, mesh=mesh,
                     scratch_types=scratch)


_edge1 = _make_edge_pass(layer1=True)
_edge2 = _make_edge_pass(layer1=False)


def _proj1_body(x_ref, w_ref, b_ref, ab_ref):
    y = jnp.dot(x_ref[...], w_ref[...], preferred_element_type=jnp.float32)
    ab_ref[...] = y + b_ref[...]


_proj1 = pl.pallas_call(
    _proj1_body,
    out_shape=jax.ShapeDtypeStruct((N, 2 * H1), jnp.float32),
)


def _sums_counts(s_ref):
    hcat = jnp.concatenate([s_ref[0, :HALF], s_ref[1, :HALF]], axis=0)
    cnt = jnp.maximum(hcat[:, H1], 1.0)
    return hcat[:, :H1] / cnt[:, None], cnt


def _mid_body(s_ref, w_ref, b_ref, a_ref, bo_ref):
    h, _ = _sums_counts(s_ref)
    y = jnp.dot(h, w_ref[...], preferred_element_type=jnp.float32)
    a_ref[...] = y[:, :H2] + b_ref[...]
    bo_ref[...] = y[:, H2:]


_mid = pl.pallas_call(
    _mid_body,
    out_shape=(jax.ShapeDtypeStruct((P, H2), jnp.float32),
               jax.ShapeDtypeStruct((P, H2), jnp.float32)),
)


def _final_body(s1_ref, s2_ref, w3_ref, b3_ref, w4_ref, b4_ref, o_ref):
    _, cnt = _sums_counts(s1_ref)
    h2 = jnp.concatenate([s2_ref[0, :HALF], s2_ref[1, :HALF]], axis=0)
    h2 = h2 / cnt[:, None]
    f = jnp.dot(h2, w3_ref[...], preferred_element_type=jnp.float32)
    f = jnp.maximum(f + b3_ref[...], 0.0)
    z = jnp.dot(f, w4_ref[...], preferred_element_type=jnp.float32)
    z = z + b4_ref[...]
    o_ref[...] = 1.0 / (1.0 + jnp.exp(-z))


_final = pl.pallas_call(
    _final_body,
    out_shape=jax.ShapeDtypeStruct((P, 1), jnp.float32),
)


def kernel(X, edge_index, W1, b1, W2, b2, W3, b3, W4, b4):
    W1a, W1b = W1[:, :D], W1[:, D:]
    Wc1 = jnp.concatenate([(W1a - W1b).T, W1b.T], axis=1)
    b1p = jnp.concatenate([b1, jnp.zeros((H1,), jnp.float32)])
    W2a, W2b = W2[:, :H1], W2[:, H1:]
    Wc2 = jnp.concatenate([(W2a - W2b).T, W2b.T], axis=1)
    zz = jnp.zeros((AR, 128), jnp.float32)

    AB1 = _proj1(X, Wc1, b1p)
    S1 = _edge1(AB1, AB1, edge_index, zz)
    A2, B2 = _mid(S1, Wc2, b2)
    S2 = _edge2(A2, B2, edge_index, zz)
    out = _final(S1, S2, W3.T, b3, W4.T, b4)
    return out[:N, 0]

# --- scband reference (transcript-rebuilt; emitter-appended) ---
"""Pipeline reference for scband-trackster-graph-net-17480516894906 (READ-ONLY COPY).

The authoritative reference and input builder live on the scoring server;
editing this copy changes nothing except your own understanding.
"""

import jax, jax.numpy as jnp
import numpy as np

N = 10000
E = 320000
D = 128
H1 = 64
H2 = 128
HFC = 256


def setup_inputs(seed: int = 0) -> dict:
    key = jax.random.key(seed)
    ks = jax.random.split(key, 12)
    X = jax.random.normal(ks[0], (N, D), dtype=jnp.float32)
    edge_index = jax.random.randint(ks[1], (2, E), 0, N, dtype=jnp.int32)
    # EdgeConvBlock 1: Linear(2*D -> H1)
    W1 = jax.random.normal(ks[2], (H1, 2 * D), dtype=jnp.float32) * (1.0 / np.sqrt(2 * D))
    b1 = jnp.zeros((H1,), dtype=jnp.float32)
    # EdgeConvBlock 2: Linear(2*H1 -> H2)
    W2 = jax.random.normal(ks[3], (H2, 2 * H1), dtype=jnp.float32) * (1.0 / np.sqrt(2 * H1))
    b2 = jnp.zeros((H2,), dtype=jnp.float32)
    # edgenetwork: Linear(H2 -> HFC), ReLU, Dropout(eval: identity), Linear(HFC -> 1), Sigmoid
    W3 = jax.random.normal(ks[4], (HFC, H2), dtype=jnp.float32) * (1.0 / np.sqrt(H2))
    b3 = jnp.zeros((HFC,), dtype=jnp.float32)
    W4 = jax.random.normal(ks[5], (1, HFC), dtype=jnp.float32) * (1.0 / np.sqrt(HFC))
    b4 = jnp.zeros((1,), dtype=jnp.float32)
    return {"X": X, "edge_index": edge_index, "W1": W1, "b1": b1, "W2": W2, "b2": b2, "W3": W3, "b3": b3, "W4": W4, "b4": b4}


def _edge_conv(x, edge_index, W, b):
    # EdgeConv: per-edge MLP on [x_i, x_j - x_i], mean-aggregated at the destination node
    src = edge_index[0]
    dst = edge_index[1]
    x_i = jnp.take(x, dst, axis=0)
    x_j = jnp.take(x, src, axis=0)
    msg = jnp.concatenate([x_i, x_j - x_i], axis=-1)
    msg = jax.nn.relu(msg @ W.T + b)
    summed = jax.ops.segment_sum(msg, dst, num_segments=N)
    cnt = jax.ops.segment_sum(jnp.ones((msg.shape[0],), dtype=jnp.float32), dst, num_segments=N)
    return summed / jnp.maximum(cnt, 1.0)[:, None]


def reference(X, edge_index, W1, b1, W2, b2, W3, b3, W4, b4):
    H = _edge_conv(X, edge_index, W1, b1)
    H = _edge_conv(H, edge_index, W2, b2)
    H = jax.nn.relu(H @ W3.T + b3)
    out = jax.nn.sigmoid(H @ W4.T + b4)
    return jnp.squeeze(out, axis=-1)

if __name__ == "__main__":
    import jax
    _d = setup_inputs()
    print(jax.jit(kernel)(*tuple(_d.values())))

</pallas_src>

<mosaic_0001>
#map = affine_map<(d0, d1) -> (0, 0)>
#map1 = affine_map<(d0, d1) -> (0, 0, 0)>
module attributes {stable_mosaic.version = 14 : i64} {
  func.func @body(%arg0: i32, %arg1: i32, %arg2: memref<10000x128xf32, #tpu.memory_space<hbm>>, %arg3: memref<10000x128xf32, #tpu.memory_space<hbm>>, %arg4: memref<2x320000xi32, #tpu.memory_space<hbm>>, %arg5: memref<5248x128xf32, #tpu.memory_space<hbm>>, %arg6: memref<2x5248x128xf32, #tpu.memory_space<hbm>>, %arg7: memref<128xi32, #tpu.memory_space<vmem>>, %arg8: memref<128xi32, #tpu.memory_space<vmem>>, %arg9: memref<128xi32, #tpu.memory_space<vmem>>, %arg10: memref<128xi32, #tpu.memory_space<vmem>>, %arg11: memref<128xi32, #tpu.memory_space<vmem>>, %arg12: memref<128x128xf32, #tpu.memory_space<vmem>>, %arg13: memref<128x128xf32, #tpu.memory_space<vmem>>, %arg14: memref<128x128xf32, #tpu.memory_space<vmem>>, %arg15: memref<128x128xf32, #tpu.memory_space<vmem>>, %arg16: memref<128x128xf32, #tpu.memory_space<vmem>>, %arg17: memref<5248x128xf32, #tpu.memory_space<vmem_shared>>, %arg18: memref<!tpu.dma_semaphore, #tpu.memory_space<semaphore_mem>>, %arg19: memref<!tpu.dma_semaphore, #tpu.memory_space<semaphore_mem>>, %arg20: memref<!tpu.dma_semaphore, #tpu.memory_space<semaphore_mem>>, %arg21: memref<!tpu.dma_semaphore, #tpu.memory_space<semaphore_mem>>) attributes {dimension_semantics = [#tpu.dimension_semantics<core_parallel>, #tpu.dimension_semantics<subcore_parallel>], iteration_bounds = array<i64: 2, 16>, scalar_prefetch = 0 : i64, scratch_operands = 15 : i64, tpu.core_type = #tpu.core_type<sc_vector_subcore>, window_params = [{transform_indices = #map}, {transform_indices = #map}, {transform_indices = #map}, {transform_indices = #map}, {transform_indices = #map1}]} {
    %mul3A = arith.constant 328 : i32
    %mul3A_0 = arith.muli %arg1, %mul3A : i32
    "tpu.region"() ({
      %run_scoped3A = tpu.sem_alloc : memref<!tpu.dma_semaphore, #tpu.memory_space<semaphore_mem>>
      %dma_start3A = arith.constant 0 : i32
      %dma_start3A_19 = tpu.memref_slice %arg17[%mul3A_0, %dma_start3A] : memref<5248x128xf32, #tpu.memory_space<vmem_shared>> -> memref<328x128xf32, #tpu.memory_space<vmem_shared>>
      %dma_start3A_20 = arith.constant 0 : i32
      %dma_start3A_21 = tpu.memref_slice %arg5[%mul3A_0, %dma_start3A_20] : memref<5248x128xf32, #tpu.memory_space<hbm>> -> memref<328x128xf32, #tpu.memory_space<hbm>>
      tpu.enqueue_dma source(%dma_start3A_21 : memref<328x128xf32, #tpu.memory_space<hbm>>) target(%dma_start3A_19 : memref<328x128xf32, #tpu.memory_space<vmem_shared>>) target_semaphore(%run_scoped3A : memref<!tpu.dma_semaphore, #tpu.memory_space<semaphore_mem>>)
      %dma_wait3A = arith.constant 0 : i32
      %dma_wait3A_22 = tpu.memref_slice %arg17[%mul3A_0, %dma_wait3A] : memref<5248x128xf32, #tpu.memory_space<vmem_shared>> -> memref<328x128xf32, #tpu.memory_space<vmem_shared>>
      %dma_wait3A_23 = arith.constant 0 : i32
      %dma_wait3A_24 = tpu.memref_slice %arg5[%mul3A_0, %dma_wait3A_23] : memref<5248x128xf32, #tpu.memory_space<hbm>> -> memref<328x128xf32, #tpu.memory_space<hbm>>
      tpu.wait_dma2 semaphore(%run_scoped3A : memref<!tpu.dma_semaphore, #tpu.memory_space<semaphore_mem>>) src(%dma_wait3A_24 : memref<328x128xf32, #tpu.memory_space<hbm>>) dst(%dma_wait3A_22 : memref<328x128xf32, #tpu.memory_space<vmem_shared>>)
      tpu.yield
    }) : () -> ()
    %scan3A = arith.constant 0 : i32
    %scan3A_1 = arith.constant 0 : i32
    %scan3A_2 = arith.constant 128 : i32
    %scan3A_3 = arith.addi %scan3A_1, %scan3A_2 : i32
    %scan3A_4 = arith.constant 1 : i32
    %scan3A_5 = scf.for %scan3A_19 = %scan3A_1 to %scan3A_3 step %scan3A_4 iter_args(%scan3A_20 = %scan3A) -> (i32)  : i32 {
      %broadcast_in_dim3A = arith.constant 1.000000e+00 : f32
      %broadcast_in_dim3A_21 = vector.broadcast %broadcast_in_dim3A : f32 to vector<16xf32>
      %swap3A = arith.index_cast %scan3A_19 : i32 to index
      %swap3A_22 = arith.constant 64 : index
      %swap3A_23 = tpu.vector_load %arg16[%swap3A, %swap3A_22] {strides = array<i32>} : memref<128x128xf32, #tpu.memory_space<vmem>>, vector<1x16xf32>,
      %swap3A_24 = vector.shape_cast %swap3A_23 : vector<1x16xf32> to vector<16xf32>
      %swap3A_25 = vector.shape_cast %broadcast_in_dim3A_21 : vector<16xf32> to vector<1x16xf32>
      tpu.vector_store %arg16[%swap3A, %swap3A_22], %swap3A_25 {strides = array<i32>} : memref<128x128xf32, #tpu.memory_space<vmem>>, vector<1x16xf32>,
      %broadcast_in_dim3A_26 = arith.constant 1.000000e+00 : f32
      %broadcast_in_dim3A_27 = vector.broadcast %broadcast_in_dim3A_26 : f32 to vector<16xf32>
      %swap3A_28 = arith.index_cast %scan3A_19 : i32 to index
      %swap3A_29 = arith.constant 80 : index
      %swap3A_30 = tpu.vector_load %arg16[%swap3A_28, %swap3A_29] {strides = array<i32>} : memref<128x128xf32, #tpu.memory_space<vmem>>, vector<1x16xf32>,
      %swap3A_31 = vector.shape_cast %swap3A_30 : vector<1x16xf32> to vector<16xf32>
      %swap3A_32 = vector.shape_cast %broadcast_in_dim3A_27 : vector<16xf32> to vector<1x16xf32>
      tpu.vector_store %arg16[%swap3A_28, %swap3A_29], %swap3A_32 {strides = array<i32>} : memref<128x128xf32, #tpu.memory_space<vmem>>, vector<1x16xf32>,
      %broadcast_in_dim3A_33 = arith.constant 1.000000e+00 : f32
      %broadcast_in_dim3A_34 = vector.broadcast %broadcast_in_dim3A_33 : f32 to vector<16xf32>
      %swap3A_35 = arith.index_cast %scan3A_19 : i32 to index
      %swap3A_36 = arith.constant 96 : index
      %swap3A_37 = tpu.vector_load %arg16[%swap3A_35, %swap3A_36] {strides = array<i32>} : memref<128x128xf32, #tpu.memory_space<vmem>>, vector<1x16xf32>,
      %swap3A_38 = vector.shape_cast %swap3A_37 : vector<1x16xf32> to vector<16xf32>
      %swap3A_39 = vector.shape_cast %broadcast_in_dim3A_34 : vector<16xf32> to vector<1x16xf32>
      tpu.vector_store %arg16[%swap3A_35, %swap3A_36], %swap3A_39 {strides = array<i32>} : memref<128x128xf32, #tpu.memory_space<vmem>>, vector<1x16xf32>,
      %broadcast_in_dim3A_40 = arith.constant 1.000000e+00 : f32
      %broadcast_in_dim3A_41 = vector.broadcast %broadcast_in_dim3A_40 : f32 to vector<16xf32>
      %swap3A_42 = arith.index_cast %scan3A_19 : i32 to index
      %swap3A_43 = arith.constant 112 : index
      %swap3A_44 = tpu.vector_load %arg16[%swap3A_42, %swap3A_43] {strides = array<i32>} : memref<128x128xf32, #tpu.memory_space<vmem>>, vector<1x16xf32>,
      %swap3A_45 = vector.shape_cast %swap3A_44 : vector<1x16xf32> to vector<16xf32>
      %swap3A_46 = vector.shape_cast %broadcast_in_dim3A_41 : vector<16xf32> to vector<1x16xf32>
      tpu.vector_store %arg16[%swap3A_42, %swap3A_43], %swap3A_46 {strides = array<i32>} : memref<128x128xf32, #tpu.memory_space<vmem>>, vector<1x16xf32>,
      %scan3A_47 = arith.constant 0 : i32
      scf.yield %scan3A_47 : i32
    }
    %scan3A_6 = arith.constant 128 : i32
    %barrier3A = arith.constant 0 : index
    tpu.barrier barrier_id(%barrier3A)
    %mul3A_7 = arith.constant 5120 : i32
    %mul3A_8 = arith.muli %arg0, %mul3A_7 : i32
    %lt3A = arith.constant 2500 : i32
    %lt3A_9 = arith.cmpi slt, %arg1, %lt3A : i32
    %convert_element_type3A = arith.extui %lt3A_9 : i1 to i32
    %cond3A = arith.constant 0 : i32
    %cond3A_10 = arith.cmpi ne, %convert_element_type3A, %cond3A : i32
    scf.if %cond3A_10 {
      %mul3A_19 = arith.constant 128 : i32
      %mul3A_20 = arith.muli %arg1, %mul3A_19 : i32
      %multiple_of3A = tpu.assume_multiple %mul3A_20, 8 : i32
      %run_scoped3A = arith.constant 1 : i32
      "tpu.region"() ({
        %run_scoped3A_27 = tpu.sem_alloc : memref<!tpu.dma_semaphore, #tpu.memory_space<semaphore_mem>>
        %dma_start3A_28 = tpu.memref_slice %arg4[%run_scoped3A, %multiple_of3A] : memref<2x320000xi32, #tpu.memory_space<hbm>> -> memref<1x128xi32, #tpu.memory_space<hbm>>
        %dma_start3A_29 = tpu.memref_squeeze %dma_start3A_28 : memref<1x128xi32, #tpu.memory_space<hbm>> -> memref<128xi32, #tpu.memory_space<hbm>>
        %dma_start3A_30 = tpu.memref_slice %arg4[%run_scoped3A, %multiple_of3A] : memref<2x320000xi32, #tpu.memory_space<hbm>> -> memref<1x128xi32, #tpu.memory_space<hbm>>
        %dma_start3A_31 = tpu.memref_squeeze %dma_start3A_30 : memref<1x128xi32, #tpu.memory_space<hbm>> -> memref<128xi32, #tpu.memory_space<hbm>>
        tpu.enqueue_dma source(%dma_start3A_31 : memref<128xi32, #tpu.memory_space<hbm>>) target(%arg7 : memref<128xi32, #tpu.memory_space<vmem>>) target_semaphore(%run_scoped3A_27 : memref<!tpu.dma_semaphore, #tpu.memory_space<semaphore_mem>>)
        %dma_wait3A = tpu.memref_slice %arg4[%run_scoped3A, %multiple_of3A] : memref<2x320000xi32, #tpu.memory_space<hbm>> -> memref<1x128xi32, #tpu.memory_space<hbm>>
        %dma_wait3A_32 = tpu.memref_squeeze %dma_wait3A : memref<1x128xi32, #tpu.memory_space<hbm>> -> memref<128xi32, #tpu.memory_space<hbm>>
        %dma_wait3A_33 = tpu.memref_slice %arg4[%run_scoped3A, %multiple_of3A] : memref<2x320000xi32, #tpu.memory_space<hbm>> -> memref<1x128xi32, #tpu.memory_space<hbm>>
        %dma_wait3A_34 = tpu.memref_squeeze %dma_wait3A_33 : memref<1x128xi32, #tpu.memory_space<hbm>> -> memref<128xi32, #tpu.memory_space<hbm>>
        tpu.wait_dma2 semaphore(%run_scoped3A_27 : memref<!tpu.dma_semaphore, #tpu.memory_space<semaphore_mem>>) src(%dma_wait3A_34 : memref<128xi32, #tpu.memory_space<hbm>>) dst(%arg7 : memref<128xi32, #tpu.memory_space<vmem>>)
        tpu.yield
      }) : () -> ()
      %run_scoped3A_21 = arith.constant 0 : i32
      "tpu.region"() ({
        %run_scoped3A_27 = tpu.sem_alloc : memref<!tpu.dma_semaphore, #tpu.memory_space<semaphore_mem>>
        %dma_start3A_28 = tpu.memref_slice %arg4[%run_scoped3A_21, %multiple_of3A] : memref<2x320000xi32, #tpu.memory_space<hbm>> -> memref<1x128xi32, #tpu.memory_space<hbm>>
        %dma_start3A_29 = tpu.memref_squeeze %dma_start3A_28 : memref<1x128xi32, #tpu.memory_space<hbm>> -> memref<128xi32, #tpu.memory_space<hbm>>
        %dma_start3A_30 = tpu.memref_slice %arg4[%run_scoped3A_21, %multiple_of3A] : memref<2x320000xi32, #tpu.memory_space<hbm>> -> memref<1x128xi32, #tpu.memory_space<hbm>>
        %dma_start3A_31 = tpu.memref_squeeze %dma_start3A_30 : memref<1x128xi32, #tpu.memory_space<hbm>> -> memref<128xi32, #tpu.memory_space<hbm>>
        tpu.enqueue_dma source(%dma_start3A_31 : memref<128xi32, #tpu.memory_space<hbm>>) target(%arg9 : memref<128xi32, #tpu.memory_space<vmem>>) target_semaphore(%run_scoped3A_27 : memref<!tpu.dma_semaphore, #tpu.memory_space<semaphore_mem>>)
        %dma_wait3A = tpu.memref_slice %arg4[%run_scoped3A_21, %multiple_of3A] : memref<2x320000xi32, #tpu.memory_space<hbm>> -> memref<1x128xi32, #tpu.memory_space<hbm>>
        %dma_wait3A_32 = tpu.memref_squeeze %dma_wait3A : memref<1x128xi32, #tpu.memory_space<hbm>> -> memref<128xi32, #tpu.memory_space<hbm>>
        %dma_wait3A_33 = tpu.memref_slice %arg4[%run_scoped3A_21, %multiple_of3A] : memref<2x320000xi32, #tpu.memory_space<hbm>> -> memref<1x128xi32, #tpu.memory_space<hbm>>
        %dma_wait3A_34 = tpu.memref_squeeze %dma_wait3A_33 : memref<1x128xi32, #tpu.memory_space<hbm>> -> memref<128xi32, #tpu.memory_space<hbm>>
        tpu.wait_dma2 semaphore(%run_scoped3A_27 : memref<!tpu.dma_semaphore, #tpu.memory_space<semaphore_mem>>) src(%dma_wait3A_34 : memref<128xi32, #tpu.memory_space<hbm>>) dst(%arg9 : memref<128xi32, #tpu.memory_space<vmem>>)
        tpu.yield
      }) : () -> ()
      %dma_start3A = arith.constant 0 : i32
      %dma_start3A_22 = arith.constant 0 : i32
      %dma_start3A_23 = tpu.memref_slice %arg2[%dma_start3A, %dma_start3A_22] : memref<10000x128xf32, #tpu.memory_space<hbm>> -> memref<10000x128xf32, #tpu.memory_space<hbm>>
      tpu.enqueue_indirect_dma source(%dma_start3A_23 : memref<10000x128xf32, #tpu.memory_space<hbm>>) target(%arg12 : memref<128x128xf32, #tpu.memory_space<vmem>>) offsets(%arg7 : memref<128xi32, #tpu.memory_space<vmem>>) semaphore(%arg18 : memref<!tpu.dma_semaphore, #tpu.memory_space<semaphore_mem>>)
      %dma_start3A_24 = arith.constant 0 : i32
      %dma_start3A_25 = arith.constant 0 : i32
      %dma_start3A_26 = tpu.memref_slice %arg3[%dma_start3A_24, %dma_start3A_25] : memref<10000x128xf32, #tpu.memory_space<hbm>> -> memref<10000x128xf32, #tpu.memory_space<hbm>>
      tpu.enqueue_indirect_dma source(%dma_start3A_26 : memref<10000x128xf32, #tpu.memory_space<hbm>>) target(%arg14 : memref<128x128xf32, #tpu.memory_space<vmem>>) offsets(%arg9 : memref<128xi32, #tpu.memory_space<vmem>>) semaphore(%arg20 : memref<!tpu.dma_semaphore, #tpu.memory_space<semaphore_mem>>)
    } else {
    }
    %scan3A_11 = arith.constant 0 : i32
    %scan3A_12 = arith.constant 0 : i32
    %scan3A_13 = arith.constant 79 : i32
    %scan3A_14 = arith.addi %scan3A_12, %scan3A_13 : i32
    %scan3A_15 = arith.constant 1 : i32
    %scan3A_16 = scf.for %scan3A_19 = %scan3A_12 to %scan3A_14 step %scan3A_15 iter_args(%scan3A_20 = %scan3A_11) -> (i32)  : i32 {
      %mul3A_21 = arith.constant 2 : i32
      %mul3A_22 = arith.muli %mul3A_21, %scan3A_19 : i32
      %add3A = arith.constant 0 : i32
      %add3A_23 = arith.addi %mul3A_22, %add3A : i32
      %mul3A_24 = arith.constant 16 : i32
      %mul3A_25 = arith.muli %add3A_23, %mul3A_24 : i32
      %add3A_26 = arith.addi %mul3A_25, %arg1 : i32
      %add3A_27 = arith.constant 16 : i32
      %add3A_28 = arith.addi %add3A_26, %add3A_27 : i32
      %lt3A_29 = arith.constant 2500 : i32
      %lt3A_30 = arith.cmpi slt, %add3A_28, %lt3A_29 : i32
      %convert_element_type3A_31 = arith.extui %lt3A_30 : i1 to i32
      %cond3A_32 = arith.constant 0 : i32
      %cond3A_33 = arith.cmpi ne, %convert_element_type3A_31, %cond3A_32 : i32
      scf.if %cond3A_33 {
        %mul3A_59 = arith.constant 128 : i32
        %mul3A_60 = arith.muli %add3A_28, %mul3A_59 : i32
        %multiple_of3A = tpu.assume_multiple %mul3A_60, 8 : i32
        %run_scoped3A = arith.constant 1 : i32
        "tpu.region"() ({
          %run_scoped3A_67 = tpu.sem_alloc : memref<!tpu.dma_semaphore, #tpu.memory_space<semaphore_mem>>
          %dma_start3A_68 = tpu.memref_slice %arg4[%run_scoped3A, %multiple_of3A] : memref<2x320000xi32, #tpu.memory_space<hbm>> -> memref<1x128xi32, #tpu.memory_space<hbm>>
          %dma_start3A_69 = tpu.memref_squeeze %dma_start3A_68 : memref<1x128xi32, #tpu.memory_space<hbm>> -> memref<128xi32, #tpu.memory_space<hbm>>
          %dma_start3A_70 = tpu.memref_slice %arg4[%run_scoped3A, %multiple_of3A] : memref<2x320000xi32, #tpu.memory_space<hbm>> -> memref<1x128xi32, #tpu.memory_space<hbm>>
          %dma_start3A_71 = tpu.memref_squeeze %dma_start3A_70 : memref<1x128xi32, #tpu.memory_space<hbm>> -> memref<128xi32, #tpu.memory_space<hbm>>
          tpu.enqueue_dma source(%dma_start3A_71 : memref<128xi32, #tpu.memory_space<hbm>>) target(%arg8 : memref<128xi32, #tpu.memory_space<vmem>>) target_semaphore(%run_scoped3A_67 : memref<!tpu.dma_semaphore, #tpu.memory_space<semaphore_mem>>)
          %dma_wait3A = tpu.memref_slice %arg4[%run_scoped3A, %multiple_of3A] : memref<2x320000xi32, #tpu.memory_space<hbm>> -> memref<1x128xi32, #tpu.memory_space<hbm>>
          %dma_wait3A_72 = tpu.memref_squeeze %dma_wait3A : memref<1x128xi32, #tpu.memory_space<hbm>> -> memref<128xi32, #tpu.memory_space<hbm>>
          %dma_wait3A_73 = tpu.memref_slice %arg4[%run_scoped3A, %multiple_of3A] : memref<2x320000xi32, #tpu.memory_space<hbm>> -> memref<1x128xi32, #tpu.memory_space<hbm>>
          %dma_wait3A_74 = tpu.memref_squeeze %dma_wait3A_73 : memref<1x128xi32, #tpu.memory_space<hbm>> -> memref<128xi32, #tpu.memory_space<hbm>>
          tpu.wait_dma2 semaphore(%run_scoped3A_67 : memref<!tpu.dma_semaphore, #tpu.memory_space<semaphore_mem>>) src(%dma_wait3A_74 : memref<128xi32, #tpu.memory_space<hbm>>) dst(%arg8 : memref<128xi32, #tpu.memory_space<vmem>>)
          tpu.yield
        }) : () -> ()
        %run_scoped3A_61 = arith.constant 0 : i32
        "tpu.region"() ({
          %run_scoped3A_67 = tpu.sem_alloc : memref<!tpu.dma_semaphore, #tpu.memory_space<semaphore_mem>>
          %dma_start3A_68 = tpu.memref_slice %arg4[%run_scoped3A_61, %multiple_of3A] : memref<2x320000xi32, #tpu.memory_space<hbm>> -> memref<1x128xi32, #tpu.memory_space<hbm>>
          %dma_start3A_69 = tpu.memref_squeeze %dma_start3A_68 : memref<1x128xi32, #tpu.memory_space<hbm>> -> memref<128xi32, #tpu.memory_space<hbm>>
          %dma_start3A_70 = tpu.memref_slice %arg4[%run_scoped3A_61, %multiple_of3A] : memref<2x320000xi32, #tpu.memory_space<hbm>> -> memref<1x128xi32, #tpu.memory_space<hbm>>
          %dma_start3A_71 = tpu.memref_squeeze %dma_start3A_70 : memref<1x128xi32, #tpu.memory_space<hbm>> -> memref<128xi32, #tpu.memory_space<hbm>>
          tpu.enqueue_dma source(%dma_start3A_71 : memref<128xi32, #tpu.memory_space<hbm>>) target(%arg10 : memref<128xi32, #tpu.memory_space<vmem>>) target_semaphore(%run_scoped3A_67 : memref<!tpu.dma_semaphore, #tpu.memory_space<semaphore_mem>>)
          %dma_wait3A = tpu.memref_slice %arg4[%run_scoped3A_61, %multiple_of3A] : memref<2x320000xi32, #tpu.memory_space<hbm>> -> memref<1x128xi32, #tpu.memory_space<hbm>>
          %dma_wait3A_72 = tpu.memref_squeeze %dma_wait3A : memref<1x128xi32, #tpu.memory_space<hbm>> -> memref<128xi32, #tpu.memory_space<hbm>>
          %dma_wait3A_73 = tpu.memref_slice %arg4[%run_scoped3A_61, %multiple_of3A] : memref<2x320000xi32, #tpu.memory_space<hbm>> -> memref<1x128xi32, #tpu.memory_space<hbm>>
          %dma_wait3A_74 = tpu.memref_squeeze %dma_wait3A_73 : memref<1x128xi32, #tpu.memory_space<hbm>> -> memref<128xi32, #tpu.memory_space<hbm>>
          tpu.wait_dma2 semaphore(%run_scoped3A_67 : memref<!tpu.dma_semaphore, #tpu.memory_space<semaphore_mem>>) src(%dma_wait3A_74 : memref<128xi32, #tpu.memory_space<hbm>>) dst(%arg10 : memref<128xi32, #tpu.memory_space<vmem>>)
          tpu.yield
        }) : () -> ()
        %dma_start3A = arith.constant 0 : i32
        %dma_start3A_62 = arith.constant 0 : i32
        %dma_start3A_63 = tpu.memref_slice %arg2[%dma_start3A, %dma_start3A_62] : memref<10000x128xf32, #tpu.memory_space<hbm>> -> memref<10000x128xf32, #tpu.memory_space<hbm>>
        tpu.enqueue_indirect_dma source(%dma_start3A_63 : memref<10000x128xf32, #tpu.memory_space<hbm>>) target(%arg13 : memref<128x128xf32, #tpu.memory_space<vmem>>) offsets(%arg8 : memref<128xi32, #tpu.memory_space<vmem>>) semaphore(%arg19 : memref<!tpu.dma_semaphore, #tpu.memory_space<semaphore_mem>>)
        %dma_start3A_64 = arith.constant 0 : i32
        %dma_start3A_65 = arith.constant 0 : i32
        %dma_start3A_66 = tpu.memref_slice %arg3[%dma_start3A_64, %dma_start3A_65] : memref<10000x128xf32, #tpu.memory_space<hbm>> -> memref<10000x128xf32, #tpu.memory_space<hbm>>
        tpu.enqueue_indirect_dma source(%dma_start3A_66 : memref<10000x128xf32, #tpu.memory_space<hbm>>) target(%arg15 : memref<128x128xf32, #tpu.memory_space<vmem>>) offsets(%arg10 : memref<128xi32, #tpu.memory_space<vmem>>) semaphore(%arg21 : memref<!tpu.dma_semaphore, #tpu.memory_space<semaphore_mem>>)
      } else {
      }
      %lt3A_34 = arith.constant 2500 : i32
      %lt3A_35 = arith.cmpi slt, %add3A_26, %lt3A_34 : i32
      %convert_element_type3A_36 = arith.extui %lt3A_35 : i1 to i32
      %cond3A_37 = arith.constant 0 : i32
      %cond3A_38 = arith.cmpi ne, %convert_element_type3A_36, %cond3A_37 : i32
      scf.if %cond3A_38 {
        %dma_wait3A = arith.constant 0 : i32
        %dma_wait3A_59 = arith.constant 0 : i32
        %dma_wait3A_60 = tpu.memref_slice %arg2[%dma_wait3A, %dma_wait3A_59] : memref<10000x128xf32, #tpu.memory_space<hbm>> -> memref<10000x128xf32, #tpu.memory_space<hbm>>
        tpu.wait_indirect_dma semaphore(%arg18 : memref<!tpu.dma_semaphore, #tpu.memory_space<semaphore_mem>>) src(%dma_wait3A_60 : memref<10000x128xf32, #tpu.memory_space<hbm>>) dst(%arg12 : memref<128x128xf32, #tpu.memory_space<vmem>>)
        %dma_wait3A_61 = arith.constant 0 : i32
        %dma_wait3A_62 = arith.constant 0 : i32
        %dma_wait3A_63 = tpu.memref_slice %arg3[%dma_wait3A_61, %dma_wait3A_62] : memref<10000x128xf32, #tpu.memory_space<hbm>> -> memref<10000x128xf32, #tpu.memory_space<hbm>>
        tpu.wait_indirect_dma semaphore(%arg20 : memref<!tpu.dma_semaphore, #tpu.memory_space<semaphore_mem>>) src(%dma_wait3A_63 : memref<10000x128xf32, #tpu.memory_space<hbm>>) dst(%arg14 : memref<128x128xf32, #tpu.memory_space<vmem>>)
        %scan3A_64 = arith.constant 0 : i32
        %scan3A_65 = arith.constant 0 : i32
        %scan3A_66 = arith.constant 128 : i32
        %scan3A_67 = arith.addi %scan3A_65, %scan3A_66 : i32
        %scan3A_68 = arith.constant 1 : i32
        %scan3A_69 = scf.for %scan3A_215 = %scan3A_65 to %scan3A_67 step %scan3A_68 iter_args(%scan3A_216 = %scan3A_64) -> (i32)  : i32 {
          %get3A_217 = arith.index_cast %scan3A_215 : i32 to index
          %get3A_218 = arith.constant 0 : index
          %get3A_219 = tpu.vector_load %arg12[%get3A_217, %get3A_218] {strides = array<i32>} : memref<128x128xf32, #tpu.memory_space<vmem>>, vector<1x16xf32>,
          %get3A_220 = vector.shape_cast %get3A_219 : vector<1x16xf32> to vector<16xf32>
          %get3A_221 = arith.index_cast %scan3A_215 : i32 to index
          %get3A_222 = arith.constant 64 : index
          %get3A_223 = tpu.vector_load %arg14[%get3A_221, %get3A_222] {strides = array<i32>} : memref<128x128xf32, #tpu.memory_space<vmem>>, vector<1x16xf32>,
          %get3A_224 = vector.shape_cast %get3A_223 : vector<1x16xf32> to vector<16xf32>
          %add3A_225 = arith.addf %get3A_220, %get3A_224 : vector<16xf32>
          %max3A = arith.constant 0.000000e+00 : f32
          %max3A_226 = vector.broadcast %max3A : f32 to vector<16xf32>
          %max3A_227 = arith.maximumf %add3A_225, %max3A_226 : vector<16xf32>
          %swap3A_228 = arith.index_cast %scan3A_215 : i32 to index
          %swap3A_229 = arith.constant 0 : index
          %swap3A_230 = tpu.vector_load %arg16[%swap3A_228, %swap3A_229] {strides = array<i32>} : memref<128x128xf32, #tpu.memory_space<vmem>>, vector<1x16xf32>,
          %swap3A_231 = vector.shape_cast %swap3A_230 : vector<1x16xf32> to vector<16xf32>
          %swap3A_232 = vector.shape_cast %max3A_227 : vector<16xf32> to vector<1x16xf32>
          tpu.vector_store %arg16[%swap3A_228, %swap3A_229], %swap3A_232 {strides = array<i32>} : memref<128x128xf32, #tpu.memory_space<vmem>>, vector<1x16xf32>,
          %get3A_233 = arith.index_cast %scan3A_215 : i32 to index
          %get3A_234 = arith.constant 16 : index
          %get3A_235 = tpu.vector_load %arg12[%get3A_233, %get3A_234] {strides = array<i32>} : memref<128x128xf32, #tpu.memory_space<vmem>>, vector<1x16xf32>,
          %get3A_236 = vector.shape_cast %get3A_235 : vector<1x16xf32> to vector<16xf32>
          %get3A_237 = arith.index_cast %scan3A_215 : i32 to index
          %get3A_238 = arith.constant 80 : index
          %get3A_239 = tpu.vector_load %arg14[%get3A_237, %get3A_238] {strides = array<i32>} : memref<128x128xf32, #tpu.memory_space<vmem>>, vector<1x16xf32>,
          %get3A_240 = vector.shape_cast %get3A_239 : vector<1x16xf32> to vector<16xf32>
          %add3A_241 = arith.addf %get3A_236, %get3A_240 : vector<16xf32>
          %max3A_242 = arith.constant 0.000000e+00 : f32
          %max3A_243 = vector.broadcast %max3A_242 : f32 to vector<16xf32>
          %max3A_244 = arith.maximumf %add3A_241, %max3A_243 : vector<16xf32>
          %swap3A_245 = arith.index_cast %scan3A_215 : i32 to index
          %swap3A_246 = arith.constant 16 : index
          %swap3A_247 = tpu.vector_load %arg16[%swap3A_245, %swap3A_246] {strides = array<i32>} : memref<128x128xf32, #tpu.memory_space<vmem>>, vector<1x16xf32>,
          %swap3A_248 = vector.shape_cast %swap3A_247 : vector<1x16xf32> to vector<16xf32>
          %swap3A_249 = vector.shape_cast %max3A_244 : vector<16xf32> to vector<1x16xf32>
          tpu.vector_store %arg16[%swap3A_245, %swap3A_246], %swap3A_249 {strides = array<i32>} : memref<128x128xf32, #tpu.memory_space<vmem>>, vector<1x16xf32>,
          %get3A_250 = arith.index_cast %scan3A_215 : i32 to index
          %get3A_251 = arith.constant 32 : index
          %get3A_252 = tpu.vector_load %arg12[%get3A_250, %get3A_251] {strides = array<i32>} : memref<128x128xf32, #tpu.memory_space<vmem>>, vector<1x16xf32>,
          %get3A_253 = vector.shape_cast %get3A_252 : vector<1x16xf32> to vector<16xf32>
          %get3A_254 = arith.index_cast %scan3A_215 : i32 to index
          %get3A_255 = arith.constant 96 : index
          %get3A_256 = tpu.vector_load %arg14[%get3A_254, %get3A_255] {strides = array<i32>} : memref<128x128xf32, #tpu.memory_space<vmem>>, vector<1x16xf32>,
          %get3A_257 = vector.shape_cast %get3A_256 : vector<1x16xf32> to vector<16xf32>
          %add3A_258 = arith.addf %get3A_253, %get3A_257 : vector<16xf32>
          %max3A_259 = arith.constant 0.000000e+00 : f32
          %max3A_260 = vector.broadcast %max3A_259 : f32 to vector<16xf32>
          %max3A_261 = arith.maximumf %add3A_258, %max3A_260 : vector<16xf32>
          %swap3A_262 = arith.index_cast %scan3A_215 : i32 to index
          %swap3A_263 = arith.constant 32 : index
          %swap3A_264 = tpu.vector_load %arg16[%swap3A_262, %swap3A_263] {strides = array<i32>} : memref<128x128xf32, #tpu.memory_space<vmem>>, vector<1x16xf32>,
          %swap3A_265 = vector.shape_cast %swap3A_264 : vector<1x16xf32> to vector<16xf32>
          %swap3A_266 = vector.shape_cast %max3A_261 : vector<16xf32> to vector<1x16xf32>
          tpu.vector_store %arg16[%swap3A_262, %swap3A_263], %swap3A_266 {strides = array<i32>} : memref<128x128xf32, #tpu.memory_space<vmem>>, vector<1x16xf32>,
          %get3A_267 = arith.index_cast %scan3A_215 : i32 to index
          %get3A_268 = arith.constant 48 : index
          %get3A_269 = tpu.vector_load %arg12[%get3A_267, %get3A_268] {strides = array<i32>} : memref<128x128xf32, #tpu.memory_space<vmem>>, vector<1x16xf32>,
          %get3A_270 = vector.shape_cast %get3A_269 : vector<1x16xf32> to vector<16xf32>
          %get3A_271 = arith.index_cast %scan3A_215 : i32 to index
          %get3A_272 = arith.constant 112 : index
          %get3A_273 = tpu.vector_load %arg14[%get3A_271, %get3A_272] {strides = array<i32>} : memref<128x128xf32, #tpu.memory_space<vmem>>, vector<1x16xf32>,
          %get3A_274 = vector.shape_cast %get3A_273 : vector<1x16xf32> to vector<16xf32>
          %add3A_275 = arith.addf %get3A_270, %get3A_274 : vector<16xf32>
          %max3A_276 = arith.constant 0.000000e+00 : f32
          %max3A_277 = vector.broadcast %max3A_276 : f32 to vector<16xf32>
          %max3A_278 = arith.maximumf %add3A_275, %max3A_277 : vector<16xf32>
          %swap3A_279 = arith.index_cast %scan3A_215 : i32 to index
          %swap3A_280 = arith.constant 48 : index
          %swap3A_281 = tpu.vector_load %arg16[%swap3A_279, %swap3A_280] {strides = array<i32>} : memref<128x128xf32, #tpu.memory_space<vmem>>, vector<1x16xf32>,
          %swap3A_282 = vector.shape_cast %swap3A_281 : vector<1x16xf32> to vector<16xf32>
          %swap3A_283 = vector.shape_cast %max3A_278 : vector<16xf32> to vector<1x16xf32>
          tpu.vector_store %arg16[%swap3A_279, %swap3A_280], %swap3A_283 {strides = array<i32>} : memref<128x128xf32, #tpu.memory_space<vmem>>, vector<1x16xf32>,
          %scan3A_284 = arith.constant 0 : i32
          scf.yield %scan3A_284 : i32
        }
        %scan3A_70 = arith.constant 128 : i32
        %get3A = arith.constant 0 : index
        %get3A_71 = tpu.vector_load %arg7[%get3A] {strides = array<i32>} : memref<128xi32, #tpu.memory_space<vmem>>, vector<16xi32>,
        %get3A_72 = vector.shape_cast %get3A_71 : vector<16xi32> to vector<16xi32>
        %sub3A = vector.broadcast %mul3A_8 : i32 to vector<16xi32>
        %sub3A_73 = arith.subi %get3A_72, %sub3A : vector<16xi32>
        %ge3A = arith.constant 0 : i32
        %ge3A_74 = vector.broadcast %ge3A : i32 to vector<16xi32>
        %ge3A_75 = arith.cmpi sge, %sub3A_73, %ge3A_74 : vector<16xi32>
        %lt3A_76 = arith.constant 5120 : i32
        %lt3A_77 = vector.broadcast %lt3A_76 : i32 to vector<16xi32>
        %lt3A_78 = arith.cmpi slt, %sub3A_73, %lt3A_77 : vector<16xi32>
        %and3A = arith.andi %ge3A_75, %lt3A_78 : vector<16xi1>
        %jit3A = arith.constant 5120 : i32
        %broadcast_in_dim3A = vector.broadcast %jit3A : i32 to vector<16xi32>
        %select_n3A = arith.select %and3A, %sub3A_73, %broadcast_in_dim3A : vector<16xi1>, vector<16xi32>
        %swap3A = arith.constant 0 : index
        %swap3A_79 = tpu.vector_load %arg11[%swap3A] {strides = array<i32>} : memref<128xi32, #tpu.memory_space<vmem>>, vector<16xi32>,
        %swap3A_80 = vector.shape_cast %swap3A_79 : vector<16xi32> to vector<16xi32>
        %swap3A_81 = vector.shape_cast %select_n3A : vector<16xi32> to vector<16xi32>
        tpu.vector_store %arg11[%swap3A], %swap3A_81 {strides = array<i32>} : memref<128xi32, #tpu.memory_space<vmem>>, vector<16xi32>,
        %get3A_82 = arith.constant 16 : index
        %get3A_83 = tpu.vector_load %arg7[%get3A_82] {strides = array<i32>} : memref<128xi32, #tpu.memory_space<vmem>>, vector<16xi32>,
        %get3A_84 = vector.shape_cast %get3A_83 : vector<16xi32> to vector<16xi32>
        %sub3A_85 = vector.broadcast %mul3A_8 : i32 to vector<16xi32>
        %sub3A_86 = arith.subi %get3A_84, %sub3A_85 : vector<16xi32>
        %ge3A_87 = arith.constant 0 : i32
        %ge3A_88 = vector.broadcast %ge3A_87 : i32 to vector<16xi32>
        %ge3A_89 = arith.cmpi sge, %sub3A_86, %ge3A_88 : vector<16xi32>
        %lt3A_90 = arith.constant 5120 : i32
        %lt3A_91 = vector.broadcast %lt3A_90 : i32 to vector<16xi32>
        %lt3A_92 = arith.cmpi slt, %sub3A_86, %lt3A_91 : vector<16xi32>
        %and3A_93 = arith.andi %ge3A_89, %lt3A_92 : vector<16xi1>
        %jit3A_94 = arith.constant 5120 : i32
        %broadcast_in_dim3A_95 = vector.broadcast %jit3A_94 : i32 to vector<16xi32>
        %select_n3A_96 = arith.select %and3A_93, %sub3A_86, %broadcast_in_dim3A_95 : vector<16xi1>, vector<16xi32>
        %swap3A_97 = arith.constant 16 : index
        %swap3A_98 = tpu.vector_load %arg11[%swap3A_97] {strides = array<i32>} : memref<128xi32, #tpu.memory_space<vmem>>, vector<16xi32>,
        %swap3A_99 = vector.shape_cast %swap3A_98 : vector<16xi32> to vector<16xi32>
        %swap3A_100 = vector.shape_cast %select_n3A_96 : vector<16xi32> to vector<16xi32>
        tpu.vector_store %arg11[%swap3A_97], %swap3A_100 {strides = array<i32>} : memref<128xi32, #tpu.memory_space<vmem>>, vector<16xi32>,
        %get3A_101 = arith.constant 32 : index
        %get3A_102 = tpu.vector_load %arg7[%get3A_101] {strides = array<i32>} : memref<128xi32, #tpu.memory_space<vmem>>, vector<16xi32>,
        %get3A_103 = vector.shape_cast %get3A_102 : vector<16xi32> to vector<16xi32>
        %sub3A_104 = vector.broadcast %mul3A_8 : i32 to vector<16xi32>
        %sub3A_105 = arith.subi %get3A_103, %sub3A_104 : vector<16xi32>
        %ge3A_106 = arith.constant 0 : i32
        %ge3A_107 = vector.broadcast %ge3A_106 : i32 to vector<16xi32>
        %ge3A_108 = arith.cmpi sge, %sub3A_105, %ge3A_107 : vector<16xi32>
        %lt3A_109 = arith.constant 5120 : i32
        %lt3A_110 = vector.broadcast %lt3A_109 : i32 to vector<16xi32>
        %lt3A_111 = arith.cmpi slt, %sub3A_105, %lt3A_110 : vector<16xi32>
        %and3A_112 = arith.andi %ge3A_108, %lt3A_111 : vector<16xi1>
        %jit3A_113 = arith.constant 5120 : i32
        %broadcast_in_dim3A_114 = vector.broadcast %jit3A_113 : i32 to vector<16xi32>
        %select_n3A_115 = arith.select %and3A_112, %sub3A_105, %broadcast_in_dim3A_114 : vector<16xi1>, vector<16xi32>
        %swap3A_116 = arith.constant 32 : index
        %swap3A_117 = tpu.vector_load %arg11[%swap3A_116] {strides = array<i32>} : memref<128xi32, #tpu.memory_space<vmem>>, vector<16xi32>,
        %swap3A_118 = vector.shape_cast %swap3A_117 : vector<16xi32> to vector<16xi32>
        %swap3A_119 = vector.shape_cast %select_n3A_115 : vector<16xi32> to vector<16xi32>
        tpu.vector_store %arg11[%swap3A_116], %swap3A_119 {strides = array<i32>} : memref<128xi32, #tpu.memory_space<vmem>>, vector<16xi32>,
        %get3A_120 = arith.constant 48 : index
        %get3A_121 = tpu.vector_load %arg7[%get3A_120] {strides = array<i32>} : memref<128xi32, #tpu.memory_space<vmem>>, vector<16xi32>,
        %get3A_122 = vector.shape_cast %get3A_121 : vector<16xi32> to vector<16xi32>
        %sub3A_123 = vector.broadcast %mul3A_8 : i32 to vector<16xi32>
        %sub3A_124 = arith.subi %get3A_122, %sub3A_123 : vector<16xi32>
        %ge3A_125 = arith.constant 0 : i32
        %ge3A_126 = vector.broadcast %ge3A_125 : i32 to vector<16xi32>
        %ge3A_127 = arith.cmpi sge, %sub3A_124, %ge3A_126 : vector<16xi32>
        %lt3A_128 = arith.constant 5120 : i32
        %lt3A_129 = vector.broadcast %lt3A_128 : i32 to vector<16xi32>
        %lt3A_130 = arith.cmpi slt, %sub3A_124, %lt3A_129 : vector<16xi32>
        %and3A_131 = arith.andi %ge3A_127, %lt3A_130 : vector<16xi1>
        %jit3A_132 = arith.constant 5120 : i32
        %broadcast_in_dim3A_133 = vector.broadcast %jit3A_132 : i32 to vector<16xi32>
        %select_n3A_134 = arith.select %and3A_131, %sub3A_124, %broadcast_in_dim3A_133 : vector<16xi1>, vector<16xi32>
        %swap3A_135 = arith.constant 48 : index
        %swap3A_136 = tpu.vector_load %arg11[%swap3A_135] {strides = array<i32>} : memref<128xi32, #tpu.memory_space<vmem>>, vector<16xi32>,
        %swap3A_137 = vector.shape_cast %swap3A_136 : vector<16xi32> to vector<16xi32>
        %swap3A_138 = vector.shape_cast %select_n3A_134 : vector<16xi32> to vector<16xi32>
        tpu.vector_store %arg11[%swap3A_135], %swap3A_138 {strides = array<i32>} : memref<128xi32, #tpu.memory_space<vmem>>, vector<16xi32>,
        %get3A_139 = arith.constant 64 : index
        %get3A_140 = tpu.vector_load %arg7[%get3A_139] {strides = array<i32>} : memref<128xi32, #tpu.memory_space<vmem>>, vector<16xi32>,
        %get3A_141 = vector.shape_cast %get3A_140 : vector<16xi32> to vector<16xi32>
        %sub3A_142 = vector.broadcast %mul3A_8 : i32 to vector<16xi32>
        %sub3A_143 = arith.subi %get3A_141, %sub3A_142 : vector<16xi32>
        %ge3A_144 = arith.constant 0 : i32
        %ge3A_145 = vector.broadcast %ge3A_144 : i32 to vector<16xi32>
        %ge3A_146 = arith.cmpi sge, %sub3A_143, %ge3A_145 : vector<16xi32>
        %lt3A_147 = arith.constant 5120 : i32
        %lt3A_148 = vector.broadcast %lt3A_147 : i32 to vector<16xi32>
        %lt3A_149 = arith.cmpi slt, %sub3A_143, %lt3A_148 : vector<16xi32>
        %and3A_150 = arith.andi %ge3A_146, %lt3A_149 : vector<16xi1>
        %jit3A_151 = arith.constant 5120 : i32
        %broadcast_in_dim3A_152 = vector.broadcast %jit3A_151 : i32 to vector<16xi32>
        %select_n3A_153 = arith.select %and3A_150, %sub3A_143, %broadcast_in_dim3A_152 : vector<16xi1>, vector<16xi32>
        %swap3A_154 = arith.constant 64 : index
        %swap3A_155 = tpu.vector_load %arg11[%swap3A_154] {strides = array<i32>} : memref<128xi32, #tpu.memory_space<vmem>>, vector<16xi32>,
        %swap3A_156 = vector.shape_cast %swap3A_155 : vector<16xi32> to vector<16xi32>
        %swap3A_157 = vector.shape_cast %select_n3A_153 : vector<16xi32> to vector<16xi32>
        tpu.vector_store %arg11[%swap3A_154], %swap3A_157 {strides = array<i32>} : memref<128xi32, #tpu.memory_space<vmem>>, vector<16xi32>,
        %get3A_158 = arith.constant 80 : index
        %get3A_159 = tpu.vector_load %arg7[%get3A_158] {strides = array<i32>} : memref<128xi32, #tpu.memory_space<vmem>>, vector<16xi32>,
        %get3A_160 = vector.shape_cast %get3A_159 : vector<16xi32> to vector<16xi32>
        %sub3A_161 = vector.broadcast %mul3A_8 : i32 to vector<16xi32>
        %sub3A_162 = arith.subi %get3A_160, %sub3A_161 : vector<16xi32>
        %ge3A_163 = arith.constant 0 : i32
        %ge3A_164 = vector.broadcast %ge3A_163 : i32 to vector<16xi32>
        %ge3A_165 = arith.cmpi sge, %sub3A_162, %ge3A_164 : vector<16xi32>
        %lt3A_166 = arith.constant 5120 : i32
        %lt3A_167 = vector.broadcast %lt3A_166 : i32 to vector<16xi32>
        %lt3A_168 = arith.cmpi slt, %sub3A_162, %lt3A_167 : vector<16xi32>
        %and3A_169 = arith.andi %ge3A_165, %lt3A_168 : vector<16xi1>
        %jit3A_170 = arith.constant 5120 : i32
        %broadcast_in_dim3A_171 = vector.broadcast %jit3A_170 : i32 to vector<16xi32>
        %select_n3A_172 = arith.select %and3A_169, %sub3A_162, %broadcast_in_dim3A_171 : vector<16xi1>, vector<16xi32>
        %swap3A_173 = arith.constant 80 : index
        %swap3A_174 = tpu.vector_load %arg11[%swap3A_173] {strides = array<i32>} : memref<128xi32, #tpu.memory_space<vmem>>, vector<16xi32>,
        %swap3A_175 = vector.shape_cast %swap3A_174 : vector<16xi32> to vector<16xi32>
        %swap3A_176 = vector.shape_cast %select_n3A_172 : vector<16xi32> to vector<16xi32>
        tpu.vector_store %arg11[%swap3A_173], %swap3A_176 {strides = array<i32>} : memref<128xi32, #tpu.memory_space<vmem>>, vector<16xi32>,
        %get3A_177 = arith.constant 96 : index
        %get3A_178 = tpu.vector_load %arg7[%get3A_177] {strides = array<i32>} : memref<128xi32, #tpu.memory_space<vmem>>, vector<16xi32>,
        %get3A_179 = vector.shape_cast %get3A_178 : vector<16xi32> to vector<16xi32>
        %sub3A_180 = vector.broadcast %mul3A_8 : i32 to vector<16xi32>
        %sub3A_181 = arith.subi %get3A_179, %sub3A_180 : vector<16xi32>
        %ge3A_182 = arith.constant 0 : i32
        %ge3A_183 = vector.broadcast %ge3A_182 : i32 to vector<16xi32>
        %ge3A_184 = arith.cmpi sge, %sub3A_181, %ge3A_183 : vector<16xi32>
        %lt3A_185 = arith.constant 5120 : i32
        %lt3A_186 = vector.broadcast %lt3A_185 : i32 to vector<16xi32>
        %lt3A_187 = arith.cmpi slt, %sub3A_181, %lt3A_186 : vector<16xi32>
        %and3A_188 = arith.andi %ge3A_184, %lt3A_187 : vector<16xi1>
        %jit3A_189 = arith.constant 5120 : i32
        %broadcast_in_dim3A_190 = vector.broadcast %jit3A_189 : i32 to vector<16xi32>
        %select_n3A_191 = arith.select %and3A_188, %sub3A_181, %broadcast_in_dim3A_190 : vector<16xi1>, vector<16xi32>
        %swap3A_192 = arith.constant 96 : index
        %swap3A_193 = tpu.vector_load %arg11[%swap3A_192] {strides = array<i32>} : memref<128xi32, #tpu.memory_space<vmem>>, vector<16xi32>,
        %swap3A_194 = vector.shape_cast %swap3A_193 : vector<16xi32> to vector<16xi32>
        %swap3A_195 = vector.shape_cast %select_n3A_191 : vector<16xi32> to vector<16xi32>
        tpu.vector_store %arg11[%swap3A_192], %swap3A_195 {strides = array<i32>} : memref<128xi32, #tpu.memory_space<vmem>>, vector<16xi32>,
        %get3A_196 = arith.constant 112 : index
        %get3A_197 = tpu.vector_load %arg7[%get3A_196] {strides = array<i32>} : memref<128xi32, #tpu.memory_space<vmem>>, vector<16xi32>,
        %get3A_198 = vector.shape_cast %get3A_197 : vector<16xi32> to vector<16xi32>
        %sub3A_199 = vector.broadcast %mul3A_8 : i32 to vector<16xi32>
        %sub3A_200 = arith.subi %get3A_198, %sub3A_199 : vector<16xi32>
        %ge3A_201 = arith.constant 0 : i32
        %ge3A_202 = vector.broadcast %ge3A_201 : i32 to vector<16xi32>
        %ge3A_203 = arith.cmpi sge, %sub3A_200, %ge3A_202 : vector<16xi32>
        %lt3A_204 = arith.constant 5120 : i32
        %lt3A_205 = vector.broadcast %lt3A_204 : i32 to vector<16xi32>
        %lt3A_206 = arith.cmpi slt, %sub3A_200, %lt3A_205 : vector<16xi32>
        %and3A_207 = arith.andi %ge3A_203, %lt3A_206 : vector<16xi1>
        %jit3A_208 = arith.constant 5120 : i32
        %broadcast_in_dim3A_209 = vector.broadcast %jit3A_208 : i32 to vector<16xi32>
        %select_n3A_210 = arith.select %and3A_207, %sub3A_200, %broadcast_in_dim3A_209 : vector<16xi1>, vector<16xi32>
        %swap3A_211 = arith.constant 112 : index
        %swap3A_212 = tpu.vector_load %arg11[%swap3A_211] {strides = array<i32>} : memref<128xi32, #tpu.memory_space<vmem>>, vector<16xi32>,
        %swap3A_213 = vector.shape_cast %swap3A_212 : vector<16xi32> to vector<16xi32>
        %swap3A_214 = vector.shape_cast %select_n3A_210 : vector<16xi32> to vector<16xi32>
        tpu.vector_store %arg11[%swap3A_211], %swap3A_214 {strides = array<i32>} : memref<128xi32, #tpu.memory_space<vmem>>, vector<16xi32>,
        "tpu.region"() ({
          %run_scoped3A = tpu.sem_alloc : memref<!tpu.dma_semaphore, #tpu.memory_space<semaphore_mem>>
          %dma_start3A = arith.constant 0 : i32
          %dma_start3A_215 = arith.constant 0 : i32
          %dma_start3A_216 = tpu.memref_slice %arg17[%dma_start3A, %dma_start3A_215] : memref<5248x128xf32, #tpu.memory_space<vmem_shared>> -> memref<5248x128xf32, #tpu.memory_space<vmem_shared>>
          tpu.enqueue_indirect_dma source(%arg16 : memref<128x128xf32, #tpu.memory_space<vmem>>) target(%dma_start3A_216 : memref<5248x128xf32, #tpu.memory_space<vmem_shared>>) offsets(%arg11 : memref<128xi32, #tpu.memory_space<vmem>>) semaphore(%run_scoped3A : memref<!tpu.dma_semaphore, #tpu.memory_space<semaphore_mem>>) {add = true}
          %dma_wait3A_217 = arith.constant 0 : i32
          %dma_wait3A_218 = arith.constant 0 : i32
          %dma_wait3A_219 = tpu.memref_slice %arg17[%dma_wait3A_217, %dma_wait3A_218] : memref<5248x128xf32, #tpu.memory_space<vmem_shared>> -> memref<5248x128xf32, #tpu.memory_space<vmem_shared>>
          tpu.wait_indirect_dma semaphore(%run_scoped3A : memref<!tpu.dma_semaphore, #tpu.memory_space<semaphore_mem>>) src(%arg16 : memref<128x128xf32, #tpu.memory_space<vmem>>) dst(%dma_wait3A_219 : memref<5248x128xf32, #tpu.memory_space<vmem_shared>>)
          tpu.yield
        }) : () -> ()
      } else {
      }
      %mul3A_39 = arith.constant 2 : i32
      %mul3A_40 = arith.muli %mul3A_39, %scan3A_19 : i32
      %add3A_41 = arith.constant 1 : i32
      %add3A_42 = arith.addi %mul3A_40, %add3A_41 : i32
      %mul3A_43 = arith.constant 16 : i32
      %mul3A_44 = arith.muli %add3A_42, %mul3A_43 : i32
      %add3A_45 = arith.addi %mul3A_44, %arg1 : i32
      %add3A_46 = arith.constant 16 : i32
      %add3A_47 = arith.addi %add3A_45, %add3A_46 : i32
      %lt3A_48 = arith.constant 2500 : i32
      %lt3A_49 = arith.cmpi slt, %add3A_47, %lt3A_48 : i32
      %convert_element_type3A_50 = arith.extui %lt3A_49 : i1 to i32
      %cond3A_51 = arith.constant 0 : i32
      %cond3A_52 = arith.cmpi ne, %convert_element_type3A_50, %cond3A_51 : i32
      scf.if %cond3A_52 {
        %mul3A_59 = arith.constant 128 : i32
        %mul3A_60 = arith.muli %add3A_47, %mul3A_59 : i32
        %multiple_of3A = tpu.assume_multiple %mul3A_60, 8 : i32
        %run_scoped3A = arith.constant 1 : i32
        "tpu.region"() ({
          %run_scoped3A_67 = tpu.sem_alloc : memref<!tpu.dma_semaphore, #tpu.memory_space<semaphore_mem>>
          %dma_start3A_68 = tpu.memref_slice %arg4[%run_scoped3A, %multiple_of3A] : memref<2x320000xi32, #tpu.memory_space<hbm>> -> memref<1x128xi32, #tpu.memory_space<hbm>>
          %dma_start3A_69 = tpu.memref_squeeze %dma_start3A_68 : memref<1x128xi32, #tpu.memory_space<hbm>> -> memref<128xi32, #tpu.memory_space<hbm>>
          %dma_start3A_70 = tpu.memref_slice %arg4[%run_scoped3A, %multiple_of3A] : memref<2x320000xi32, #tpu.memory_space<hbm>> -> memref<1x128xi32, #tpu.memory_space<hbm>>
          %dma_start3A_71 = tpu.memref_squeeze %dma_start3A_70 : memref<1x128xi32, #tpu.memory_space<hbm>> -> memref<128xi32, #tpu.memory_space<hbm>>
          tpu.enqueue_dma source(%dma_start3A_71 : memref<128xi32, #tpu.memory_space<hbm>>) target(%arg7 : memref<128xi32, #tpu.memory_space<vmem>>) target_semaphore(%run_scoped3A_67 : memref<!tpu.dma_semaphore, #tpu.memory_space<semaphore_mem>>)
          %dma_wait3A = tpu.memref_slice %arg4[%run_scoped3A, %multiple_of3A] : memref<2x320000xi32, #tpu.memory_space<hbm>> -> memref<1x128xi32, #tpu.memory_space<hbm>>
          %dma_wait3A_72 = tpu.memref_squeeze %dma_wait3A : memref<1x128xi32, #tpu.memory_space<hbm>> -> memref<128xi32, #tpu.memory_space<hbm>>
          %dma_wait3A_73 = tpu.memref_slice %arg4[%run_scoped3A, %multiple_of3A] : memref<2x320000xi32, #tpu.memory_space<hbm>> -> memref<1x128xi32, #tpu.memory_space<hbm>>
          %dma_wait3A_74 = tpu.memref_squeeze %dma_wait3A_73 : memref<1x128xi32, #tpu.memory_space<hbm>> -> memref<128xi32, #tpu.memory_space<hbm>>
          tpu.wait_dma2 semaphore(%run_scoped3A_67 : memref<!tpu.dma_semaphore, #tpu.memory_space<semaphore_mem>>) src(%dma_wait3A_74 : memref<128xi32, #tpu.memory_space<hbm>>) dst(%arg7 : memref<128xi32, #tpu.memory_space<vmem>>)
          tpu.yield
        }) : () -> ()
        %run_scoped3A_61 = arith.constant 0 : i32
        "tpu.region"() ({
          %run_scoped3A_67 = tpu.sem_alloc : memref<!tpu.dma_semaphore, #tpu.memory_space<semaphore_mem>>
          %dma_start3A_68 = tpu.memref_slice %arg4[%run_scoped3A_61, %multiple_of3A] : memref<2x320000xi32, #tpu.memory_space<hbm>> -> memref<1x128xi32, #tpu.memory_space<hbm>>
          %dma_start3A_69 = tpu.memref_squeeze %dma_start3A_68 : memref<1x128xi32, #tpu.memory_space<hbm>> -> memref<128xi32, #tpu.memory_space<hbm>>
          %dma_start3A_70 = tpu.memref_slice %arg4[%run_scoped3A_61, %multiple_of3A] : memref<2x320000xi32, #tpu.memory_space<hbm>> -> memref<1x128xi32, #tpu.memory_space<hbm>>
          %dma_start3A_71 = tpu.memref_squeeze %dma_start3A_70 : memref<1x128xi32, #tpu.memory_space<hbm>> -> memref<128xi32, #tpu.memory_space<hbm>>
          tpu.enqueue_dma source(%dma_start3A_71 : memref<128xi32, #tpu.memory_space<hbm>>) target(%arg9 : memref<128xi32, #tpu.memory_space<vmem>>) target_semaphore(%run_scoped3A_67 : memref<!tpu.dma_semaphore, #tpu.memory_space<semaphore_mem>>)
          %dma_wait3A = tpu.memref_slice %arg4[%run_scoped3A_61, %multiple_of3A] : memref<2x320000xi32, #tpu.memory_space<hbm>> -> memref<1x128xi32, #tpu.memory_space<hbm>>
          %dma_wait3A_72 = tpu.memref_squeeze %dma_wait3A : memref<1x128xi32, #tpu.memory_space<hbm>> -> memref<128xi32, #tpu.memory_space<hbm>>
          %dma_wait3A_73 = tpu.memref_slice %arg4[%run_scoped3A_61, %multiple_of3A] : memref<2x320000xi32, #tpu.memory_space<hbm>> -> memref<1x128xi32, #tpu.memory_space<hbm>>
          %dma_wait3A_74 = tpu.memref_squeeze %dma_wait3A_73 : memref<1x128xi32, #tpu.memory_space<hbm>> -> memref<128xi32, #tpu.memory_space<hbm>>
          tpu.wait_dma2 semaphore(%run_scoped3A_67 : memref<!tpu.dma_semaphore, #tpu.memory_space<semaphore_mem>>) src(%dma_wait3A_74 : memref<128xi32, #tpu.memory_space<hbm>>) dst(%arg9 : memref<128xi32, #tpu.memory_space<vmem>>)
          tpu.yield
        }) : () -> ()
        %dma_start3A = arith.constant 0 : i32
        %dma_start3A_62 = arith.constant 0 : i32
        %dma_start3A_63 = tpu.memref_slice %arg2[%dma_start3A, %dma_start3A_62] : memref<10000x128xf32, #tpu.memory_space<hbm>> -> memref<10000x128xf32, #tpu.memory_space<hbm>>
        tpu.enqueue_indirect_dma source(%dma_start3A_63 : memref<10000x128xf32, #tpu.memory_space<hbm>>) target(%arg12 : memref<128x128xf32, #tpu.memory_space<vmem>>) offsets(%arg7 : memref<128xi32, #tpu.memory_space<vmem>>) semaphore(%arg18 : memref<!tpu.dma_semaphore, #tpu.memory_space<semaphore_mem>>)
        %dma_start3A_64 = arith.constant 0 : i32
        %dma_start3A_65 = arith.constant 0 : i32
        %dma_start3A_66 = tpu.memref_slice %arg3[%dma_start3A_64, %dma_start3A_65] : memref<10000x128xf32, #tpu.memory_space<hbm>> -> memref<10000x128xf32, #tpu.memory_space<hbm>>
        tpu.enqueue_indirect_dma source(%dma_start3A_66 : memref<10000x128xf32, #tpu.memory_space<hbm>>) target(%arg14 : memref<128x128xf32, #tpu.memory_space<vmem>>) offsets(%arg9 : memref<128xi32, #tpu.memory_space<vmem>>) semaphore(%arg20 : memref<!tpu.dma_semaphore, #tpu.memory_space<semaphore_mem>>)
      } else {
      }
      %lt3A_53 = arith.constant 2500 : i32
      %lt3A_54 = arith.cmpi slt, %add3A_45, %lt3A_53 : i32
      %convert_element_type3A_55 = arith.extui %lt3A_54 : i1 to i32
      %cond3A_56 = arith.constant 0 : i32
      %cond3A_57 = arith.cmpi ne, %convert_element_type3A_55, %cond3A_56 : i32
      scf.if %cond3A_57 {
        %dma_wait3A = arith.constant 0 : i32
        %dma_wait3A_59 = arith.constant 0 : i32
        %dma_wait3A_60 = tpu.memref_slice %arg2[%dma_wait3A, %dma_wait3A_59] : memref<10000x128xf32, #tpu.memory_space<hbm>> -> memref<10000x128xf32, #tpu.memory_space<hbm>>
        tpu.wait_indirect_dma semaphore(%arg19 : memref<!tpu.dma_semaphore, #tpu.memory_space<semaphore_mem>>) src(%dma_wait3A_60 : memref<10000x128xf32, #tpu.memory_space<hbm>>) dst(%arg13 : memref<128x128xf32, #tpu.memory_space<vmem>>)
        %dma_wait3A_61 = arith.constant 0 : i32
        %dma_wait3A_62 = arith.constant 0 : i32
        %dma_wait3A_63 = tpu.memref_slice %arg3[%dma_wait3A_61, %dma_wait3A_62] : memref<10000x128xf32, #tpu.memory_space<hbm>> -> memref<10000x128xf32, #tpu.memory_space<hbm>>
        tpu.wait_indirect_dma semaphore(%arg21 : memref<!tpu.dma_semaphore, #tpu.memory_space<semaphore_mem>>) src(%dma_wait3A_63 : memref<10000x128xf32, #tpu.memory_space<hbm>>) dst(%arg15 : memref<128x128xf32, #tpu.memory_space<vmem>>)
        %scan3A_64 = arith.constant 0 : i32
        %scan3A_65 = arith.constant 0 : i32
        %scan3A_66 = arith.constant 128 : i32
        %scan3A_67 = arith.addi %scan3A_65, %scan3A_66 : i32
        %scan3A_68 = arith.constant 1 : i32
        %scan3A_69 = scf.for %scan3A_215 = %scan3A_65 to %scan3A_67 step %scan3A_68 iter_args(%scan3A_216 = %scan3A_64) -> (i32)  : i32 {
          %get3A_217 = arith.index_cast %scan3A_215 : i32 to index
          %get3A_218 = arith.constant 0 : index
          %get3A_219 = tpu.vector_load %arg13[%get3A_217, %get3A_218] {strides = array<i32>} : memref<128x128xf32, #tpu.memory_space<vmem>>, vector<1x16xf32>,
          %get3A_220 = vector.shape_cast %get3A_219 : vector<1x16xf32> to vector<16xf32>
          %get3A_221 = arith.index_cast %scan3A_215 : i32 to index
          %get3A_222 = arith.constant 64 : index
          %get3A_223 = tpu.vector_load %arg15[%get3A_221, %get3A_222] {strides = array<i32>} : memref<128x128xf32, #tpu.memory_space<vmem>>, vector<1x16xf32>,
          %get3A_224 = vector.shape_cast %get3A_223 : vector<1x16xf32> to vector<16xf32>
          %add3A_225 = arith.addf %get3A_220, %get3A_224 : vector<16xf32>
          %max3A = arith.constant 0.000000e+00 : f32
          %max3A_226 = vector.broadcast %max3A : f32 to vector<16xf32>
          %max3A_227 = arith.maximumf %add3A_225, %max3A_226 : vector<16xf32>
          %swap3A_228 = arith.index_cast %scan3A_215 : i32 to index
          %swap3A_229 = arith.constant 0 : index
          %swap3A_230 = tpu.vector_load %arg16[%swap3A_228, %swap3A_229] {strides = array<i32>} : memref<128x128xf32, #tpu.memory_space<vmem>>, vector<1x16xf32>,
          %swap3A_231 = vector.shape_cast %swap3A_230 : vector<1x16xf32> to vector<16xf32>
          %swap3A_232 = vector.shape_cast %max3A_227 : vector<16xf32> to vector<1x16xf32>
          tpu.vector_store %arg16[%swap3A_228, %swap3A_229], %swap3A_232 {strides = array<i32>} : memref<128x128xf32, #tpu.memory_space<vmem>>, vector<1x16xf32>,
          %get3A_233 = arith.index_cast %scan3A_215 : i32 to index
          %get3A_234 = arith.constant 16 : index
          %get3A_235 = tpu.vector_load %arg13[%get3A_233, %get3A_234] {strides = array<i32>} : memref<128x128xf32, #tpu.memory_space<vmem>>, vector<1x16xf32>,
          %get3A_236 = vector.shape_cast %get3A_235 : vector<1x16xf32> to vector<16xf32>
          %get3A_237 = arith.index_cast %scan3A_215 : i32 to index
          %get3A_238 = arith.constant 80 : index
          %get3A_239 = tpu.vector_load %arg15[%get3A_237, %get3A_238] {strides = array<i32>} : memref<128x128xf32, #tpu.memory_space<vmem>>, vector<1x16xf32>,
          %get3A_240 = vector.shape_cast %get3A_239 : vector<1x16xf32> to vector<16xf32>
          %add3A_241 = arith.addf %get3A_236, %get3A_240 : vector<16xf32>
          %max3A_242 = arith.constant 0.000000e+00 : f32
          %max3A_243 = vector.broadcast %max3A_242 : f32 to vector<16xf32>
          %max3A_244 = arith.maximumf %add3A_241, %max3A_243 : vector<16xf32>
          %swap3A_245 = arith.index_cast %scan3A_215 : i32 to index
          %swap3A_246 = arith.constant 16 : index
          %swap3A_247 = tpu.vector_load %arg16[%swap3A_245, %swap3A_246] {strides = array<i32>} : memref<128x128xf32, #tpu.memory_space<vmem>>, vector<1x16xf32>,
          %swap3A_248 = vector.shape_cast %swap3A_247 : vector<1x16xf32> to vector<16xf32>
          %swap3A_249 = vector.shape_cast %max3A_244 : vector<16xf32> to vector<1x16xf32>
          tpu.vector_store %arg16[%swap3A_245, %swap3A_246], %swap3A_249 {strides = array<i32>} : memref<128x128xf32, #tpu.memory_space<vmem>>, vector<1x16xf32>,
          %get3A_250 = arith.index_cast %scan3A_215 : i32 to index
          %get3A_251 = arith.constant 32 : index
          %get3A_252 = tpu.vector_load %arg13[%get3A_250, %get3A_251] {strides = array<i32>} : memref<128x128xf32, #tpu.memory_space<vmem>>, vector<1x16xf32>,
          %get3A_253 = vector.shape_cast %get3A_252 : vector<1x16xf32> to vector<16xf32>
          %get3A_254 = arith.index_cast %scan3A_215 : i32 to index
          %get3A_255 = arith.constant 96 : index
          %get3A_256 = tpu.vector_load %arg15[%get3A_254, %get3A_255] {strides = array<i32>} : memref<128x128xf32, #tpu.memory_space<vmem>>, vector<1x16xf32>,
          %get3A_257 = vector.shape_cast %get3A_256 : vector<1x16xf32> to vector<16xf32>
          %add3A_258 = arith.addf %get3A_253, %get3A_257 : vector<16xf32>
          %max3A_259 = arith.constant 0.000000e+00 : f32
          %max3A_260 = vector.broadcast %max3A_259 : f32 to vector<16xf32>
          %max3A_261 = arith.maximumf %add3A_258, %max3A_260 : vector<16xf32>
          %swap3A_262 = arith.index_cast %scan3A_215 : i32 to index
          %swap3A_263 = arith.constant 32 : index
          %swap3A_264 = tpu.vector_load %arg16[%swap3A_262, %swap3A_263] {strides = array<i32>} : memref<128x128xf32, #tpu.memory_space<vmem>>, vector<1x16xf32>,
          %swap3A_265 = vector.shape_cast %swap3A_264 : vector<1x16xf32> to vector<16xf32>
          %swap3A_266 = vector.shape_cast %max3A_261 : vector<16xf32> to vector<1x16xf32>
          tpu.vector_store %arg16[%swap3A_262, %swap3A_263], %swap3A_266 {strides = array<i32>} : memref<128x128xf32, #tpu.memory_space<vmem>>, vector<1x16xf32>,
          %get3A_267 = arith.index_cast %scan3A_215 : i32 to index
          %get3A_268 = arith.constant 48 : index
          %get3A_269 = tpu.vector_load %arg13[%get3A_267, %get3A_268] {strides = array<i32>} : memref<128x128xf32, #tpu.memory_space<vmem>>, vector<1x16xf32>,
          %get3A_270 = vector.shape_cast %get3A_269 : vector<1x16xf32> to vector<16xf32>
          %get3A_271 = arith.index_cast %scan3A_215 : i32 to index
          %get3A_272 = arith.constant 112 : index
          %get3A_273 = tpu.vector_load %arg15[%get3A_271, %get3A_272] {strides = array<i32>} : memref<128x128xf32, #tpu.memory_space<vmem>>, vector<1x16xf32>,
          %get3A_274 = vector.shape_cast %get3A_273 : vector<1x16xf32> to vector<16xf32>
          %add3A_275 = arith.addf %get3A_270, %get3A_274 : vector<16xf32>
          %max3A_276 = arith.constant 0.000000e+00 : f32
          %max3A_277 = vector.broadcast %max3A_276 : f32 to vector<16xf32>
          %max3A_278 = arith.maximumf %add3A_275, %max3A_277 : vector<16xf32>
          %swap3A_279 = arith.index_cast %scan3A_215 : i32 to index
          %swap3A_280 = arith.constant 48 : index
          %swap3A_281 = tpu.vector_load %arg16[%swap3A_279, %swap3A_280] {strides = array<i32>} : memref<128x128xf32, #tpu.memory_space<vmem>>, vector<1x16xf32>,
          %swap3A_282 = vector.shape_cast %swap3A_281 : vector<1x16xf32> to vector<16xf32>
          %swap3A_283 = vector.shape_cast %max3A_278 : vector<16xf32> to vector<1x16xf32>
          tpu.vector_store %arg16[%swap3A_279, %swap3A_280], %swap3A_283 {strides = array<i32>} : memref<128x128xf32, #tpu.memory_space<vmem>>, vector<1x16xf32>,
          %scan3A_284 = arith.constant 0 : i32
          scf.yield %scan3A_284 : i32
        }
        %scan3A_70 = arith.constant 128 : i32
        %get3A = arith.constant 0 : index
        %get3A_71 = tpu.vector_load %arg8[%get3A] {strides = array<i32>} : memref<128xi32, #tpu.memory_space<vmem>>, vector<16xi32>,
        %get3A_72 = vector.shape_cast %get3A_71 : vector<16xi32> to vector<16xi32>
        %sub3A = vector.broadcast %mul3A_8 : i32 to vector<16xi32>
        %sub3A_73 = arith.subi %get3A_72, %sub3A : vector<16xi32>
        %ge3A = arith.constant 0 : i32
        %ge3A_74 = vector.broadcast %ge3A : i32 to vector<16xi32>
        %ge3A_75 = arith.cmpi sge, %sub3A_73, %ge3A_74 : vector<16xi32>
        %lt3A_76 = arith.constant 5120 : i32
        %lt3A_77 = vector.broadcast %lt3A_76 : i32 to vector<16xi32>
        %lt3A_78 = arith.cmpi slt, %sub3A_73, %lt3A_77 : vector<16xi32>
        %and3A = arith.andi %ge3A_75, %lt3A_78 : vector<16xi1>
        %jit3A = arith.constant 5120 : i32
        %broadcast_in_dim3A = vector.broadcast %jit3A : i32 to vector<16xi32>
        %select_n3A = arith.select %and3A, %sub3A_73, %broadcast_in_dim3A : vector<16xi1>, vector<16xi32>
        %swap3A = arith.constant 0 : index
        %swap3A_79 = tpu.vector_load %arg11[%swap3A] {strides = array<i32>} : memref<128xi32, #tpu.memory_space<vmem>>, vector<16xi32>,
        %swap3A_80 = vector.shape_cast %swap3A_79 : vector<16xi32> to vector<16xi32>
        %swap3A_81 = vector.shape_cast %select_n3A : vector<16xi32> to vector<16xi32>
        tpu.vector_store %arg11[%swap3A], %swap3A_81 {strides = array<i32>} : memref<128xi32, #tpu.memory_space<vmem>>, vector<16xi32>,
        %get3A_82 = arith.constant 16 : index
        %get3A_83 = tpu.vector_load %arg8[%get3A_82] {strides = array<i32>} : memref<128xi32, #tpu.memory_space<vmem>>, vector<16xi32>,
        %get3A_84 = vector.shape_cast %get3A_83 : vector<16xi32> to vector<16xi32>
        %sub3A_85 = vector.broadcast %mul3A_8 : i32 to vector<16xi32>
        %sub3A_86 = arith.subi %get3A_84, %sub3A_85 : vector<16xi32>
        %ge3A_87 = arith.constant 0 : i32
        %ge3A_88 = vector.broadcast %ge3A_87 : i32 to vector<16xi32>
        %ge3A_89 = arith.cmpi sge, %sub3A_86, %ge3A_88 : vector<16xi32>
        %lt3A_90 = arith.constant 5120 : i32
        %lt3A_91 = vector.broadcast %lt3A_90 : i32 to vector<16xi32>
        %lt3A_92 = arith.cmpi slt, %sub3A_86, %lt3A_91 : vector<16xi32>
        %and3A_93 = arith.andi %ge3A_89, %lt3A_92 : vector<16xi1>
        %jit3A_94 = arith.constant 5120 : i32
        %broadcast_in_dim3A_95 = vector.broadcast %jit3A_94 : i32 to vector<16xi32>
        %select_n3A_96 = arith.select %and3A_93, %sub3A_86, %broadcast_in_dim3A_95 : vector<16xi1>, vector<16xi32>
        %swap3A_97 = arith.constant 16 : index
        %swap3A_98 = tpu.vector_load %arg11[%swap3A_97] {strides = array<i32>} : memref<128xi32, #tpu.memory_space<vmem>>, vector<16xi32>,
        %swap3A_99 = vector.shape_cast %swap3A_98 : vector<16xi32> to vector<16xi32>
        %swap3A_100 = vector.shape_cast %select_n3A_96 : vector<16xi32> to vector<16xi32>
        tpu.vector_store %arg11[%swap3A_97], %swap3A_100 {strides = array<i32>} : memref<128xi32, #tpu.memory_space<vmem>>, vector<16xi32>,
        %get3A_101 = arith.constant 32 : index
        %get3A_102 = tpu.vector_load %arg8[%get3A_101] {strides = array<i32>} : memref<128xi32, #tpu.memory_space<vmem>>, vector<16xi32>,
        %get3A_103 = vector.shape_cast %get3A_102 : vector<16xi32> to vector<16xi32>
        %sub3A_104 = vector.broadcast %mul3A_8 : i32 to vector<16xi32>
        %sub3A_105 = arith.subi %get3A_103, %sub3A_104 : vector<16xi32>
        %ge3A_106 = arith.constant 0 : i32
        %ge3A_107 = vector.broadcast %ge3A_106 : i32 to vector<16xi32>
        %ge3A_108 = arith.cmpi sge, %sub3A_105, %ge3A_107 : vector<16xi32>
        %lt3A_109 = arith.constant 5120 : i32
        %lt3A_110 = vector.broadcast %lt3A_109 : i32 to vector<16xi32>
        %lt3A_111 = arith.cmpi slt, %sub3A_105, %lt3A_110 : vector<16xi32>
        %and3A_112 = arith.andi %ge3A_108, %lt3A_111 : vector<16xi1>
        %jit3A_113 = arith.constant 5120 : i32
        %broadcast_in_dim3A_114 = vector.broadcast %jit3A_113 : i32 to vector<16xi32>
        %select_n3A_115 = arith.select %and3A_112, %sub3A_105, %broadcast_in_dim3A_114 : vector<16xi1>, vector<16xi32>
        %swap3A_116 = arith.constant 32 : index
        %swap3A_117 = tpu.vector_load %arg11[%swap3A_116] {strides = array<i32>} : memref<128xi32, #tpu.memory_space<vmem>>, vector<16xi32>,
        %swap3A_118 = vector.shape_cast %swap3A_117 : vector<16xi32> to vector<16xi32>
        %swap3A_119 = vector.shape_cast %select_n3A_115 : vector<16xi32> to vector<16xi32>
        tpu.vector_store %arg11[%swap3A_116], %swap3A_119 {strides = array<i32>} : memref<128xi32, #tpu.memory_space<vmem>>, vector<16xi32>,
        %get3A_120 = arith.constant 48 : index
        %get3A_121 = tpu.vector_load %arg8[%get3A_120] {strides = array<i32>} : memref<128xi32, #tpu.memory_space<vmem>>, vector<16xi32>,
        %get3A_122 = vector.shape_cast %get3A_121 : vector<16xi32> to vector<16xi32>
        %sub3A_123 = vector.broadcast %mul3A_8 : i32 to vector<16xi32>
        %sub3A_124 = arith.subi %get3A_122, %sub3A_123 : vector<16xi32>
        %ge3A_125 = arith.constant 0 : i32
        %ge3A_126 = vector.broadcast %ge3A_125 : i32 to vector<16xi32>
        %ge3A_127 = arith.cmpi sge, %sub3A_124, %ge3A_126 : vector<16xi32>
        %lt3A_128 = arith.constant 5120 : i32
        %lt3A_129 = vector.broadcast %lt3A_128 : i32 to vector<16xi32>
        %lt3A_130 = arith.cmpi slt, %sub3A_124, %lt3A_129 : vector<16xi32>
        %and3A_131 = arith.andi %ge3A_127, %lt3A_130 : vector<16xi1>
        %jit3A_132 = arith.constant 5120 : i32
        %broadcast_in_dim3A_133 = vector.broadcast %jit3A_132 : i32 to vector<16xi32>
        %select_n3A_134 = arith.select %and3A_131, %sub3A_124, %broadcast_in_dim3A_133 : vector<16xi1>, vector<16xi32>
        %swap3A_135 = arith.constant 48 : index
        %swap3A_136 = tpu.vector_load %arg11[%swap3A_135] {strides = array<i32>} : memref<128xi32, #tpu.memory_space<vmem>>, vector<16xi32>,
        %swap3A_137 = vector.shape_cast %swap3A_136 : vector<16xi32> to vector<16xi32>
        %swap3A_138 = vector.shape_cast %select_n3A_134 : vector<16xi32> to vector<16xi32>
        tpu.vector_store %arg11[%swap3A_135], %swap3A_138 {strides = array<i32>} : memref<128xi32, #tpu.memory_space<vmem>>, vector<16xi32>,
        %get3A_139 = arith.constant 64 : index
        %get3A_140 = tpu.vector_load %arg8[%get3A_139] {strides = array<i32>} : memref<128xi32, #tpu.memory_space<vmem>>, vector<16xi32>,
        %get3A_141 = vector.shape_cast %get3A_140 : vector<16xi32> to vector<16xi32>
        %sub3A_142 = vector.broadcast %mul3A_8 : i32 to vector<16xi32>
        %sub3A_143 = arith.subi %get3A_141, %sub3A_142 : vector<16xi32>
        %ge3A_144 = arith.constant 0 : i32
        %ge3A_145 = vector.broadcast %ge3A_144 : i32 to vector<16xi32>
        %ge3A_146 = arith.cmpi sge, %sub3A_143, %ge3A_145 : vector<16xi32>
        %lt3A_147 = arith.constant 5120 : i32
        %lt3A_148 = vector.broadcast %lt3A_147 : i32 to vector<16xi32>
        %lt3A_149 = arith.cmpi slt, %sub3A_143, %lt3A_148 : vector<16xi32>
        %and3A_150 = arith.andi %ge3A_146, %lt3A_149 : vector<16xi1>
        %jit3A_151 = arith.constant 5120 : i32
        %broadcast_in_dim3A_152 = vector.broadcast %jit3A_151 : i32 to vector<16xi32>
        %select_n3A_153 = arith.select %and3A_150, %sub3A_143, %broadcast_in_dim3A_152 : vector<16xi1>, vector<16xi32>
        %swap3A_154 = arith.constant 64 : index
        %swap3A_155 = tpu.vector_load %arg11[%swap3A_154] {strides = array<i32>} : memref<128xi32, #tpu.memory_space<vmem>>, vector<16xi32>,
        %swap3A_156 = vector.shape_cast %swap3A_155 : vector<16xi32> to vector<16xi32>
        %swap3A_157 = vector.shape_cast %select_n3A_153 : vector<16xi32> to vector<16xi32>
        tpu.vector_store %arg11[%swap3A_154], %swap3A_157 {strides = array<i32>} : memref<128xi32, #tpu.memory_space<vmem>>, vector<16xi32>,
        %get3A_158 = arith.constant 80 : index
        %get3A_159 = tpu.vector_load %arg8[%get3A_158] {strides = array<i32>} : memref<128xi32, #tpu.memory_space<vmem>>, vector<16xi32>,
        %get3A_160 = vector.shape_cast %get3A_159 : vector<16xi32> to vector<16xi32>
        %sub3A_161 = vector.broadcast %mul3A_8 : i32 to vector<16xi32>
        %sub3A_162 = arith.subi %get3A_160, %sub3A_161 : vector<16xi32>
        %ge3A_163 = arith.constant 0 : i32
        %ge3A_164 = vector.broadcast %ge3A_163 : i32 to vector<16xi32>
        %ge3A_165 = arith.cmpi sge, %sub3A_162, %ge3A_164 : vector<16xi32>
        %lt3A_166 = arith.constant 5120 : i32
        %lt3A_167 = vector.broadcast %lt3A_166 : i32 to vector<16xi32>
        %lt3A_168 = arith.cmpi slt, %sub3A_162, %lt3A_167 : vector<16xi32>
        %and3A_169 = arith.andi %ge3A_165, %lt3A_168 : vector<16xi1>
        %jit3A_170 = arith.constant 5120 : i32
        %broadcast_in_dim3A_171 = vector.broadcast %jit3A_170 : i32 to vector<16xi32>
        %select_n3A_172 = arith.select %and3A_169, %sub3A_162, %broadcast_in_dim3A_171 : vector<16xi1>, vector<16xi32>
        %swap3A_173 = arith.constant 80 : index
        %swap3A_174 = tpu.vector_load %arg11[%swap3A_173] {strides = array<i32>} : memref<128xi32, #tpu.memory_space<vmem>>, vector<16xi32>,
        %swap3A_175 = vector.shape_cast %swap3A_174 : vector<16xi32> to vector<16xi32>
        %swap3A_176 = vector.shape_cast %select_n3A_172 : vector<16xi32> to vector<16xi32>
        tpu.vector_store %arg11[%swap3A_173], %swap3A_176 {strides = array<i32>} : memref<128xi32, #tpu.memory_space<vmem>>, vector<16xi32>,
        %get3A_177 = arith.constant 96 : index
        %get3A_178 = tpu.vector_load %arg8[%get3A_177] {strides = array<i32>} : memref<128xi32, #tpu.memory_space<vmem>>, vector<16xi32>,
        %get3A_179 = vector.shape_cast %get3A_178 : vector<16xi32> to vector<16xi32>
        %sub3A_180 = vector.broadcast %mul3A_8 : i32 to vector<16xi32>
        %sub3A_181 = arith.subi %get3A_179, %sub3A_180 : vector<16xi32>
        %ge3A_182 = arith.constant 0 : i32
        %ge3A_183 = vector.broadcast %ge3A_182 : i32 to vector<16xi32>
        %ge3A_184 = arith.cmpi sge, %sub3A_181, %ge3A_183 : vector<16xi32>
        %lt3A_185 = arith.constant 5120 : i32
        %lt3A_186 = vector.broadcast %lt3A_185 : i32 to vector<16xi32>
        %lt3A_187 = arith.cmpi slt, %sub3A_181, %lt3A_186 : vector<16xi32>
        %and3A_188 = arith.andi %ge3A_184, %lt3A_187 : vector<16xi1>
        %jit3A_189 = arith.constant 5120 : i32
        %broadcast_in_dim3A_190 = vector.broadcast %jit3A_189 : i32 to vector<16xi32>
        %select_n3A_191 = arith.select %and3A_188, %sub3A_181, %broadcast_in_dim3A_190 : vector<16xi1>, vector<16xi32>
        %swap3A_192 = arith.constant 96 : index
        %swap3A_193 = tpu.vector_load %arg11[%swap3A_192] {strides = array<i32>} : memref<128xi32, #tpu.memory_space<vmem>>, vector<16xi32>,
        %swap3A_194 = vector.shape_cast %swap3A_193 : vector<16xi32> to vector<16xi32>
        %swap3A_195 = vector.shape_cast %select_n3A_191 : vector<16xi32> to vector<16xi32>
        tpu.vector_store %arg11[%swap3A_192], %swap3A_195 {strides = array<i32>} : memref<128xi32, #tpu.memory_space<vmem>>, vector<16xi32>,
        %get3A_196 = arith.constant 112 : index
        %get3A_197 = tpu.vector_load %arg8[%get3A_196] {strides = array<i32>} : memref<128xi32, #tpu.memory_space<vmem>>, vector<16xi32>,
        %get3A_198 = vector.shape_cast %get3A_197 : vector<16xi32> to vector<16xi32>
        %sub3A_199 = vector.broadcast %mul3A_8 : i32 to vector<16xi32>
        %sub3A_200 = arith.subi %get3A_198, %sub3A_199 : vector<16xi32>
        %ge3A_201 = arith.constant 0 : i32
        %ge3A_202 = vector.broadcast %ge3A_201 : i32 to vector<16xi32>
        %ge3A_203 = arith.cmpi sge, %sub3A_200, %ge3A_202 : vector<16xi32>
        %lt3A_204 = arith.constant 5120 : i32
        %lt3A_205 = vector.broadcast %lt3A_204 : i32 to vector<16xi32>
        %lt3A_206 = arith.cmpi slt, %sub3A_200, %lt3A_205 : vector<16xi32>
        %and3A_207 = arith.andi %ge3A_203, %lt3A_206 : vector<16xi1>
        %jit3A_208 = arith.constant 5120 : i32
        %broadcast_in_dim3A_209 = vector.broadcast %jit3A_208 : i32 to vector<16xi32>
        %select_n3A_210 = arith.select %and3A_207, %sub3A_200, %broadcast_in_dim3A_209 : vector<16xi1>, vector<16xi32>
        %swap3A_211 = arith.constant 112 : index
        %swap3A_212 = tpu.vector_load %arg11[%swap3A_211] {strides = array<i32>} : memref<128xi32, #tpu.memory_space<vmem>>, vector<16xi32>,
        %swap3A_213 = vector.shape_cast %swap3A_212 : vector<16xi32> to vector<16xi32>
        %swap3A_214 = vector.shape_cast %select_n3A_210 : vector<16xi32> to vector<16xi32>
        tpu.vector_store %arg11[%swap3A_211], %swap3A_214 {strides = array<i32>} : memref<128xi32, #tpu.memory_space<vmem>>, vector<16xi32>,
        "tpu.region"() ({
          %run_scoped3A = tpu.sem_alloc : memref<!tpu.dma_semaphore, #tpu.memory_space<semaphore_mem>>
          %dma_start3A = arith.constant 0 : i32
          %dma_start3A_215 = arith.constant 0 : i32
          %dma_start3A_216 = tpu.memref_slice %arg17[%dma_start3A, %dma_start3A_215] : memref<5248x128xf32, #tpu.memory_space<vmem_shared>> -> memref<5248x128xf32, #tpu.memory_space<vmem_shared>>
          tpu.enqueue_indirect_dma source(%arg16 : memref<128x128xf32, #tpu.memory_space<vmem>>) target(%dma_start3A_216 : memref<5248x128xf32, #tpu.memory_space<vmem_shared>>) offsets(%arg11 : memref<128xi32, #tpu.memory_space<vmem>>) semaphore(%run_scoped3A : memref<!tpu.dma_semaphore, #tpu.memory_space<semaphore_mem>>) {add = true}
          %dma_wait3A_217 = arith.constant 0 : i32
          %dma_wait3A_218 = arith.constant 0 : i32
          %dma_wait3A_219 = tpu.memref_slice %arg17[%dma_wait3A_217, %dma_wait3A_218] : memref<5248x128xf32, #tpu.memory_space<vmem_shared>> -> memref<5248x128xf32, #tpu.memory_space<vmem_shared>>
          tpu.wait_indirect_dma semaphore(%run_scoped3A : memref<!tpu.dma_semaphore, #tpu.memory_space<semaphore_mem>>) src(%arg16 : memref<128x128xf32, #tpu.memory_space<vmem>>) dst(%dma_wait3A_219 : memref<5248x128xf32, #tpu.memory_space<vmem_shared>>)
          tpu.yield
        }) : () -> ()
      } else {
      }
      %scan3A_58 = arith.constant 0 : i32
      scf.yield %scan3A_58 : i32
    }
    %scan3A_17 = arith.constant 79 : i32
    %barrier3A_18 = arith.constant 0 : index
    tpu.barrier barrier_id(%barrier3A_18)
    "tpu.region"() ({
      %run_scoped3A = tpu.sem_alloc : memref<!tpu.dma_semaphore, #tpu.memory_space<semaphore_mem>>
      %dma_start3A = arith.constant 0 : i32
      %dma_start3A_19 = tpu.memref_slice %arg6[%arg0, %mul3A_0, %dma_start3A] : memref<2x5248x128xf32, #tpu.memory_space<hbm>> -> memref<1x328x128xf32, #tpu.memory_space<hbm>>
      %dma_start3A_20 = tpu.memref_squeeze %dma_start3A_19 : memref<1x328x128xf32, #tpu.memory_space<hbm>> -> memref<328x128xf32, #tpu.memory_space<hbm>>
      %dma_start3A_21 = arith.constant 0 : i32
      %dma_start3A_22 = tpu.memref_slice %arg17[%mul3A_0, %dma_start3A_21] : memref<5248x128xf32, #tpu.memory_space<vmem_shared>> -> memref<328x128xf32, #tpu.memory_space<vmem_shared>>
      tpu.enqueue_dma source(%dma_start3A_22 : memref<328x128xf32, #tpu.memory_space<vmem_shared>>) target(%dma_start3A_20 : memref<328x128xf32, #tpu.memory_space<hbm>>) target_semaphore(%run_scoped3A : memref<!tpu.dma_semaphore, #tpu.memory_space<semaphore_mem>>)
      %dma_wait3A = arith.constant 0 : i32
      %dma_wait3A_23 = tpu.memref_slice %arg6[%arg0, %mul3A_0, %dma_wait3A] : memref<2x5248x128xf32, #tpu.memory_space<hbm>> -> memref<1x328x128xf32, #tpu.memory_space<hbm>>
      %dma_wait3A_24 = tpu.memref_squeeze %dma_wait3A_23 : memref<1x328x128xf32, #tpu.memory_space<hbm>> -> memref<328x128xf32, #tpu.memory_space<hbm>>
      %dma_wait3A_25 = arith.constant 0 : i32
      %dma_wait3A_26 = tpu.memref_slice %arg17[%mul3A_0, %dma_wait3A_25] : memref<5248x128xf32, #tpu.memory_space<vmem_shared>> -> memref<328x128xf32, #tpu.memory_space<vmem_shared>>
      tpu.wait_dma2 semaphore(%run_scoped3A : memref<!tpu.dma_semaphore, #tpu.memory_space<semaphore_mem>>) src(%dma_wait3A_26 : memref<328x128xf32, #tpu.memory_space<vmem_shared>>) dst(%dma_wait3A_24 : memref<328x128xf32, #tpu.memory_space<hbm>>)
      tpu.yield
    }) : () -> ()
    return
  }
}

#map = affine_map<(d0, d1) -> (0, 0)>
#map1 = affine_map<(d0, d1) -> (0, 0, 0)>
module attributes {stable_mosaic.version = 14 : i64} {
  func.func @body(%arg0: i32, %arg1: i32, %arg2: memref<10240x128xf32, #tpu.memory_space<hbm>>, %arg3: memref<10240x128xf32, #tpu.memory_space<hbm>>, %arg4: memref<2x320000xi32, #tpu.memory_space<hbm>>, %arg5: memref<5248x128xf32, #tpu.memory_space<hbm>>, %arg6: memref<2x5248x128xf32, #tpu.memory_space<hbm>>, %arg7: memref<128xi32, #tpu.memory_space<vmem>>, %arg8: memref<128xi32, #tpu.memory_space<vmem>>, %arg9: memref<128xi32, #tpu.memory_space<vmem>>, %arg10: memref<128xi32, #tpu.memory_space<vmem>>, %arg11: memref<128xi32, #tpu.memory_space<vmem>>, %arg12: memref<128x128xf32, #tpu.memory_space<vmem>>, %arg13: memref<128x128xf32, #tpu.memory_space<vmem>>, %arg14: memref<128x128xf32, #tpu.memory_space<vmem>>, %arg15: memref<128x128xf32, #tpu.memory_space<vmem>>, %arg16: memref<128x128xf32, #tpu.memory_space<vmem>>, %arg17: memref<5248x128xf32, #tpu.memory_space<vmem_shared>>, %arg18: memref<!tpu.dma_semaphore, #tpu.memory_space<semaphore_mem>>, %arg19: memref<!tpu.dma_semaphore, #tpu.memory_space<semaphore_mem>>, %arg20: memref<!tpu.dma_semaphore, #tpu.memory_space<semaphore_mem>>, %arg21: memref<!tpu.dma_semaphore, #tpu.memory_space<semaphore_mem>>) attributes {dimension_semantics = [#tpu.dimension_semantics<core_parallel>, #tpu.dimension_semantics<subcore_parallel>], iteration_bounds = array<i64: 2, 16>, scalar_prefetch = 0 : i64, scratch_operands = 15 : i64, tpu.core_type = #tpu.core_type<sc_vector_subcore>, window_params = [{transform_indices = #map}, {transform_indices = #map}, {transform_indices = #map}, {transform_indices = #map}, {transform_indices = #map1}]} {
    %mul3A = arith.constant 328 : i32
    %mul3A_0 = arith.muli %arg1, %mul3A : i32
    "tpu.region"() ({
      %run_scoped3A = tpu.sem_alloc : memref<!tpu.dma_semaphore, #tpu.memory_space<semaphore_mem>>
      %dma_start3A = arith.constant 0 : i32
      %dma_start3A_12 = tpu.memref_slice %arg17[%mul3A_0, %dma_start3A] : memref<5248x128xf32, #tpu.memory_space<vmem_shared>> -> memref<328x128xf32, #tpu.memory_space<vmem_shared>>
      %dma_start3A_13 = arith.constant 0 : i32
      %dma_start3A_14 = tpu.memref_slice %arg5[%mul3A_0, %dma_start3A_13] : memref<5248x128xf32, #tpu.memory_space<hbm>> -> memref<328x128xf32, #tpu.memory_space<hbm>>
      tpu.enqueue_dma source(%dma_start3A_14 : memref<328x128xf32, #tpu.memory_space<hbm>>) target(%dma_start3A_12 : memref<328x128xf32, #tpu.memory_space<vmem_shared>>) target_semaphore(%run_scoped3A : memref<!tpu.dma_semaphore, #tpu.memory_space<semaphore_mem>>)
      %dma_wait3A = arith.constant 0 : i32
      %dma_wait3A_15 = tpu.memref_slice %arg17[%mul3A_0, %dma_wait3A] : memref<5248x128xf32, #tpu.memory_space<vmem_shared>> -> memref<328x128xf32, #tpu.memory_space<vmem_shared>>
      %dma_wait3A_16 = arith.constant 0 : i32
      %dma_wait3A_17 = tpu.memref_slice %arg5[%mul3A_0, %dma_wait3A_16] : memref<5248x128xf32, #tpu.memory_space<hbm>> -> memref<328x128xf32, #tpu.memory_space<hbm>>
      tpu.wait_dma2 semaphore(%run_scoped3A : memref<!tpu.dma_semaphore, #tpu.memory_space<semaphore_mem>>) src(%dma_wait3A_17 : memref<328x128xf32, #tpu.memory_space<hbm>>) dst(%dma_wait3A_15 : memref<328x128xf32, #tpu.memory_space<vmem_shared>>)
      tpu.yield
    }) : () -> ()
    %barrier3A = arith.constant 0 : index
    tpu.barrier barrier_id(%barrier3A)
    %mul3A_1 = arith.constant 5120 : i32
    %mul3A_2 = arith.muli %arg0, %mul3A_1 : i32
    %lt3A = arith.constant 2500 : i32
    %lt3A_3 = arith.cmpi slt, %arg1, %lt3A : i32
    %convert_element_type3A = arith.extui %lt3A_3 : i1 to i32
    %cond3A = arith.constant 0 : i32
    %cond3A_4 = arith.cmpi ne, %convert_element_type3A, %cond3A : i32
    scf.if %cond3A_4 {
      %mul3A_12 = arith.constant 128 : i32
      %mul3A_13 = arith.muli %arg1, %mul3A_12 : i32
      %multiple_of3A = tpu.assume_multiple %mul3A_13, 8 : i32
      %run_scoped3A = arith.constant 1 : i32
      "tpu.region"() ({
        %run_scoped3A_20 = tpu.sem_alloc : memref<!tpu.dma_semaphore, #tpu.memory_space<semaphore_mem>>
        %dma_start3A_21 = tpu.memref_slice %arg4[%run_scoped3A, %multiple_of3A] : memref<2x320000xi32, #tpu.memory_space<hbm>> -> memref<1x128xi32, #tpu.memory_space<hbm>>
        %dma_start3A_22 = tpu.memref_squeeze %dma_start3A_21 : memref<1x128xi32, #tpu.memory_space<hbm>> -> memref<128xi32, #tpu.memory_space<hbm>>
        %dma_start3A_23 = tpu.memref_slice %arg4[%run_scoped3A, %multiple_of3A] : memref<2x320000xi32, #tpu.memory_space<hbm>> -> memref<1x128xi32, #tpu.memory_space<hbm>>
        %dma_start3A_24 = tpu.memref_squeeze %dma_start3A_23 : memref<1x128xi32, #tpu.memory_space<hbm>> -> memref<128xi32, #tpu.memory_space<hbm>>
        tpu.enqueue_dma source(%dma_start3A_24 : memref<128xi32, #tpu.memory_space<hbm>>) target(%arg7 : memref<128xi32, #tpu.memory_space<vmem>>) target_semaphore(%run_scoped3A_20 : memref<!tpu.dma_semaphore, #tpu.memory_space<semaphore_mem>>)
        %dma_wait3A = tpu.memref_slice %arg4[%run_scoped3A, %multiple_of3A] : memref<2x320000xi32, #tpu.memory_space<hbm>> -> memref<1x128xi32, #tpu.memory_space<hbm>>
        %dma_wait3A_25 = tpu.memref_squeeze %dma_wait3A : memref<1x128xi32, #tpu.memory_space<hbm>> -> memref<128xi32, #tpu.memory_space<hbm>>
        %dma_wait3A_26 = tpu.memref_slice %arg4[%run_scoped3A, %multiple_of3A] : memref<2x320000xi32, #tpu.memory_space<hbm>> -> memref<1x128xi32, #tpu.memory_space<hbm>>
        %dma_wait3A_27 = tpu.memref_squeeze %dma_wait3A_26 : memref<1x128xi32, #tpu.memory_space<hbm>> -> memref<128xi32, #tpu.memory_space<hbm>>
        tpu.wait_dma2 semaphore(%run_scoped3A_20 : memref<!tpu.dma_semaphore, #tpu.memory_space<semaphore_mem>>) src(%dma_wait3A_27 : memref<128xi32, #tpu.memory_space<hbm>>) dst(%arg7 : memref<128xi32, #tpu.memory_space<vmem>>)
        tpu.yield
      }) : () -> ()
      %run_scoped3A_14 = arith.constant 0 : i32
      "tpu.region"() ({
        %run_scoped3A_20 = tpu.sem_alloc : memref<!tpu.dma_semaphore, #tpu.memory_space<semaphore_mem>>
        %dma_start3A_21 = tpu.memref_slice %arg4[%run_scoped3A_14, %multiple_of3A] : memref<2x320000xi32, #tpu.memory_space<hbm>> -> memref<1x128xi32, #tpu.memory_space<hbm>>
        %dma_start3A_22 = tpu.memref_squeeze %dma_start3A_21 : memref<1x128xi32, #tpu.memory_space<hbm>> -> memref<128xi32, #tpu.memory_space<hbm>>
        %dma_start3A_23 = tpu.memref_slice %arg4[%run_scoped3A_14, %multiple_of3A] : memref<2x320000xi32, #tpu.memory_space<hbm>> -> memref<1x128xi32, #tpu.memory_space<hbm>>
        %dma_start3A_24 = tpu.memref_squeeze %dma_start3A_23 : memref<1x128xi32, #tpu.memory_space<hbm>> -> memref<128xi32, #tpu.memory_space<hbm>>
        tpu.enqueue_dma source(%dma_start3A_24 : memref<128xi32, #tpu.memory_space<hbm>>) target(%arg9 : memref<128xi32, #tpu.memory_space<vmem>>) target_semaphore(%run_scoped3A_20 : memref<!tpu.dma_semaphore, #tpu.memory_space<semaphore_mem>>)
        %dma_wait3A = tpu.memref_slice %arg4[%run_scoped3A_14, %multiple_of3A] : memref<2x320000xi32, #tpu.memory_space<hbm>> -> memref<1x128xi32, #tpu.memory_space<hbm>>
        %dma_wait3A_25 = tpu.memref_squeeze %dma_wait3A : memref<1x128xi32, #tpu.memory_space<hbm>> -> memref<128xi32, #tpu.memory_space<hbm>>
        %dma_wait3A_26 = tpu.memref_slice %arg4[%run_scoped3A_14, %multiple_of3A] : memref<2x320000xi32, #tpu.memory_space<hbm>> -> memref<1x128xi32, #tpu.memory_space<hbm>>
        %dma_wait3A_27 = tpu.memref_squeeze %dma_wait3A_26 : memref<1x128xi32, #tpu.memory_space<hbm>> -> memref<128xi32, #tpu.memory_space<hbm>>
        tpu.wait_dma2 semaphore(%run_scoped3A_20 : memref<!tpu.dma_semaphore, #tpu.memory_space<semaphore_mem>>) src(%dma_wait3A_27 : memref<128xi32, #tpu.memory_space<hbm>>) dst(%arg9 : memref<128xi32, #tpu.memory_space<vmem>>)
        tpu.yield
      }) : () -> ()
      %dma_start3A = arith.constant 0 : i32
      %dma_start3A_15 = arith.constant 0 : i32
      %dma_start3A_16 = tpu.memref_slice %arg2[%dma_start3A, %dma_start3A_15] : memref<10240x128xf32, #tpu.memory_space<hbm>> -> memref<10240x128xf32, #tpu.memory_space<hbm>>
      tpu.enqueue_indirect_dma source(%dma_start3A_16 : memref<10240x128xf32, #tpu.memory_space<hbm>>) target(%arg12 : memref<128x128xf32, #tpu.memory_space<vmem>>) offsets(%arg7 : memref<128xi32, #tpu.memory_space<vmem>>) semaphore(%arg18 : memref<!tpu.dma_semaphore, #tpu.memory_space<semaphore_mem>>)
      %dma_start3A_17 = arith.constant 0 : i32
      %dma_start3A_18 = arith.constant 0 : i32
      %dma_start3A_19 = tpu.memref_slice %arg3[%dma_start3A_17, %dma_start3A_18] : memref<10240x128xf32, #tpu.memory_space<hbm>> -> memref<10240x128xf32, #tpu.memory_space<hbm>>
      tpu.enqueue_indirect_dma source(%dma_start3A_19 : memref<10240x128xf32, #tpu.memory_space<hbm>>) target(%arg14 : memref<128x128xf32, #tpu.memory_space<vmem>>) offsets(%arg9 : memref<128xi32, #tpu.memory_space<vmem>>) semaphore(%arg20 : memref<!tpu.dma_semaphore, #tpu.memory_space<semaphore_mem>>)
    } else {
    }
    %scan3A = arith.constant 0 : i32
    %scan3A_5 = arith.constant 0 : i32
    %scan3A_6 = arith.constant 79 : i32
    %scan3A_7 = arith.addi %scan3A_5, %scan3A_6 : i32
    %scan3A_8 = arith.constant 1 : i32
    %scan3A_9 = scf.for %scan3A_12 = %scan3A_5 to %scan3A_7 step %scan3A_8 iter_args(%scan3A_13 = %scan3A) -> (i32)  : i32 {
      %mul3A_14 = arith.constant 2 : i32
      %mul3A_15 = arith.muli %mul3A_14, %scan3A_12 : i32
      %add3A = arith.constant 0 : i32
      %add3A_16 = arith.addi %mul3A_15, %add3A : i32
      %mul3A_17 = arith.constant 16 : i32
      %mul3A_18 = arith.muli %add3A_16, %mul3A_17 : i32
      %add3A_19 = arith.addi %mul3A_18, %arg1 : i32
      %add3A_20 = arith.constant 16 : i32
      %add3A_21 = arith.addi %add3A_19, %add3A_20 : i32
      %lt3A_22 = arith.constant 2500 : i32
      %lt3A_23 = arith.cmpi slt, %add3A_21, %lt3A_22 : i32
      %convert_element_type3A_24 = arith.extui %lt3A_23 : i1 to i32
      %cond3A_25 = arith.constant 0 : i32
      %cond3A_26 = arith.cmpi ne, %convert_element_type3A_24, %cond3A_25 : i32
      scf.if %cond3A_26 {
        %mul3A_52 = arith.constant 128 : i32
        %mul3A_53 = arith.muli %add3A_21, %mul3A_52 : i32
        %multiple_of3A = tpu.assume_multiple %mul3A_53, 8 : i32
        %run_scoped3A = arith.constant 1 : i32
        "tpu.region"() ({
          %run_scoped3A_60 = tpu.sem_alloc : memref<!tpu.dma_semaphore, #tpu.memory_space<semaphore_mem>>
          %dma_start3A_61 = tpu.memref_slice %arg4[%run_scoped3A, %multiple_of3A] : memref<2x320000xi32, #tpu.memory_space<hbm>> -> memref<1x128xi32, #tpu.memory_space<hbm>>
          %dma_start3A_62 = tpu.memref_squeeze %dma_start3A_61 : memref<1x128xi32, #tpu.memory_space<hbm>> -> memref<128xi32, #tpu.memory_space<hbm>>
          %dma_start3A_63 = tpu.memref_slice %arg4[%run_scoped3A, %multiple_of3A] : memref<2x320000xi32, #tpu.memory_space<hbm>> -> memref<1x128xi32, #tpu.memory_space<hbm>>
          %dma_start3A_64 = tpu.memref_squeeze %dma_start3A_63 : memref<1x128xi32, #tpu.memory_space<hbm>> -> memref<128xi32, #tpu.memory_space<hbm>>
          tpu.enqueue_dma source(%dma_start3A_64 : memref<128xi32, #tpu.memory_space<hbm>>) target(%arg8 : memref<128xi32, #tpu.memory_space<vmem>>) target_semaphore(%run_scoped3A_60 : memref<!tpu.dma_semaphore, #tpu.memory_space<semaphore_mem>>)
          %dma_wait3A = tpu.memref_slice %arg4[%run_scoped3A, %multiple_of3A] : memref<2x320000xi32, #tpu.memory_space<hbm>> -> memref<1x128xi32, #tpu.memory_space<hbm>>
          %dma_wait3A_65 = tpu.memref_squeeze %dma_wait3A : memref<1x128xi32, #tpu.memory_space<hbm>> -> memref<128xi32, #tpu.memory_space<hbm>>
          %dma_wait3A_66 = tpu.memref_slice %arg4[%run_scoped3A, %multiple_of3A] : memref<2x320000xi32, #tpu.memory_space<hbm>> -> memref<1x128xi32, #tpu.memory_space<hbm>>
          %dma_wait3A_67 = tpu.memref_squeeze %dma_wait3A_66 : memref<1x128xi32, #tpu.memory_space<hbm>> -> memref<128xi32, #tpu.memory_space<hbm>>
          tpu.wait_dma2 semaphore(%run_scoped3A_60 : memref<!tpu.dma_semaphore, #tpu.memory_space<semaphore_mem>>) src(%dma_wait3A_67 : memref<128xi32, #tpu.memory_space<hbm>>) dst(%arg8 : memref<128xi32, #tpu.memory_space<vmem>>)
          tpu.yield
        }) : () -> ()
        %run_scoped3A_54 = arith.constant 0 : i32
        "tpu.region"() ({
          %run_scoped3A_60 = tpu.sem_alloc : memref<!tpu.dma_semaphore, #tpu.memory_space<semaphore_mem>>
          %dma_start3A_61 = tpu.memref_slice %arg4[%run_scoped3A_54, %multiple_of3A] : memref<2x320000xi32, #tpu.memory_space<hbm>> -> memref<1x128xi32, #tpu.memory_space<hbm>>
          %dma_start3A_62 = tpu.memref_squeeze %dma_start3A_61 : memref<1x128xi32, #tpu.memory_space<hbm>> -> memref<128xi32, #tpu.memory_space<hbm>>
          %dma_start3A_63 = tpu.memref_slice %arg4[%run_scoped3A_54, %multiple_of3A] : memref<2x320000xi32, #tpu.memory_space<hbm>> -> memref<1x128xi32, #tpu.memory_space<hbm>>
          %dma_start3A_64 = tpu.memref_squeeze %dma_start3A_63 : memref<1x128xi32, #tpu.memory_space<hbm>> -> memref<128xi32, #tpu.memory_space<hbm>>
          tpu.enqueue_dma source(%dma_start3A_64 : memref<128xi32, #tpu.memory_space<hbm>>) target(%arg10 : memref<128xi32, #tpu.memory_space<vmem>>) target_semaphore(%run_scoped3A_60 : memref<!tpu.dma_semaphore, #tpu.memory_space<semaphore_mem>>)
          %dma_wait3A = tpu.memref_slice %arg4[%run_scoped3A_54, %multiple_of3A] : memref<2x320000xi32, #tpu.memory_space<hbm>> -> memref<1x128xi32, #tpu.memory_space<hbm>>
          %dma_wait3A_65 = tpu.memref_squeeze %dma_wait3A : memref<1x128xi32, #tpu.memory_space<hbm>> -> memref<128xi32, #tpu.memory_space<hbm>>
          %dma_wait3A_66 = tpu.memref_slice %arg4[%run_scoped3A_54, %multiple_of3A] : memref<2x320000xi32, #tpu.memory_space<hbm>> -> memref<1x128xi32, #tpu.memory_space<hbm>>
          %dma_wait3A_67 = tpu.memref_squeeze %dma_wait3A_66 : memref<1x128xi32, #tpu.memory_space<hbm>> -> memref<128xi32, #tpu.memory_space<hbm>>
          tpu.wait_dma2 semaphore(%run_scoped3A_60 : memref<!tpu.dma_semaphore, #tpu.memory_space<semaphore_mem>>) src(%dma_wait3A_67 : memref<128xi32, #tpu.memory_space<hbm>>) dst(%arg10 : memref<128xi32, #tpu.memory_space<vmem>>)
          tpu.yield
        }) : () -> ()
        %dma_start3A = arith.constant 0 : i32
        %dma_start3A_55 = arith.constant 0 : i32
        %dma_start3A_56 = tpu.memref_slice %arg2[%dma_start3A, %dma_start3A_55] : memref<10240x128xf32, #tpu.memory_space<hbm>> -> memref<10240x128xf32, #tpu.memory_space<hbm>>
        tpu.enqueue_indirect_dma source(%dma_start3A_56 : memref<10240x128xf32, #tpu.memory_space<hbm>>) target(%arg13 : memref<128x128xf32, #tpu.memory_space<vmem>>) offsets(%arg8 : memref<128xi32, #tpu.memory_space<vmem>>) semaphore(%arg19 : memref<!tpu.dma_semaphore, #tpu.memory_space<semaphore_mem>>)
        %dma_start3A_57 = arith.constant 0 : i32
        %dma_start3A_58 = arith.constant 0 : i32
        %dma_start3A_59 = tpu.memref_slice %arg3[%dma_start3A_57, %dma_start3A_58] : memref<10240x128xf32, #tpu.memory_space<hbm>> -> memref<10240x128xf32, #tpu.memory_space<hbm>>
        tpu.enqueue_indirect_dma source(%dma_start3A_59 : memref<10240x128xf32, #tpu.memory_space<hbm>>) target(%arg15 : memref<128x128xf32, #tpu.memory_space<vmem>>) offsets(%arg10 : memref<128xi32, #tpu.memory_space<vmem>>) semaphore(%arg21 : memref<!tpu.dma_semaphore, #tpu.memory_space<semaphore_mem>>)
      } else {
      }
      %lt3A_27 = arith.constant 2500 : i32
      %lt3A_28 = arith.cmpi slt, %add3A_19, %lt3A_27 : i32
      %convert_element_type3A_29 = arith.extui %lt3A_28 : i1 to i32
      %cond3A_30 = arith.constant 0 : i32
      %cond3A_31 = arith.cmpi ne, %convert_element_type3A_29, %cond3A_30 : i32
      scf.if %cond3A_31 {
        %dma_wait3A = arith.constant 0 : i32
        %dma_wait3A_52 = arith.constant 0 : i32
        %dma_wait3A_53 = tpu.memref_slice %arg2[%dma_wait3A, %dma_wait3A_52] : memref<10240x128xf32, #tpu.memory_space<hbm>> -> memref<10240x128xf32, #tpu.memory_space<hbm>>
        tpu.wait_indirect_dma semaphore(%arg18 : memref<!tpu.dma_semaphore, #tpu.memory_space<semaphore_mem>>) src(%dma_wait3A_53 : memref<10240x128xf32, #tpu.memory_space<hbm>>) dst(%arg12 : memref<128x128xf32, #tpu.memory_space<vmem>>)
        %dma_wait3A_54 = arith.constant 0 : i32
        %dma_wait3A_55 = arith.constant 0 : i32
        %dma_wait3A_56 = tpu.memref_slice %arg3[%dma_wait3A_54, %dma_wait3A_55] : memref<10240x128xf32, #tpu.memory_space<hbm>> -> memref<10240x128xf32, #tpu.memory_space<hbm>>
        tpu.wait_indirect_dma semaphore(%arg20 : memref<!tpu.dma_semaphore, #tpu.memory_space<semaphore_mem>>) src(%dma_wait3A_56 : memref<10240x128xf32, #tpu.memory_space<hbm>>) dst(%arg14 : memref<128x128xf32, #tpu.memory_space<vmem>>)
        %scan3A_57 = arith.constant 0 : i32
        %scan3A_58 = arith.constant 0 : i32
        %scan3A_59 = arith.constant 128 : i32
        %scan3A_60 = arith.addi %scan3A_58, %scan3A_59 : i32
        %scan3A_61 = arith.constant 1 : i32
        %scan3A_62 = scf.for %scan3A_208 = %scan3A_58 to %scan3A_60 step %scan3A_61 iter_args(%scan3A_209 = %scan3A_57) -> (i32)  : i32 {
          %get3A_210 = arith.index_cast %scan3A_208 : i32 to index
          %get3A_211 = arith.constant 0 : index
          %get3A_212 = tpu.vector_load %arg12[%get3A_210, %get3A_211] {strides = array<i32>} : memref<128x128xf32, #tpu.memory_space<vmem>>, vector<1x16xf32>,
          %get3A_213 = vector.shape_cast %get3A_212 : vector<1x16xf32> to vector<16xf32>
          %get3A_214 = arith.index_cast %scan3A_208 : i32 to index
          %get3A_215 = arith.constant 0 : index
          %get3A_216 = tpu.vector_load %arg14[%get3A_214, %get3A_215] {strides = array<i32>} : memref<128x128xf32, #tpu.memory_space<vmem>>, vector<1x16xf32>,
          %get3A_217 = vector.shape_cast %get3A_216 : vector<1x16xf32> to vector<16xf32>
          %add3A_218 = arith.addf %get3A_213, %get3A_217 : vector<16xf32>
          %max3A = arith.constant 0.000000e+00 : f32
          %max3A_219 = vector.broadcast %max3A : f32 to vector<16xf32>
          %max3A_220 = arith.maximumf %add3A_218, %max3A_219 : vector<16xf32>
          %swap3A_221 = arith.index_cast %scan3A_208 : i32 to index
          %swap3A_222 = arith.constant 0 : index
          %swap3A_223 = tpu.vector_load %arg16[%swap3A_221, %swap3A_222] {strides = array<i32>} : memref<128x128xf32, #tpu.memory_space<vmem>>, vector<1x16xf32>,
          %swap3A_224 = vector.shape_cast %swap3A_223 : vector<1x16xf32> to vector<16xf32>
          %swap3A_225 = vector.shape_cast %max3A_220 : vector<16xf32> to vector<1x16xf32>
          tpu.vector_store %arg16[%swap3A_221, %swap3A_222], %swap3A_225 {strides = array<i32>} : memref<128x128xf32, #tpu.memory_space<vmem>>, vector<1x16xf32>,
          %get3A_226 = arith.index_cast %scan3A_208 : i32 to index
          %get3A_227 = arith.constant 16 : index
          %get3A_228 = tpu.vector_load %arg12[%get3A_226, %get3A_227] {strides = array<i32>} : memref<128x128xf32, #tpu.memory_space<vmem>>, vector<1x16xf32>,
          %get3A_229 = vector.shape_cast %get3A_228 : vector<1x16xf32> to vector<16xf32>
          %get3A_230 = arith.index_cast %scan3A_208 : i32 to index
          %get3A_231 = arith.constant 16 : index
          %get3A_232 = tpu.vector_load %arg14[%get3A_230, %get3A_231] {strides = array<i32>} : memref<128x128xf32, #tpu.memory_space<vmem>>, vector<1x16xf32>,
          %get3A_233 = vector.shape_cast %get3A_232 : vector<1x16xf32> to vector<16xf32>
          %add3A_234 = arith.addf %get3A_229, %get3A_233 : vector<16xf32>
          %max3A_235 = arith.constant 0.000000e+00 : f32
          %max3A_236 = vector.broadcast %max3A_235 : f32 to vector<16xf32>
          %max3A_237 = arith.maximumf %add3A_234, %max3A_236 : vector<16xf32>
          %swap3A_238 = arith.index_cast %scan3A_208 : i32 to index
          %swap3A_239 = arith.constant 16 : index
          %swap3A_240 = tpu.vector_load %arg16[%swap3A_238, %swap3A_239] {strides = array<i32>} : memref<128x128xf32, #tpu.memory_space<vmem>>, vector<1x16xf32>,
          %swap3A_241 = vector.shape_cast %swap3A_240 : vector<1x16xf32> to vector<16xf32>
          %swap3A_242 = vector.shape_cast %max3A_237 : vector<16xf32> to vector<1x16xf32>
          tpu.vector_store %arg16[%swap3A_238, %swap3A_239], %swap3A_242 {strides = array<i32>} : memref<128x128xf32, #tpu.memory_space<vmem>>, vector<1x16xf32>,
          %get3A_243 = arith.index_cast %scan3A_208 : i32 to index
          %get3A_244 = arith.constant 32 : index
          %get3A_245 = tpu.vector_load %arg12[%get3A_243, %get3A_244] {strides = array<i32>} : memref<128x128xf32, #tpu.memory_space<vmem>>, vector<1x16xf32>,
          %get3A_246 = vector.shape_cast %get3A_245 : vector<1x16xf32> to vector<16xf32>
          %get3A_247 = arith.index_cast %scan3A_208 : i32 to index
          %get3A_248 = arith.constant 32 : index
          %get3A_249 = tpu.vector_load %arg14[%get3A_247, %get3A_248] {strides = array<i32>} : memref<128x128xf32, #tpu.memory_space<vmem>>, vector<1x16xf32>,
          %get3A_250 = vector.shape_cast %get3A_249 : vector<1x16xf32> to vector<16xf32>
          %add3A_251 = arith.addf %get3A_246, %get3A_250 : vector<16xf32>
          %max3A_252 = arith.constant 0.000000e+00 : f32
          %max3A_253 = vector.broadcast %max3A_252 : f32 to vector<16xf32>
          %max3A_254 = arith.maximumf %add3A_251, %max3A_253 : vector<16xf32>
          %swap3A_255 = arith.index_cast %scan3A_208 : i32 to index
          %swap3A_256 = arith.constant 32 : index
          %swap3A_257 = tpu.vector_load %arg16[%swap3A_255, %swap3A_256] {strides = array<i32>} : memref<128x128xf32, #tpu.memory_space<vmem>>, vector<1x16xf32>,
          %swap3A_258 = vector.shape_cast %swap3A_257 : vector<1x16xf32> to vector<16xf32>
          %swap3A_259 = vector.shape_cast %max3A_254 : vector<16xf32> to vector<1x16xf32>
          tpu.vector_store %arg16[%swap3A_255, %swap3A_256], %swap3A_259 {strides = array<i32>} : memref<128x128xf32, #tpu.memory_space<vmem>>, vector<1x16xf32>,
          %get3A_260 = arith.index_cast %scan3A_208 : i32 to index
          %get3A_261 = arith.constant 48 : index
          %get3A_262 = tpu.vector_load %arg12[%get3A_260, %get3A_261] {strides = array<i32>} : memref<128x128xf32, #tpu.memory_space<vmem>>, vector<1x16xf32>,
          %get3A_263 = vector.shape_cast %get3A_262 : vector<1x16xf32> to vector<16xf32>
          %get3A_264 = arith.index_cast %scan3A_208 : i32 to index
          %get3A_265 = arith.constant 48 : index
          %get3A_266 = tpu.vector_load %arg14[%get3A_264, %get3A_265] {strides = array<i32>} : memref<128x128xf32, #tpu.memory_space<vmem>>, vector<1x16xf32>,
          %get3A_267 = vector.shape_cast %get3A_266 : vector<1x16xf32> to vector<16xf32>
          %add3A_268 = arith.addf %get3A_263, %get3A_267 : vector<16xf32>
          %max3A_269 = arith.constant 0.000000e+00 : f32
          %max3A_270 = vector.broadcast %max3A_269 : f32 to vector<16xf32>
          %max3A_271 = arith.maximumf %add3A_268, %max3A_270 : vector<16xf32>
          %swap3A_272 = arith.index_cast %scan3A_208 : i32 to index
          %swap3A_273 = arith.constant 48 : index
          %swap3A_274 = tpu.vector_load %arg16[%swap3A_272, %swap3A_273] {strides = array<i32>} : memref<128x128xf32, #tpu.memory_space<vmem>>, vector<1x16xf32>,
          %swap3A_275 = vector.shape_cast %swap3A_274 : vector<1x16xf32> to vector<16xf32>
          %swap3A_276 = vector.shape_cast %max3A_271 : vector<16xf32> to vector<1x16xf32>
          tpu.vector_store %arg16[%swap3A_272, %swap3A_273], %swap3A_276 {strides = array<i32>} : memref<128x128xf32, #tpu.memory_space<vmem>>, vector<1x16xf32>,
          %get3A_277 = arith.index_cast %scan3A_208 : i32 to index
          %get3A_278 = arith.constant 64 : index
          %get3A_279 = tpu.vector_load %arg12[%get3A_277, %get3A_278] {strides = array<i32>} : memref<128x128xf32, #tpu.memory_space<vmem>>, vector<1x16xf32>,
          %get3A_280 = vector.shape_cast %get3A_279 : vector<1x16xf32> to vector<16xf32>
          %get3A_281 = arith.index_cast %scan3A_208 : i32 to index
          %get3A_282 = arith.constant 64 : index
          %get3A_283 = tpu.vector_load %arg14[%get3A_281, %get3A_282] {strides = array<i32>} : memref<128x128xf32, #tpu.memory_space<vmem>>, vector<1x16xf32>,
          %get3A_284 = vector.shape_cast %get3A_283 : vector<1x16xf32> to vector<16xf32>
          %add3A_285 = arith.addf %get3A_280, %get3A_284 : vector<16xf32>
          %max3A_286 = arith.constant 0.000000e+00 : f32
          %max3A_287 = vector.broadcast %max3A_286 : f32 to vector<16xf32>
          %max3A_288 = arith.maximumf %add3A_285, %max3A_287 : vector<16xf32>
          %swap3A_289 = arith.index_cast %scan3A_208 : i32 to index
          %swap3A_290 = arith.constant 64 : index
          %swap3A_291 = tpu.vector_load %arg16[%swap3A_289, %swap3A_290] {strides = array<i32>} : memref<128x128xf32, #tpu.memory_space<vmem>>, vector<1x16xf32>,
          %swap3A_292 = vector.shape_cast %swap3A_291 : vector<1x16xf32> to vector<16xf32>
          %swap3A_293 = vector.shape_cast %max3A_288 : vector<16xf32> to vector<1x16xf32>
          tpu.vector_store %arg16[%swap3A_289, %swap3A_290], %swap3A_293 {strides = array<i32>} : memref<128x128xf32, #tpu.memory_space<vmem>>, vector<1x16xf32>,
          %get3A_294 = arith.index_cast %scan3A_208 : i32 to index
          %get3A_295 = arith.constant 80 : index
          %get3A_296 = tpu.vector_load %arg12[%get3A_294, %get3A_295] {strides = array<i32>} : memref<128x128xf32, #tpu.memory_space<vmem>>, vector<1x16xf32>,
          %get3A_297 = vector.shape_cast %get3A_296 : vector<1x16xf32> to vector<16xf32>
          %get3A_298 = arith.index_cast %scan3A_208 : i32 to index
          %get3A_299 = arith.constant 80 : index
          %get3A_300 = tpu.vector_load %arg14[%get3A_298, %get3A_299] {strides = array<i32>} : memref<128x128xf32, #tpu.memory_space<vmem>>, vector<1x16xf32>,
          %get3A_301 = vector.shape_cast %get3A_300 : vector<1x16xf32> to vector<16xf32>
          %add3A_302 = arith.addf %get3A_297, %get3A_301 : vector<16xf32>
          %max3A_303 = arith.constant 0.000000e+00 : f32
          %max3A_304 = vector.broadcast %max3A_303 : f32 to vector<16xf32>
          %max3A_305 = arith.maximumf %add3A_302, %max3A_304 : vector<16xf32>
          %swap3A_306 = arith.index_cast %scan3A_208 : i32 to index
          %swap3A_307 = arith.constant 80 : index
          %swap3A_308 = tpu.vector_load %arg16[%swap3A_306, %swap3A_307] {strides = array<i32>} : memref<128x128xf32, #tpu.memory_space<vmem>>, vector<1x16xf32>,
          %swap3A_309 = vector.shape_cast %swap3A_308 : vector<1x16xf32> to vector<16xf32>
          %swap3A_310 = vector.shape_cast %max3A_305 : vector<16xf32> to vector<1x16xf32>
          tpu.vector_store %arg16[%swap3A_306, %swap3A_307], %swap3A_310 {strides = array<i32>} : memref<128x128xf32, #tpu.memory_space<vmem>>, vector<1x16xf32>,
          %get3A_311 = arith.index_cast %scan3A_208 : i32 to index
          %get3A_312 = arith.constant 96 : index
          %get3A_313 = tpu.vector_load %arg12[%get3A_311, %get3A_312] {strides = array<i32>} : memref<128x128xf32, #tpu.memory_space<vmem>>, vector<1x16xf32>,
          %get3A_314 = vector.shape_cast %get3A_313 : vector<1x16xf32> to vector<16xf32>
          %get3A_315 = arith.index_cast %scan3A_208 : i32 to index
          %get3A_316 = arith.constant 96 : index
          %get3A_317 = tpu.vector_load %arg14[%get3A_315, %get3A_316] {strides = array<i32>} : memref<128x128xf32, #tpu.memory_space<vmem>>, vector<1x16xf32>,
          %get3A_318 = vector.shape_cast %get3A_317 : vector<1x16xf32> to vector<16xf32>
          %add3A_319 = arith.addf %get3A_314, %get3A_318 : vector<16xf32>
          %max3A_320 = arith.constant 0.000000e+00 : f32
          %max3A_321 = vector.broadcast %max3A_320 : f32 to vector<16xf32>
          %max3A_322 = arith.maximumf %add3A_319, %max3A_321 : vector<16xf32>
          %swap3A_323 = arith.index_cast %scan3A_208 : i32 to index
          %swap3A_324 = arith.constant 96 : index
          %swap3A_325 = tpu.vector_load %arg16[%swap3A_323, %swap3A_324] {strides = array<i32>} : memref<128x128xf32, #tpu.memory_space<vmem>>, vector<1x16xf32>,
          %swap3A_326 = vector.shape_cast %swap3A_325 : vector<1x16xf32> to vector<16xf32>
          %swap3A_327 = vector.shape_cast %max3A_322 : vector<16xf32> to vector<1x16xf32>
          tpu.vector_store %arg16[%swap3A_323, %swap3A_324], %swap3A_327 {strides = array<i32>} : memref<128x128xf32, #tpu.memory_space<vmem>>, vector<1x16xf32>,
          %get3A_328 = arith.index_cast %scan3A_208 : i32 to index
          %get3A_329 = arith.constant 112 : index
          %get3A_330 = tpu.vector_load %arg12[%get3A_328, %get3A_329] {strides = array<i32>} : memref<128x128xf32, #tpu.memory_space<vmem>>, vector<1x16xf32>,
          %get3A_331 = vector.shape_cast %get3A_330 : vector<1x16xf32> to vector<16xf32>
          %get3A_332 = arith.index_cast %scan3A_208 : i32 to index
          %get3A_333 = arith.constant 112 : index
          %get3A_334 = tpu.vector_load %arg14[%get3A_332, %get3A_333] {strides = array<i32>} : memref<128x128xf32, #tpu.memory_space<vmem>>, vector<1x16xf32>,
          %get3A_335 = vector.shape_cast %get3A_334 : vector<1x16xf32> to vector<16xf32>
          %add3A_336 = arith.addf %get3A_331, %get3A_335 : vector<16xf32>
          %max3A_337 = arith.constant 0.000000e+00 : f32
          %max3A_338 = vector.broadcast %max3A_337 : f32 to vector<16xf32>
          %max3A_339 = arith.maximumf %add3A_336, %max3A_338 : vector<16xf32>
          %swap3A_340 = arith.index_cast %scan3A_208 : i32 to index
          %swap3A_341 = arith.constant 112 : index
          %swap3A_342 = tpu.vector_load %arg16[%swap3A_340, %swap3A_341] {strides = array<i32>} : memref<128x128xf32, #tpu.memory_space<vmem>>, vector<1x16xf32>,
          %swap3A_343 = vector.shape_cast %swap3A_342 : vector<1x16xf32> to vector<16xf32>
          %swap3A_344 = vector.shape_cast %max3A_339 : vector<16xf32> to vector<1x16xf32>
          tpu.vector_store %arg16[%swap3A_340, %swap3A_341], %swap3A_344 {strides = array<i32>} : memref<128x128xf32, #tpu.memory_space<vmem>>, vector<1x16xf32>,
          %scan3A_345 = arith.constant 0 : i32
          scf.yield %scan3A_345 : i32
        }
        %scan3A_63 = arith.constant 128 : i32
        %get3A = arith.constant 0 : index
        %get3A_64 = tpu.vector_load %arg7[%get3A] {strides = array<i32>} : memref<128xi32, #tpu.memory_space<vmem>>, vector<16xi32>,
        %get3A_65 = vector.shape_cast %get3A_64 : vector<16xi32> to vector<16xi32>
        %sub3A = vector.broadcast %mul3A_2 : i32 to vector<16xi32>
        %sub3A_66 = arith.subi %get3A_65, %sub3A : vector<16xi32>
        %ge3A = arith.constant 0 : i32
        %ge3A_67 = vector.broadcast %ge3A : i32 to vector<16xi32>
        %ge3A_68 = arith.cmpi sge, %sub3A_66, %ge3A_67 : vector<16xi32>
        %lt3A_69 = arith.constant 5120 : i32
        %lt3A_70 = vector.broadcast %lt3A_69 : i32 to vector<16xi32>
        %lt3A_71 = arith.cmpi slt, %sub3A_66, %lt3A_70 : vector<16xi32>
        %and3A = arith.andi %ge3A_68, %lt3A_71 : vector<16xi1>
        %jit3A = arith.constant 5120 : i32
        %broadcast_in_dim3A = vector.broadcast %jit3A : i32 to vector<16xi32>
        %select_n3A = arith.select %and3A, %sub3A_66, %broadcast_in_dim3A : vector<16xi1>, vector<16xi32>
        %swap3A = arith.constant 0 : index
        %swap3A_72 = tpu.vector_load %arg11[%swap3A] {strides = array<i32>} : memref<128xi32, #tpu.memory_space<vmem>>, vector<16xi32>,
        %swap3A_73 = vector.shape_cast %swap3A_72 : vector<16xi32> to vector<16xi32>
        %swap3A_74 = vector.shape_cast %select_n3A : vector<16xi32> to vector<16xi32>
        tpu.vector_store %arg11[%swap3A], %swap3A_74 {strides = array<i32>} : memref<128xi32, #tpu.memory_space<vmem>>, vector<16xi32>,
        %get3A_75 = arith.constant 16 : index
        %get3A_76 = tpu.vector_load %arg7[%get3A_75] {strides = array<i32>} : memref<128xi32, #tpu.memory_space<vmem>>, vector<16xi32>,
        %get3A_77 = vector.shape_cast %get3A_76 : vector<16xi32> to vector<16xi32>
        %sub3A_78 = vector.broadcast %mul3A_2 : i32 to vector<16xi32>
        %sub3A_79 = arith.subi %get3A_77, %sub3A_78 : vector<16xi32>
        %ge3A_80 = arith.constant 0 : i32
        %ge3A_81 = vector.broadcast %ge3A_80 : i32 to vector<16xi32>
        %ge3A_82 = arith.cmpi sge, %sub3A_79, %ge3A_81 : vector<16xi32>
        %lt3A_83 = arith.constant 5120 : i32
        %lt3A_84 = vector.broadcast %lt3A_83 : i32 to vector<16xi32>
        %lt3A_85 = arith.cmpi slt, %sub3A_79, %lt3A_84 : vector<16xi32>
        %and3A_86 = arith.andi %ge3A_82, %lt3A_85 : vector<16xi1>
        %jit3A_87 = arith.constant 5120 : i32
        %broadcast_in_dim3A_88 = vector.broadcast %jit3A_87 : i32 to vector<16xi32>
        %select_n3A_89 = arith.select %and3A_86, %sub3A_79, %broadcast_in_dim3A_88 : vector<16xi1>, vector<16xi32>
        %swap3A_90 = arith.constant 16 : index
        %swap3A_91 = tpu.vector_load %arg11[%swap3A_90] {strides = array<i32>} : memref<128xi32, #tpu.memory_space<vmem>>, vector<16xi32>,
        %swap3A_92 = vector.shape_cast %swap3A_91 : vector<16xi32> to vector<16xi32>
        %swap3A_93 = vector.shape_cast %select_n3A_89 : vector<16xi32> to vector<16xi32>
        tpu.vector_store %arg11[%swap3A_90], %swap3A_93 {strides = array<i32>} : memref<128xi32, #tpu.memory_space<vmem>>, vector<16xi32>,
        %get3A_94 = arith.constant 32 : index
        %get3A_95 = tpu.vector_load %arg7[%get3A_94] {strides = array<i32>} : memref<128xi32, #tpu.memory_space<vmem>>, vector<16xi32>,
        %get3A_96 = vector.shape_cast %get3A_95 : vector<16xi32> to vector<16xi32>
        %sub3A_97 = vector.broadcast %mul3A_2 : i32 to vector<16xi32>
        %sub3A_98 = arith.subi %get3A_96, %sub3A_97 : vector<16xi32>
        %ge3A_99 = arith.constant 0 : i32
        %ge3A_100 = vector.broadcast %ge3A_99 : i32 to vector<16xi32>
        %ge3A_101 = arith.cmpi sge, %sub3A_98, %ge3A_100 : vector<16xi32>
        %lt3A_102 = arith.constant 5120 : i32
        %lt3A_103 = vector.broadcast %lt3A_102 : i32 to vector<16xi32>
        %lt3A_104 = arith.cmpi slt, %sub3A_98, %lt3A_103 : vector<16xi32>
        %and3A_105 = arith.andi %ge3A_101, %lt3A_104 : vector<16xi1>
        %jit3A_106 = arith.constant 5120 : i32
        %broadcast_in_dim3A_107 = vector.broadcast %jit3A_106 : i32 to vector<16xi32>
        %select_n3A_108 = arith.select %and3A_105, %sub3A_98, %broadcast_in_dim3A_107 : vector<16xi1>, vector<16xi32>
        %swap3A_109 = arith.constant 32 : index
        %swap3A_110 = tpu.vector_load %arg11[%swap3A_109] {strides = array<i32>} : memref<128xi32, #tpu.memory_space<vmem>>, vector<16xi32>,
        %swap3A_111 = vector.shape_cast %swap3A_110 : vector<16xi32> to vector<16xi32>
        %swap3A_112 = vector.shape_cast %select_n3A_108 : vector<16xi32> to vector<16xi32>
        tpu.vector_store %arg11[%swap3A_109], %swap3A_112 {strides = array<i32>} : memref<128xi32, #tpu.memory_space<vmem>>, vector<16xi32>,
        %get3A_113 = arith.constant 48 : index
        %get3A_114 = tpu.vector_load %arg7[%get3A_113] {strides = array<i32>} : memref<128xi32, #tpu.memory_space<vmem>>, vector<16xi32>,
        %get3A_115 = vector.shape_cast %get3A_114 : vector<16xi32> to vector<16xi32>
        %sub3A_116 = vector.broadcast %mul3A_2 : i32 to vector<16xi32>
        %sub3A_117 = arith.subi %get3A_115, %sub3A_116 : vector<16xi32>
        %ge3A_118 = arith.constant 0 : i32
        %ge3A_119 = vector.broadcast %ge3A_118 : i32 to vector<16xi32>
        %ge3A_120 = arith.cmpi sge, %sub3A_117, %ge3A_119 : vector<16xi32>
        %lt3A_121 = arith.constant 5120 : i32
        %lt3A_122 = vector.broadcast %lt3A_121 : i32 to vector<16xi32>
        %lt3A_123 = arith.cmpi slt, %sub3A_117, %lt3A_122 : vector<16xi32>
        %and3A_124 = arith.andi %ge3A_120, %lt3A_123 : vector<16xi1>
        %jit3A_125 = arith.constant 5120 : i32
        %broadcast_in_dim3A_126 = vector.broadcast %jit3A_125 : i32 to vector<16xi32>
        %select_n3A_127 = arith.select %and3A_124, %sub3A_117, %broadcast_in_dim3A_126 : vector<16xi1>, vector<16xi32>
        %swap3A_128 = arith.constant 48 : index
        %swap3A_129 = tpu.vector_load %arg11[%swap3A_128] {strides = array<i32>} : memref<128xi32, #tpu.memory_space<vmem>>, vector<16xi32>,
        %swap3A_130 = vector.shape_cast %swap3A_129 : vector<16xi32> to vector<16xi32>
        %swap3A_131 = vector.shape_cast %select_n3A_127 : vector<16xi32> to vector<16xi32>
        tpu.vector_store %arg11[%swap3A_128], %swap3A_131 {strides = array<i32>} : memref<128xi32, #tpu.memory_space<vmem>>, vector<16xi32>,
        %get3A_132 = arith.constant 64 : index
        %get3A_133 = tpu.vector_load %arg7[%get3A_132] {strides = array<i32>} : memref<128xi32, #tpu.memory_space<vmem>>, vector<16xi32>,
        %get3A_134 = vector.shape_cast %get3A_133 : vector<16xi32> to vector<16xi32>
        %sub3A_135 = vector.broadcast %mul3A_2 : i32 to vector<16xi32>
        %sub3A_136 = arith.subi %get3A_134, %sub3A_135 : vector<16xi32>
        %ge3A_137 = arith.constant 0 : i32
        %ge3A_138 = vector.broadcast %ge3A_137 : i32 to vector<16xi32>
        %ge3A_139 = arith.cmpi sge, %sub3A_136, %ge3A_138 : vector<16xi32>
        %lt3A_140 = arith.constant 5120 : i32
        %lt3A_141 = vector.broadcast %lt3A_140 : i32 to vector<16xi32>
        %lt3A_142 = arith.cmpi slt, %sub3A_136, %lt3A_141 : vector<16xi32>
        %and3A_143 = arith.andi %ge3A_139, %lt3A_142 : vector<16xi1>
        %jit3A_144 = arith.constant 5120 : i32
        %broadcast_in_dim3A_145 = vector.broadcast %jit3A_144 : i32 to vector<16xi32>
        %select_n3A_146 = arith.select %and3A_143, %sub3A_136, %broadcast_in_dim3A_145 : vector<16xi1>, vector<16xi32>
        %swap3A_147 = arith.constant 64 : index
        %swap3A_148 = tpu.vector_load %arg11[%swap3A_147] {strides = array<i32>} : memref<128xi32, #tpu.memory_space<vmem>>, vector<16xi32>,
        %swap3A_149 = vector.shape_cast %swap3A_148 : vector<16xi32> to vector<16xi32>
        %swap3A_150 = vector.shape_cast %select_n3A_146 : vector<16xi32> to vector<16xi32>
        tpu.vector_store %arg11[%swap3A_147], %swap3A_150 {strides = array<i32>} : memref<128xi32, #tpu.memory_space<vmem>>, vector<16xi32>,
        %get3A_151 = arith.constant 80 : index
        %get3A_152 = tpu.vector_load %arg7[%get3A_151] {strides = array<i32>} : memref<128xi32, #tpu.memory_space<vmem>>, vector<16xi32>,
        %get3A_153 = vector.shape_cast %get3A_152 : vector<16xi32> to vector<16xi32>
        %sub3A_154 = vector.broadcast %mul3A_2 : i32 to vector<16xi32>
        %sub3A_155 = arith.subi %get3A_153, %sub3A_154 : vector<16xi32>
        %ge3A_156 = arith.constant 0 : i32
        %ge3A_157 = vector.broadcast %ge3A_156 : i32 to vector<16xi32>
        %ge3A_158 = arith.cmpi sge, %sub3A_155, %ge3A_157 : vector<16xi32>
        %lt3A_159 = arith.constant 5120 : i32
        %lt3A_160 = vector.broadcast %lt3A_159 : i32 to vector<16xi32>
        %lt3A_161 = arith.cmpi slt, %sub3A_155, %lt3A_160 : vector<16xi32>
        %and3A_162 = arith.andi %ge3A_158, %lt3A_161 : vector<16xi1>
        %jit3A_163 = arith.constant 5120 : i32
        %broadcast_in_dim3A_164 = vector.broadcast %jit3A_163 : i32 to vector<16xi32>
        %select_n3A_165 = arith.select %and3A_162, %sub3A_155, %broadcast_in_dim3A_164 : vector<16xi1>, vector<16xi32>
        %swap3A_166 = arith.constant 80 : index
        %swap3A_167 = tpu.vector_load %arg11[%swap3A_166] {strides = array<i32>} : memref<128xi32, #tpu.memory_space<vmem>>, vector<16xi32>,
        %swap3A_168 = vector.shape_cast %swap3A_167 : vector<16xi32> to vector<16xi32>
        %swap3A_169 = vector.shape_cast %select_n3A_165 : vector<16xi32> to vector<16xi32>
        tpu.vector_store %arg11[%swap3A_166], %swap3A_169 {strides = array<i32>} : memref<128xi32, #tpu.memory_space<vmem>>, vector<16xi32>,
        %get3A_170 = arith.constant 96 : index
        %get3A_171 = tpu.vector_load %arg7[%get3A_170] {strides = array<i32>} : memref<128xi32, #tpu.memory_space<vmem>>, vector<16xi32>,
        %get3A_172 = vector.shape_cast %get3A_171 : vector<16xi32> to vector<16xi32>
        %sub3A_173 = vector.broadcast %mul3A_2 : i32 to vector<16xi32>
        %sub3A_174 = arith.subi %get3A_172, %sub3A_173 : vector<16xi32>
        %ge3A_175 = arith.constant 0 : i32
        %ge3A_176 = vector.broadcast %ge3A_175 : i32 to vector<16xi32>
        %ge3A_177 = arith.cmpi sge, %sub3A_174, %ge3A_176 : vector<16xi32>
        %lt3A_178 = arith.constant 5120 : i32
        %lt3A_179 = vector.broadcast %lt3A_178 : i32 to vector<16xi32>
        %lt3A_180 = arith.cmpi slt, %sub3A_174, %lt3A_179 : vector<16xi32>
        %and3A_181 = arith.andi %ge3A_177, %lt3A_180 : vector<16xi1>
        %jit3A_182 = arith.constant 5120 : i32
        %broadcast_in_dim3A_183 = vector.broadcast %jit3A_182 : i32 to vector<16xi32>
        %select_n3A_184 = arith.select %and3A_181, %sub3A_174, %broadcast_in_dim3A_183 : vector<16xi1>, vector<16xi32>
        %swap3A_185 = arith.constant 96 : index
        %swap3A_186 = tpu.vector_load %arg11[%swap3A_185] {strides = array<i32>} : memref<128xi32, #tpu.memory_space<vmem>>, vector<16xi32>,
        %swap3A_187 = vector.shape_cast %swap3A_186 : vector<16xi32> to vector<16xi32>
        %swap3A_188 = vector.shape_cast %select_n3A_184 : vector<16xi32> to vector<16xi32>
        tpu.vector_store %arg11[%swap3A_185], %swap3A_188 {strides = array<i32>} : memref<128xi32, #tpu.memory_space<vmem>>, vector<16xi32>,
        %get3A_189 = arith.constant 112 : index
        %get3A_190 = tpu.vector_load %arg7[%get3A_189] {strides = array<i32>} : memref<128xi32, #tpu.memory_space<vmem>>, vector<16xi32>,
        %get3A_191 = vector.shape_cast %get3A_190 : vector<16xi32> to vector<16xi32>
        %sub3A_192 = vector.broadcast %mul3A_2 : i32 to vector<16xi32>
        %sub3A_193 = arith.subi %get3A_191, %sub3A_192 : vector<16xi32>
        %ge3A_194 = arith.constant 0 : i32
        %ge3A_195 = vector.broadcast %ge3A_194 : i32 to vector<16xi32>
        %ge3A_196 = arith.cmpi sge, %sub3A_193, %ge3A_195 : vector<16xi32>
        %lt3A_197 = arith.constant 5120 : i32
        %lt3A_198 = vector.broadcast %lt3A_197 : i32 to vector<16xi32>
        %lt3A_199 = arith.cmpi slt, %sub3A_193, %lt3A_198 : vector<16xi32>
        %and3A_200 = arith.andi %ge3A_196, %lt3A_199 : vector<16xi1>
        %jit3A_201 = arith.constant 5120 : i32
        %broadcast_in_dim3A_202 = vector.broadcast %jit3A_201 : i32 to vector<16xi32>
        %select_n3A_203 = arith.select %and3A_200, %sub3A_193, %broadcast_in_dim3A_202 : vector<16xi1>, vector<16xi32>
        %swap3A_204 = arith.constant 112 : index
        %swap3A_205 = tpu.vector_load %arg11[%swap3A_204] {strides = array<i32>} : memref<128xi32, #tpu.memory_space<vmem>>, vector<16xi32>,
        %swap3A_206 = vector.shape_cast %swap3A_205 : vector<16xi32> to vector<16xi32>
        %swap3A_207 = vector.shape_cast %select_n3A_203 : vector<16xi32> to vector<16xi32>
        tpu.vector_store %arg11[%swap3A_204], %swap3A_207 {strides = array<i32>} : memref<128xi32, #tpu.memory_space<vmem>>, vector<16xi32>,
        "tpu.region"() ({
          %run_scoped3A = tpu.sem_alloc : memref<!tpu.dma_semaphore, #tpu.memory_space<semaphore_mem>>
          %dma_start3A = arith.constant 0 : i32
          %dma_start3A_208 = arith.constant 0 : i32
          %dma_start3A_209 = tpu.memref_slice %arg17[%dma_start3A, %dma_start3A_208] : memref<5248x128xf32, #tpu.memory_space<vmem_shared>> -> memref<5248x128xf32, #tpu.memory_space<vmem_shared>>
          tpu.enqueue_indirect_dma source(%arg16 : memref<128x128xf32, #tpu.memory_space<vmem>>) target(%dma_start3A_209 : memref<5248x128xf32, #tpu.memory_space<vmem_shared>>) offsets(%arg11 : memref<128xi32, #tpu.memory_space<vmem>>) semaphore(%run_scoped3A : memref<!tpu.dma_semaphore, #tpu.memory_space<semaphore_mem>>) {add = true}
          %dma_wait3A_210 = arith.constant 0 : i32
          %dma_wait3A_211 = arith.constant 0 : i32
          %dma_wait3A_212 = tpu.memref_slice %arg17[%dma_wait3A_210, %dma_wait3A_211] : memref<5248x128xf32, #tpu.memory_space<vmem_shared>> -> memref<5248x128xf32, #tpu.memory_space<vmem_shared>>
          tpu.wait_indirect_dma semaphore(%run_scoped3A : memref<!tpu.dma_semaphore, #tpu.memory_space<semaphore_mem>>) src(%arg16 : memref<128x128xf32, #tpu.memory_space<vmem>>) dst(%dma_wait3A_212 : memref<5248x128xf32, #tpu.memory_space<vmem_shared>>)
          tpu.yield
        }) : () -> ()
      } else {
      }
      %mul3A_32 = arith.constant 2 : i32
      %mul3A_33 = arith.muli %mul3A_32, %scan3A_12 : i32
      %add3A_34 = arith.constant 1 : i32
      %add3A_35 = arith.addi %mul3A_33, %add3A_34 : i32
      %mul3A_36 = arith.constant 16 : i32
      %mul3A_37 = arith.muli %add3A_35, %mul3A_36 : i32
      %add3A_38 = arith.addi %mul3A_37, %arg1 : i32
      %add3A_39 = arith.constant 16 : i32
      %add3A_40 = arith.addi %add3A_38, %add3A_39 : i32
      %lt3A_41 = arith.constant 2500 : i32
      %lt3A_42 = arith.cmpi slt, %add3A_40, %lt3A_41 : i32
      %convert_element_type3A_43 = arith.extui %lt3A_42 : i1 to i32
      %cond3A_44 = arith.constant 0 : i32
      %cond3A_45 = arith.cmpi ne, %convert_element_type3A_43, %cond3A_44 : i32
      scf.if %cond3A_45 {
        %mul3A_52 = arith.constant 128 : i32
        %mul3A_53 = arith.muli %add3A_40, %mul3A_52 : i32
        %multiple_of3A = tpu.assume_multiple %mul3A_53, 8 : i32
        %run_scoped3A = arith.constant 1 : i32
        "tpu.region"() ({
          %run_scoped3A_60 = tpu.sem_alloc : memref<!tpu.dma_semaphore, #tpu.memory_space<semaphore_mem>>
          %dma_start3A_61 = tpu.memref_slice %arg4[%run_scoped3A, %multiple_of3A] : memref<2x320000xi32, #tpu.memory_space<hbm>> -> memref<1x128xi32, #tpu.memory_space<hbm>>
          %dma_start3A_62 = tpu.memref_squeeze %dma_start3A_61 : memref<1x128xi32, #tpu.memory_space<hbm>> -> memref<128xi32, #tpu.memory_space<hbm>>
          %dma_start3A_63 = tpu.memref_slice %arg4[%run_scoped3A, %multiple_of3A] : memref<2x320000xi32, #tpu.memory_space<hbm>> -> memref<1x128xi32, #tpu.memory_space<hbm>>
          %dma_start3A_64 = tpu.memref_squeeze %dma_start3A_63 : memref<1x128xi32, #tpu.memory_space<hbm>> -> memref<128xi32, #tpu.memory_space<hbm>>
          tpu.enqueue_dma source(%dma_start3A_64 : memref<128xi32, #tpu.memory_space<hbm>>) target(%arg7 : memref<128xi32, #tpu.memory_space<vmem>>) target_semaphore(%run_scoped3A_60 : memref<!tpu.dma_semaphore, #tpu.memory_space<semaphore_mem>>)
          %dma_wait3A = tpu.memref_slice %arg4[%run_scoped3A, %multiple_of3A] : memref<2x320000xi32, #tpu.memory_space<hbm>> -> memref<1x128xi32, #tpu.memory_space<hbm>>
          %dma_wait3A_65 = tpu.memref_squeeze %dma_wait3A : memref<1x128xi32, #tpu.memory_space<hbm>> -> memref<128xi32, #tpu.memory_space<hbm>>
          %dma_wait3A_66 = tpu.memref_slice %arg4[%run_scoped3A, %multiple_of3A] : memref<2x320000xi32, #tpu.memory_space<hbm>> -> memref<1x128xi32, #tpu.memory_space<hbm>>
          %dma_wait3A_67 = tpu.memref_squeeze %dma_wait3A_66 : memref<1x128xi32, #tpu.memory_space<hbm>> -> memref<128xi32, #tpu.memory_space<hbm>>
          tpu.wait_dma2 semaphore(%run_scoped3A_60 : memref<!tpu.dma_semaphore, #tpu.memory_space<semaphore_mem>>) src(%dma_wait3A_67 : memref<128xi32, #tpu.memory_space<hbm>>) dst(%arg7 : memref<128xi32, #tpu.memory_space<vmem>>)
          tpu.yield
        }) : () -> ()
        %run_scoped3A_54 = arith.constant 0 : i32
        "tpu.region"() ({
          %run_scoped3A_60 = tpu.sem_alloc : memref<!tpu.dma_semaphore, #tpu.memory_space<semaphore_mem>>
          %dma_start3A_61 = tpu.memref_slice %arg4[%run_scoped3A_54, %multiple_of3A] : memref<2x320000xi32, #tpu.memory_space<hbm>> -> memref<1x128xi32, #tpu.memory_space<hbm>>
          %dma_start3A_62 = tpu.memref_squeeze %dma_start3A_61 : memref<1x128xi32, #tpu.memory_space<hbm>> -> memref<128xi32, #tpu.memory_space<hbm>>
          %dma_start3A_63 = tpu.memref_slice %arg4[%run_scoped3A_54, %multiple_of3A] : memref<2x320000xi32, #tpu.memory_space<hbm>> -> memref<1x128xi32, #tpu.memory_space<hbm>>
          %dma_start3A_64 = tpu.memref_squeeze %dma_start3A_63 : memref<1x128xi32, #tpu.memory_space<hbm>> -> memref<128xi32, #tpu.memory_space<hbm>>
          tpu.enqueue_dma source(%dma_start3A_64 : memref<128xi32, #tpu.memory_space<hbm>>) target(%arg9 : memref<128xi32, #tpu.memory_space<vmem>>) target_semaphore(%run_scoped3A_60 : memref<!tpu.dma_semaphore, #tpu.memory_space<semaphore_mem>>)
          %dma_wait3A = tpu.memref_slice %arg4[%run_scoped3A_54, %multiple_of3A] : memref<2x320000xi32, #tpu.memory_space<hbm>> -> memref<1x128xi32, #tpu.memory_space<hbm>>
          %dma_wait3A_65 = tpu.memref_squeeze %dma_wait3A : memref<1x128xi32, #tpu.memory_space<hbm>> -> memref<128xi32, #tpu.memory_space<hbm>>
          %dma_wait3A_66 = tpu.memref_slice %arg4[%run_scoped3A_54, %multiple_of3A] : memref<2x320000xi32, #tpu.memory_space<hbm>> -> memref<1x128xi32, #tpu.memory_space<hbm>>
          %dma_wait3A_67 = tpu.memref_squeeze %dma_wait3A_66 : memref<1x128xi32, #tpu.memory_space<hbm>> -> memref<128xi32, #tpu.memory_space<hbm>>
          tpu.wait_dma2 semaphore(%run_scoped3A_60 : memref<!tpu.dma_semaphore, #tpu.memory_space<semaphore_mem>>) src(%dma_wait3A_67 : memref<128xi32, #tpu.memory_space<hbm>>) dst(%arg9 : memref<128xi32, #tpu.memory_space<vmem>>)
          tpu.yield
        }) : () -> ()
        %dma_start3A = arith.constant 0 : i32
        %dma_start3A_55 = arith.constant 0 : i32
        %dma_start3A_56 = tpu.memref_slice %arg2[%dma_start3A, %dma_start3A_55] : memref<10240x128xf32, #tpu.memory_space<hbm>> -> memref<10240x128xf32, #tpu.memory_space<hbm>>
        tpu.enqueue_indirect_dma source(%dma_start3A_56 : memref<10240x128xf32, #tpu.memory_space<hbm>>) target(%arg12 : memref<128x128xf32, #tpu.memory_space<vmem>>) offsets(%arg7 : memref<128xi32, #tpu.memory_space<vmem>>) semaphore(%arg18 : memref<!tpu.dma_semaphore, #tpu.memory_space<semaphore_mem>>)
        %dma_start3A_57 = arith.constant 0 : i32
        %dma_start3A_58 = arith.constant 0 : i32
        %dma_start3A_59 = tpu.memref_slice %arg3[%dma_start3A_57, %dma_start3A_58] : memref<10240x128xf32, #tpu.memory_space<hbm>> -> memref<10240x128xf32, #tpu.memory_space<hbm>>
        tpu.enqueue_indirect_dma source(%dma_start3A_59 : memref<10240x128xf32, #tpu.memory_space<hbm>>) target(%arg14 : memref<128x128xf32, #tpu.memory_space<vmem>>) offsets(%arg9 : memref<128xi32, #tpu.memory_space<vmem>>) semaphore(%arg20 : memref<!tpu.dma_semaphore, #tpu.memory_space<semaphore_mem>>)
      } else {
      }
      %lt3A_46 = arith.constant 2500 : i32
      %lt3A_47 = arith.cmpi slt, %add3A_38, %lt3A_46 : i32
      %convert_element_type3A_48 = arith.extui %lt3A_47 : i1 to i32
      %cond3A_49 = arith.constant 0 : i32
      %cond3A_50 = arith.cmpi ne, %convert_element_type3A_48, %cond3A_49 : i32
      scf.if %cond3A_50 {
        %dma_wait3A = arith.constant 0 : i32
        %dma_wait3A_52 = arith.constant 0 : i32
        %dma_wait3A_53 = tpu.memref_slice %arg2[%dma_wait3A, %dma_wait3A_52] : memref<10240x128xf32, #tpu.memory_space<hbm>> -> memref<10240x128xf32, #tpu.memory_space<hbm>>
        tpu.wait_indirect_dma semaphore(%arg19 : memref<!tpu.dma_semaphore, #tpu.memory_space<semaphore_mem>>) src(%dma_wait3A_53 : memref<10240x128xf32, #tpu.memory_space<hbm>>) dst(%arg13 : memref<128x128xf32, #tpu.memory_space<vmem>>)
        %dma_wait3A_54 = arith.constant 0 : i32
        %dma_wait3A_55 = arith.constant 0 : i32
        %dma_wait3A_56 = tpu.memref_slice %arg3[%dma_wait3A_54, %dma_wait3A_55] : memref<10240x128xf32, #tpu.memory_space<hbm>> -> memref<10240x128xf32, #tpu.memory_space<hbm>>
        tpu.wait_indirect_dma semaphore(%arg21 : memref<!tpu.dma_semaphore, #tpu.memory_space<semaphore_mem>>) src(%dma_wait3A_56 : memref<10240x128xf32, #tpu.memory_space<hbm>>) dst(%arg15 : memref<128x128xf32, #tpu.memory_space<vmem>>)
        %scan3A_57 = arith.constant 0 : i32
        %scan3A_58 = arith.constant 0 : i32
        %scan3A_59 = arith.constant 128 : i32
        %scan3A_60 = arith.addi %scan3A_58, %scan3A_59 : i32
        %scan3A_61 = arith.constant 1 : i32
        %scan3A_62 = scf.for %scan3A_208 = %scan3A_58 to %scan3A_60 step %scan3A_61 iter_args(%scan3A_209 = %scan3A_57) -> (i32)  : i32 {
          %get3A_210 = arith.index_cast %scan3A_208 : i32 to index
          %get3A_211 = arith.constant 0 : index
          %get3A_212 = tpu.vector_load %arg13[%get3A_210, %get3A_211] {strides = array<i32>} : memref<128x128xf32, #tpu.memory_space<vmem>>, vector<1x16xf32>,
          %get3A_213 = vector.shape_cast %get3A_212 : vector<1x16xf32> to vector<16xf32>
          %get3A_214 = arith.index_cast %scan3A_208 : i32 to index
          %get3A_215 = arith.constant 0 : index
          %get3A_216 = tpu.vector_load %arg15[%get3A_214, %get3A_215] {strides = array<i32>} : memref<128x128xf32, #tpu.memory_space<vmem>>, vector<1x16xf32>,
          %get3A_217 = vector.shape_cast %get3A_216 : vector<1x16xf32> to vector<16xf32>
          %add3A_218 = arith.addf %get3A_213, %get3A_217 : vector<16xf32>
          %max3A = arith.constant 0.000000e+00 : f32
          %max3A_219 = vector.broadcast %max3A : f32 to vector<16xf32>
          %max3A_220 = arith.maximumf %add3A_218, %max3A_219 : vector<16xf32>
          %swap3A_221 = arith.index_cast %scan3A_208 : i32 to index
          %swap3A_222 = arith.constant 0 : index
          %swap3A_223 = tpu.vector_load %arg16[%swap3A_221, %swap3A_222] {strides = array<i32>} : memref<128x128xf32, #tpu.memory_space<vmem>>, vector<1x16xf32>,
          %swap3A_224 = vector.shape_cast %swap3A_223 : vector<1x16xf32> to vector<16xf32>
          %swap3A_225 = vector.shape_cast %max3A_220 : vector<16xf32> to vector<1x16xf32>
          tpu.vector_store %arg16[%swap3A_221, %swap3A_222], %swap3A_225 {strides = array<i32>} : memref<128x128xf32, #tpu.memory_space<vmem>>, vector<1x16xf32>,
          %get3A_226 = arith.index_cast %scan3A_208 : i32 to index
          %get3A_227 = arith.constant 16 : index
          %get3A_228 = tpu.vector_load %arg13[%get3A_226, %get3A_227] {strides = array<i32>} : memref<128x128xf32, #tpu.memory_space<vmem>>, vector<1x16xf32>,
          %get3A_229 = vector.shape_cast %get3A_228 : vector<1x16xf32> to vector<16xf32>
          %get3A_230 = arith.index_cast %scan3A_208 : i32 to index
          %get3A_231 = arith.constant 16 : index
          %get3A_232 = tpu.vector_load %arg15[%get3A_230, %get3A_231] {strides = array<i32>} : memref<128x128xf32, #tpu.memory_space<vmem>>, vector<1x16xf32>,
          %get3A_233 = vector.shape_cast %get3A_232 : vector<1x16xf32> to vector<16xf32>
          %add3A_234 = arith.addf %get3A_229, %get3A_233 : vector<16xf32>
          %max3A_235 = arith.constant 0.000000e+00 : f32
          %max3A_236 = vector.broadcast %max3A_235 : f32 to vector<16xf32>
          %max3A_237 = arith.maximumf %add3A_234, %max3A_236 : vector<16xf32>
          %swap3A_238 = arith.index_cast %scan3A_208 : i32 to index
          %swap3A_239 = arith.constant 16 : index
          %swap3A_240 = tpu.vector_load %arg16[%swap3A_238, %swap3A_239] {strides = array<i32>} : memref<128x128xf32, #tpu.memory_space<vmem>>, vector<1x16xf32>,
          %swap3A_241 = vector.shape_cast %swap3A_240 : vector<1x16xf32> to vector<16xf32>
          %swap3A_242 = vector.shape_cast %max3A_237 : vector<16xf32> to vector<1x16xf32>
          tpu.vector_store %arg16[%swap3A_238, %swap3A_239], %swap3A_242 {strides = array<i32>} : memref<128x128xf32, #tpu.memory_space<vmem>>, vector<1x16xf32>,
          %get3A_243 = arith.index_cast %scan3A_208 : i32 to index
          %get3A_244 = arith.constant 32 : index
          %get3A_245 = tpu.vector_load %arg13[%get3A_243, %get3A_244] {strides = array<i32>} : memref<128x128xf32, #tpu.memory_space<vmem>>, vector<1x16xf32>,
          %get3A_246 = vector.shape_cast %get3A_245 : vector<1x16xf32> to vector<16xf32>
          %get3A_247 = arith.index_cast %scan3A_208 : i32 to index
          %get3A_248 = arith.constant 32 : index
          %get3A_249 = tpu.vector_load %arg15[%get3A_247, %get3A_248] {strides = array<i32>} : memref<128x128xf32, #tpu.memory_space<vmem>>, vector<1x16xf32>,
          %get3A_250 = vector.shape_cast %get3A_249 : vector<1x16xf32> to vector<16xf32>
          %add3A_251 = arith.addf %get3A_246, %get3A_250 : vector<16xf32>
          %max3A_252 = arith.constant 0.000000e+00 : f32
          %max3A_253 = vector.broadcast %max3A_252 : f32 to vector<16xf32>
          %max3A_254 = arith.maximumf %add3A_251, %max3A_253 : vector<16xf32>
          %swap3A_255 = arith.index_cast %scan3A_208 : i32 to index
          %swap3A_256 = arith.constant 32 : index
          %swap3A_257 = tpu.vector_load %arg16[%swap3A_255, %swap3A_256] {strides = array<i32>} : memref<128x128xf32, #tpu.memory_space<vmem>>, vector<1x16xf32>,
          %swap3A_258 = vector.shape_cast %swap3A_257 : vector<1x16xf32> to vector<16xf32>
          %swap3A_259 = vector.shape_cast %max3A_254 : vector<16xf32> to vector<1x16xf32>
          tpu.vector_store %arg16[%swap3A_255, %swap3A_256], %swap3A_259 {strides = array<i32>} : memref<128x128xf32, #tpu.memory_space<vmem>>, vector<1x16xf32>,
          %get3A_260 = arith.index_cast %scan3A_208 : i32 to index
          %get3A_261 = arith.constant 48 : index
          %get3A_262 = tpu.vector_load %arg13[%get3A_260, %get3A_261] {strides = array<i32>} : memref<128x128xf32, #tpu.memory_space<vmem>>, vector<1x16xf32>,
          %get3A_263 = vector.shape_cast %get3A_262 : vector<1x16xf32> to vector<16xf32>
          %get3A_264 = arith.index_cast %scan3A_208 : i32 to index
          %get3A_265 = arith.constant 48 : index
          %get3A_266 = tpu.vector_load %arg15[%get3A_264, %get3A_265] {strides = array<i32>} : memref<128x128xf32, #tpu.memory_space<vmem>>, vector<1x16xf32>,
          %get3A_267 = vector.shape_cast %get3A_266 : vector<1x16xf32> to vector<16xf32>
          %add3A_268 = arith.addf %get3A_263, %get3A_267 : vector<16xf32>
          %max3A_269 = arith.constant 0.000000e+00 : f32
          %max3A_270 = vector.broadcast %max3A_269 : f32 to vector<16xf32>
          %max3A_271 = arith.maximumf %add3A_268, %max3A_270 : vector<16xf32>
          %swap3A_272 = arith.index_cast %scan3A_208 : i32 to index
          %swap3A_273 = arith.constant 48 : index
          %swap3A_274 = tpu.vector_load %arg16[%swap3A_272, %swap3A_273] {strides = array<i32>} : memref<128x128xf32, #tpu.memory_space<vmem>>, vector<1x16xf32>,
          %swap3A_275 = vector.shape_cast %swap3A_274 : vector<1x16xf32> to vector<16xf32>
          %swap3A_276 = vector.shape_cast %max3A_271 : vector<16xf32> to vector<1x16xf32>
          tpu.vector_store %arg16[%swap3A_272, %swap3A_273], %swap3A_276 {strides = array<i32>} : memref<128x128xf32, #tpu.memory_space<vmem>>, vector<1x16xf32>,
          %get3A_277 = arith.index_cast %scan3A_208 : i32 to index
          %get3A_278 = arith.constant 64 : index
          %get3A_279 = tpu.vector_load %arg13[%get3A_277, %get3A_278] {strides = array<i32>} : memref<128x128xf32, #tpu.memory_space<vmem>>, vector<1x16xf32>,
          %get3A_280 = vector.shape_cast %get3A_279 : vector<1x16xf32> to vector<16xf32>
          %get3A_281 = arith.index_cast %scan3A_208 : i32 to index
          %get3A_282 = arith.constant 64 : index
          %get3A_283 = tpu.vector_load %arg15[%get3A_281, %get3A_282] {strides = array<i32>} : memref<128x128xf32, #tpu.memory_space<vmem>>, vector<1x16xf32>,
          %get3A_284 = vector.shape_cast %get3A_283 : vector<1x16xf32> to vector<16xf32>
          %add3A_285 = arith.addf %get3A_280, %get3A_284 : vector<16xf32>
          %max3A_286 = arith.constant 0.000000e+00 : f32
          %max3A_287 = vector.broadcast %max3A_286 : f32 to vector<16xf32>
          %max3A_288 = arith.maximumf %add3A_285, %max3A_287 : vector<16xf32>
          %swap3A_289 = arith.index_cast %scan3A_208 : i32 to index
          %swap3A_290 = arith.constant 64 : index
          %swap3A_291 = tpu.vector_load %arg16[%swap3A_289, %swap3A_290] {strides = array<i32>} : memref<128x128xf32, #tpu.memory_space<vmem>>, vector<1x16xf32>,
          %swap3A_292 = vector.shape_cast %swap3A_291 : vector<1x16xf32> to vector<16xf32>
          %swap3A_293 = vector.shape_cast %max3A_288 : vector<16xf32> to vector<1x16xf32>
          tpu.vector_store %arg16[%swap3A_289, %swap3A_290], %swap3A_293 {strides = array<i32>} : memref<128x128xf32, #tpu.memory_space<vmem>>, vector<1x16xf32>,
          %get3A_294 = arith.index_cast %scan3A_208 : i32 to index
          %get3A_295 = arith.constant 80 : index
          %get3A_296 = tpu.vector_load %arg13[%get3A_294, %get3A_295] {strides = array<i32>} : memref<128x128xf32, #tpu.memory_space<vmem>>, vector<1x16xf32>,
          %get3A_297 = vector.shape_cast %get3A_296 : vector<1x16xf32> to vector<16xf32>
          %get3A_298 = arith.index_cast %scan3A_208 : i32 to index
          %get3A_299 = arith.constant 80 : index
          %get3A_300 = tpu.vector_load %arg15[%get3A_298, %get3A_299] {strides = array<i32>} : memref<128x128xf32, #tpu.memory_space<vmem>>, vector<1x16xf32>,
          %get3A_301 = vector.shape_cast %get3A_300 : vector<1x16xf32> to vector<16xf32>
          %add3A_302 = arith.addf %get3A_297, %get3A_301 : vector<16xf32>
          %max3A_303 = arith.constant 0.000000e+00 : f32
          %max3A_304 = vector.broadcast %max3A_303 : f32 to vector<16xf32>
          %max3A_305 = arith.maximumf %add3A_302, %max3A_304 : vector<16xf32>
          %swap3A_306 = arith.index_cast %scan3A_208 : i32 to index
          %swap3A_307 = arith.constant 80 : index
          %swap3A_308 = tpu.vector_load %arg16[%swap3A_306, %swap3A_307] {strides = array<i32>} : memref<128x128xf32, #tpu.memory_space<vmem>>, vector<1x16xf32>,
          %swap3A_309 = vector.shape_cast %swap3A_308 : vector<1x16xf32> to vector<16xf32>
          %swap3A_310 = vector.shape_cast %max3A_305 : vector<16xf32> to vector<1x16xf32>
          tpu.vector_store %arg16[%swap3A_306, %swap3A_307], %swap3A_310 {strides = array<i32>} : memref<128x128xf32, #tpu.memory_space<vmem>>, vector<1x16xf32>,
          %get3A_311 = arith.index_cast %scan3A_208 : i32 to index
          %get3A_312 = arith.constant 96 : index
          %get3A_313 = tpu.vector_load %arg13[%get3A_311, %get3A_312] {strides = array<i32>} : memref<128x128xf32, #tpu.memory_space<vmem>>, vector<1x16xf32>,
          %get3A_314 = vector.shape_cast %get3A_313 : vector<1x16xf32> to vector<16xf32>
          %get3A_315 = arith.index_cast %scan3A_208 : i32 to index
          %get3A_316 = arith.constant 96 : index
          %get3A_317 = tpu.vector_load %arg15[%get3A_315, %get3A_316] {strides = array<i32>} : memref<128x128xf32, #tpu.memory_space<vmem>>, vector<1x16xf32>,
          %get3A_318 = vector.shape_cast %get3A_317 : vector<1x16xf32> to vector<16xf32>
          %add3A_319 = arith.addf %get3A_314, %get3A_318 : vector<16xf32>
          %max3A_320 = arith.constant 0.000000e+00 : f32
          %max3A_321 = vector.broadcast %max3A_320 : f32 to vector<16xf32>
          %max3A_322 = arith.maximumf %add3A_319, %max3A_321 : vector<16xf32>
          %swap3A_323 = arith.index_cast %scan3A_208 : i32 to index
          %swap3A_324 = arith.constant 96 : index
          %swap3A_325 = tpu.vector_load %arg16[%swap3A_323, %swap3A_324] {strides = array<i32>} : memref<128x128xf32, #tpu.memory_space<vmem>>, vector<1x16xf32>,
          %swap3A_326 = vector.shape_cast %swap3A_325 : vector<1x16xf32> to vector<16xf32>
          %swap3A_327 = vector.shape_cast %max3A_322 : vector<16xf32> to vector<1x16xf32>
          tpu.vector_store %arg16[%swap3A_323, %swap3A_324], %swap3A_327 {strides = array<i32>} : memref<128x128xf32, #tpu.memory_space<vmem>>, vector<1x16xf32>,
          %get3A_328 = arith.index_cast %scan3A_208 : i32 to index
          %get3A_329 = arith.constant 112 : index
          %get3A_330 = tpu.vector_load %arg13[%get3A_328, %get3A_329] {strides = array<i32>} : memref<128x128xf32, #tpu.memory_space<vmem>>, vector<1x16xf32>,
          %get3A_331 = vector.shape_cast %get3A_330 : vector<1x16xf32> to vector<16xf32>
          %get3A_332 = arith.index_cast %scan3A_208 : i32 to index
          %get3A_333 = arith.constant 112 : index
          %get3A_334 = tpu.vector_load %arg15[%get3A_332, %get3A_333] {strides = array<i32>} : memref<128x128xf32, #tpu.memory_space<vmem>>, vector<1x16xf32>,
          %get3A_335 = vector.shape_cast %get3A_334 : vector<1x16xf32> to vector<16xf32>
          %add3A_336 = arith.addf %get3A_331, %get3A_335 : vector<16xf32>
          %max3A_337 = arith.constant 0.000000e+00 : f32
          %max3A_338 = vector.broadcast %max3A_337 : f32 to vector<16xf32>
          %max3A_339 = arith.maximumf %add3A_336, %max3A_338 : vector<16xf32>
          %swap3A_340 = arith.index_cast %scan3A_208 : i32 to index
          %swap3A_341 = arith.constant 112 : index
          %swap3A_342 = tpu.vector_load %arg16[%swap3A_340, %swap3A_341] {strides = array<i32>} : memref<128x128xf32, #tpu.memory_space<vmem>>, vector<1x16xf32>,
          %swap3A_343 = vector.shape_cast %swap3A_342 : vector<1x16xf32> to vector<16xf32>
          %swap3A_344 = vector.shape_cast %max3A_339 : vector<16xf32> to vector<1x16xf32>
          tpu.vector_store %arg16[%swap3A_340, %swap3A_341], %swap3A_344 {strides = array<i32>} : memref<128x128xf32, #tpu.memory_space<vmem>>, vector<1x16xf32>,
          %scan3A_345 = arith.constant 0 : i32
          scf.yield %scan3A_345 : i32
        }
        %scan3A_63 = arith.constant 128 : i32
        %get3A = arith.constant 0 : index
        %get3A_64 = tpu.vector_load %arg8[%get3A] {strides = array<i32>} : memref<128xi32, #tpu.memory_space<vmem>>, vector<16xi32>,
        %get3A_65 = vector.shape_cast %get3A_64 : vector<16xi32> to vector<16xi32>
        %sub3A = vector.broadcast %mul3A_2 : i32 to vector<16xi32>
        %sub3A_66 = arith.subi %get3A_65, %sub3A : vector<16xi32>
        %ge3A = arith.constant 0 : i32
        %ge3A_67 = vector.broadcast %ge3A : i32 to vector<16xi32>
        %ge3A_68 = arith.cmpi sge, %sub3A_66, %ge3A_67 : vector<16xi32>
        %lt3A_69 = arith.constant 5120 : i32
        %lt3A_70 = vector.broadcast %lt3A_69 : i32 to vector<16xi32>
        %lt3A_71 = arith.cmpi slt, %sub3A_66, %lt3A_70 : vector<16xi32>
        %and3A = arith.andi %ge3A_68, %lt3A_71 : vector<16xi1>
        %jit3A = arith.constant 5120 : i32
        %broadcast_in_dim3A = vector.broadcast %jit3A : i32 to vector<16xi32>
        %select_n3A = arith.select %and3A, %sub3A_66, %broadcast_in_dim3A : vector<16xi1>, vector<16xi32>
        %swap3A = arith.constant 0 : index
        %swap3A_72 = tpu.vector_load %arg11[%swap3A] {strides = array<i32>} : memref<128xi32, #tpu.memory_space<vmem>>, vector<16xi32>,
        %swap3A_73 = vector.shape_cast %swap3A_72 : vector<16xi32> to vector<16xi32>
        %swap3A_74 = vector.shape_cast %select_n3A : vector<16xi32> to vector<16xi32>
        tpu.vector_store %arg11[%swap3A], %swap3A_74 {strides = array<i32>} : memref<128xi32, #tpu.memory_space<vmem>>, vector<16xi32>,
        %get3A_75 = arith.constant 16 : index
        %get3A_76 = tpu.vector_load %arg8[%get3A_75] {strides = array<i32>} : memref<128xi32, #tpu.memory_space<vmem>>, vector<16xi32>,
        %get3A_77 = vector.shape_cast %get3A_76 : vector<16xi32> to vector<16xi32>
        %sub3A_78 = vector.broadcast %mul3A_2 : i32 to vector<16xi32>
        %sub3A_79 = arith.subi %get3A_77, %sub3A_78 : vector<16xi32>
        %ge3A_80 = arith.constant 0 : i32
        %ge3A_81 = vector.broadcast %ge3A_80 : i32 to vector<16xi32>
        %ge3A_82 = arith.cmpi sge, %sub3A_79, %ge3A_81 : vector<16xi32>
        %lt3A_83 = arith.constant 5120 : i32
        %lt3A_84 = vector.broadcast %lt3A_83 : i32 to vector<16xi32>
        %lt3A_85 = arith.cmpi slt, %sub3A_79, %lt3A_84 : vector<16xi32>
        %and3A_86 = arith.andi %ge3A_82, %lt3A_85 : vector<16xi1>
        %jit3A_87 = arith.constant 5120 : i32
        %broadcast_in_dim3A_88 = vector.broadcast %jit3A_87 : i32 to vector<16xi32>
        %select_n3A_89 = arith.select %and3A_86, %sub3A_79, %broadcast_in_dim3A_88 : vector<16xi1>, vector<16xi32>
        %swap3A_90 = arith.constant 16 : index
        %swap3A_91 = tpu.vector_load %arg11[%swap3A_90] {strides = array<i32>} : memref<128xi32, #tpu.memory_space<vmem>>, vector<16xi32>,
        %swap3A_92 = vector.shape_cast %swap3A_91 : vector<16xi32> to vector<16xi32>
        %swap3A_93 = vector.shape_cast %select_n3A_89 : vector<16xi32> to vector<16xi32>
        tpu.vector_store %arg11[%swap3A_90], %swap3A_93 {strides = array<i32>} : memref<128xi32, #tpu.memory_space<vmem>>, vector<16xi32>,
        %get3A_94 = arith.constant 32 : index
        %get3A_95 = tpu.vector_load %arg8[%get3A_94] {strides = array<i32>} : memref<128xi32, #tpu.memory_space<vmem>>, vector<16xi32>,
        %get3A_96 = vector.shape_cast %get3A_95 : vector<16xi32> to vector<16xi32>
        %sub3A_97 = vector.broadcast %mul3A_2 : i32 to vector<16xi32>
        %sub3A_98 = arith.subi %get3A_96, %sub3A_97 : vector<16xi32>
        %ge3A_99 = arith.constant 0 : i32
        %ge3A_100 = vector.broadcast %ge3A_99 : i32 to vector<16xi32>
        %ge3A_101 = arith.cmpi sge, %sub3A_98, %ge3A_100 : vector<16xi32>
        %lt3A_102 = arith.constant 5120 : i32
        %lt3A_103 = vector.broadcast %lt3A_102 : i32 to vector<16xi32>
        %lt3A_104 = arith.cmpi slt, %sub3A_98, %lt3A_103 : vector<16xi32>
        %and3A_105 = arith.andi %ge3A_101, %lt3A_104 : vector<16xi1>
        %jit3A_106 = arith.constant 5120 : i32
        %broadcast_in_dim3A_107 = vector.broadcast %jit3A_106 : i32 to vector<16xi32>
        %select_n3A_108 = arith.select %and3A_105, %sub3A_98, %broadcast_in_dim3A_107 : vector<16xi1>, vector<16xi32>
        %swap3A_109 = arith.constant 32 : index
        %swap3A_110 = tpu.vector_load %arg11[%swap3A_109] {strides = array<i32>} : memref<128xi32, #tpu.memory_space<vmem>>, vector<16xi32>,
        %swap3A_111 = vector.shape_cast %swap3A_110 : vector<16xi32> to vector<16xi32>
        %swap3A_112 = vector.shape_cast %select_n3A_108 : vector<16xi32> to vector<16xi32>
        tpu.vector_store %arg11[%swap3A_109], %swap3A_112 {strides = array<i32>} : memref<128xi32, #tpu.memory_space<vmem>>, vector<16xi32>,
        %get3A_113 = arith.constant 48 : index
        %get3A_114 = tpu.vector_load %arg8[%get3A_113] {strides = array<i32>} : memref<128xi32, #tpu.memory_space<vmem>>, vector<16xi32>,
        %get3A_115 = vector.shape_cast %get3A_114 : vector<16xi32> to vector<16xi32>
        %sub3A_116 = vector.broadcast %mul3A_2 : i32 to vector<16xi32>
        %sub3A_117 = arith.subi %get3A_115, %sub3A_116 : vector<16xi32>
        %ge3A_118 = arith.constant 0 : i32
        %ge3A_119 = vector.broadcast %ge3A_118 : i32 to vector<16xi32>
        %ge3A_120 = arith.cmpi sge, %sub3A_117, %ge3A_119 : vector<16xi32>
        %lt3A_121 = arith.constant 5120 : i32
        %lt3A_122 = vector.broadcast %lt3A_121 : i32 to vector<16xi32>
        %lt3A_123 = arith.cmpi slt, %sub3A_117, %lt3A_122 : vector<16xi32>
        %and3A_124 = arith.andi %ge3A_120, %lt3A_123 : vector<16xi1>
        %jit3A_125 = arith.constant 5120 : i32
        %broadcast_in_dim3A_126 = vector.broadcast %jit3A_125 : i32 to vector<16xi32>
        %select_n3A_127 = arith.select %and3A_124, %sub3A_117, %broadcast_in_dim3A_126 : vector<16xi1>, vector<16xi32>
        %swap3A_128 = arith.constant 48 : index
        %swap3A_129 = tpu.vector_load %arg11[%swap3A_128] {strides = array<i32>} : memref<128xi32, #tpu.memory_space<vmem>>, vector<16xi32>,
        %swap3A_130 = vector.shape_cast %swap3A_129 : vector<16xi32> to vector<16xi32>
        %swap3A_131 = vector.shape_cast %select_n3A_127 : vector<16xi32> to vector<16xi32>
        tpu.vector_store %arg11[%swap3A_128], %swap3A_131 {strides = array<i32>} : memref<128xi32, #tpu.memory_space<vmem>>, vector<16xi32>,
        %get3A_132 = arith.constant 64 : index
        %get3A_133 = tpu.vector_load %arg8[%get3A_132] {strides = array<i32>} : memref<128xi32, #tpu.memory_space<vmem>>, vector<16xi32>,
        %get3A_134 = vector.shape_cast %get3A_133 : vector<16xi32> to vector<16xi32>
        %sub3A_135 = vector.broadcast %mul3A_2 : i32 to vector<16xi32>
        %sub3A_136 = arith.subi %get3A_134, %sub3A_135 : vector<16xi32>
        %ge3A_137 = arith.constant 0 : i32
        %ge3A_138 = vector.broadcast %ge3A_137 : i32 to vector<16xi32>
        %ge3A_139 = arith.cmpi sge, %sub3A_136, %ge3A_138 : vector<16xi32>
        %lt3A_140 = arith.constant 5120 : i32
        %lt3A_141 = vector.broadcast %lt3A_140 : i32 to vector<16xi32>
        %lt3A_142 = arith.cmpi slt, %sub3A_136, %lt3A_141 : vector<16xi32>
        %and3A_143 = arith.andi %ge3A_139, %lt3A_142 : vector<16xi1>
        %jit3A_144 = arith.constant 5120 : i32
        %broadcast_in_dim3A_145 = vector.broadcast %jit3A_144 : i32 to vector<16xi32>
        %select_n3A_146 = arith.select %and3A_143, %sub3A_136, %broadcast_in_dim3A_145 : vector<16xi1>, vector<16xi32>
        %swap3A_147 = arith.constant 64 : index
        %swap3A_148 = tpu.vector_load %arg11[%swap3A_147] {strides = array<i32>} : memref<128xi32, #tpu.memory_space<vmem>>, vector<16xi32>,
        %swap3A_149 = vector.shape_cast %swap3A_148 : vector<16xi32> to vector<16xi32>
        %swap3A_150 = vector.shape_cast %select_n3A_146 : vector<16xi32> to vector<16xi32>
        tpu.vector_store %arg11[%swap3A_147], %swap3A_150 {strides = array<i32>} : memref<128xi32, #tpu.memory_space<vmem>>, vector<16xi32>,
        %get3A_151 = arith.constant 80 : index
        %get3A_152 = tpu.vector_load %arg8[%get3A_151] {strides = array<i32>} : memref<128xi32, #tpu.memory_space<vmem>>, vector<16xi32>,
        %get3A_153 = vector.shape_cast %get3A_152 : vector<16xi32> to vector<16xi32>
        %sub3A_154 = vector.broadcast %mul3A_2 : i32 to vector<16xi32>
        %sub3A_155 = arith.subi %get3A_153, %sub3A_154 : vector<16xi32>
        %ge3A_156 = arith.constant 0 : i32
        %ge3A_157 = vector.broadcast %ge3A_156 : i32 to vector<16xi32>
        %ge3A_158 = arith.cmpi sge, %sub3A_155, %ge3A_157 : vector<16xi32>
        %lt3A_159 = arith.constant 5120 : i32
        %lt3A_160 = vector.broadcast %lt3A_159 : i32 to vector<16xi32>
        %lt3A_161 = arith.cmpi slt, %sub3A_155, %lt3A_160 : vector<16xi32>
        %and3A_162 = arith.andi %ge3A_158, %lt3A_161 : vector<16xi1>
        %jit3A_163 = arith.constant 5120 : i32
        %broadcast_in_dim3A_164 = vector.broadcast %jit3A_163 : i32 to vector<16xi32>
        %select_n3A_165 = arith.select %and3A_162, %sub3A_155, %broadcast_in_dim3A_164 : vector<16xi1>, vector<16xi32>
        %swap3A_166 = arith.constant 80 : index
        %swap3A_167 = tpu.vector_load %arg11[%swap3A_166] {strides = array<i32>} : memref<128xi32, #tpu.memory_space<vmem>>, vector<16xi32>,
        %swap3A_168 = vector.shape_cast %swap3A_167 : vector<16xi32> to vector<16xi32>
        %swap3A_169 = vector.shape_cast %select_n3A_165 : vector<16xi32> to vector<16xi32>
        tpu.vector_store %arg11[%swap3A_166], %swap3A_169 {strides = array<i32>} : memref<128xi32, #tpu.memory_space<vmem>>, vector<16xi32>,
        %get3A_170 = arith.constant 96 : index
        %get3A_171 = tpu.vector_load %arg8[%get3A_170] {strides = array<i32>} : memref<128xi32, #tpu.memory_space<vmem>>, vector<16xi32>,
        %get3A_172 = vector.shape_cast %get3A_171 : vector<16xi32> to vector<16xi32>
        %sub3A_173 = vector.broadcast %mul3A_2 : i32 to vector<16xi32>
        %sub3A_174 = arith.subi %get3A_172, %sub3A_173 : vector<16xi32>
        %ge3A_175 = arith.constant 0 : i32
        %ge3A_176 = vector.broadcast %ge3A_175 : i32 to vector<16xi32>
        %ge3A_177 = arith.cmpi sge, %sub3A_174, %ge3A_176 : vector<16xi32>
        %lt3A_178 = arith.constant 5120 : i32
        %lt3A_179 = vector.broadcast %lt3A_178 : i32 to vector<16xi32>
        %lt3A_180 = arith.cmpi slt, %sub3A_174, %lt3A_179 : vector<16xi32>
        %and3A_181 = arith.andi %ge3A_177, %lt3A_180 : vector<16xi1>
        %jit3A_182 = arith.constant 5120 : i32
        %broadcast_in_dim3A_183 = vector.broadcast %jit3A_182 : i32 to vector<16xi32>
        %select_n3A_184 = arith.select %and3A_181, %sub3A_174, %broadcast_in_dim3A_183 : vector<16xi1>, vector<16xi32>
        %swap3A_185 = arith.constant 96 : index
        %swap3A_186 = tpu.vector_load %arg11[%swap3A_185] {strides = array<i32>} : memref<128xi32, #tpu.memory_space<vmem>>, vector<16xi32>,
        %swap3A_187 = vector.shape_cast %swap3A_186 : vector<16xi32> to vector<16xi32>
        %swap3A_188 = vector.shape_cast %select_n3A_184 : vector<16xi32> to vector<16xi32>
        tpu.vector_store %arg11[%swap3A_185], %swap3A_188 {strides = array<i32>} : memref<128xi32, #tpu.memory_space<vmem>>, vector<16xi32>,
        %get3A_189 = arith.constant 112 : index
        %get3A_190 = tpu.vector_load %arg8[%get3A_189] {strides = array<i32>} : memref<128xi32, #tpu.memory_space<vmem>>, vector<16xi32>,
        %get3A_191 = vector.shape_cast %get3A_190 : vector<16xi32> to vector<16xi32>
        %sub3A_192 = vector.broadcast %mul3A_2 : i32 to vector<16xi32>
        %sub3A_193 = arith.subi %get3A_191, %sub3A_192 : vector<16xi32>
        %ge3A_194 = arith.constant 0 : i32
        %ge3A_195 = vector.broadcast %ge3A_194 : i32 to vector<16xi32>
        %ge3A_196 = arith.cmpi sge, %sub3A_193, %ge3A_195 : vector<16xi32>
        %lt3A_197 = arith.constant 5120 : i32
        %lt3A_198 = vector.broadcast %lt3A_197 : i32 to vector<16xi32>
        %lt3A_199 = arith.cmpi slt, %sub3A_193, %lt3A_198 : vector<16xi32>
        %and3A_200 = arith.andi %ge3A_196, %lt3A_199 : vector<16xi1>
        %jit3A_201 = arith.constant 5120 : i32
        %broadcast_in_dim3A_202 = vector.broadcast %jit3A_201 : i32 to vector<16xi32>
        %select_n3A_203 = arith.select %and3A_200, %sub3A_193, %broadcast_in_dim3A_202 : vector<16xi1>, vector<16xi32>
        %swap3A_204 = arith.constant 112 : index
        %swap3A_205 = tpu.vector_load %arg11[%swap3A_204] {strides = array<i32>} : memref<128xi32, #tpu.memory_space<vmem>>, vector<16xi32>,
        %swap3A_206 = vector.shape_cast %swap3A_205 : vector<16xi32> to vector<16xi32>
        %swap3A_207 = vector.shape_cast %select_n3A_203 : vector<16xi32> to vector<16xi32>
        tpu.vector_store %arg11[%swap3A_204], %swap3A_207 {strides = array<i32>} : memref<128xi32, #tpu.memory_space<vmem>>, vector<16xi32>,
        "tpu.region"() ({
          %run_scoped3A = tpu.sem_alloc : memref<!tpu.dma_semaphore, #tpu.memory_space<semaphore_mem>>
          %dma_start3A = arith.constant 0 : i32
          %dma_start3A_208 = arith.constant 0 : i32
          %dma_start3A_209 = tpu.memref_slice %arg17[%dma_start3A, %dma_start3A_208] : memref<5248x128xf32, #tpu.memory_space<vmem_shared>> -> memref<5248x128xf32, #tpu.memory_space<vmem_shared>>
          tpu.enqueue_indirect_dma source(%arg16 : memref<128x128xf32, #tpu.memory_space<vmem>>) target(%dma_start3A_209 : memref<5248x128xf32, #tpu.memory_space<vmem_shared>>) offsets(%arg11 : memref<128xi32, #tpu.memory_space<vmem>>) semaphore(%run_scoped3A : memref<!tpu.dma_semaphore, #tpu.memory_space<semaphore_mem>>) {add = true}
          %dma_wait3A_210 = arith.constant 0 : i32
          %dma_wait3A_211 = arith.constant 0 : i32
          %dma_wait3A_212 = tpu.memref_slice %arg17[%dma_wait3A_210, %dma_wait3A_211] : memref<5248x128xf32, #tpu.memory_space<vmem_shared>> -> memref<5248x128xf32, #tpu.memory_space<vmem_shared>>
          tpu.wait_indirect_dma semaphore(%run_scoped3A : memref<!tpu.dma_semaphore, #tpu.memory_space<semaphore_mem>>) src(%arg16 : memref<128x128xf32, #tpu.memory_space<vmem>>) dst(%dma_wait3A_212 : memref<5248x128xf32, #tpu.memory_space<vmem_shared>>)
          tpu.yield
        }) : () -> ()
      } else {
      }
      %scan3A_51 = arith.constant 0 : i32
      scf.yield %scan3A_51 : i32
    }
    %scan3A_10 = arith.constant 79 : i32
    %barrier3A_11 = arith.constant 0 : index
    tpu.barrier barrier_id(%barrier3A_11)
    "tpu.region"() ({
      %run_scoped3A = tpu.sem_alloc : memref<!tpu.dma_semaphore, #tpu.memory_space<semaphore_mem>>
      %dma_start3A = arith.constant 0 : i32
      %dma_start3A_12 = tpu.memref_slice %arg6[%arg0, %mul3A_0, %dma_start3A] : memref<2x5248x128xf32, #tpu.memory_space<hbm>> -> memref<1x328x128xf32, #tpu.memory_space<hbm>>
      %dma_start3A_13 = tpu.memref_squeeze %dma_start3A_12 : memref<1x328x128xf32, #tpu.memory_space<hbm>> -> memref<328x128xf32, #tpu.memory_space<hbm>>
      %dma_start3A_14 = arith.constant 0 : i32
      %dma_start3A_15 = tpu.memref_slice %arg17[%mul3A_0, %dma_start3A_14] : memref<5248x128xf32, #tpu.memory_space<vmem_shared>> -> memref<328x128xf32, #tpu.memory_space<vmem_shared>>
      tpu.enqueue_dma source(%dma_start3A_15 : memref<328x128xf32, #tpu.memory_space<vmem_shared>>) target(%dma_start3A_13 : memref<328x128xf32, #tpu.memory_space<hbm>>) target_semaphore(%run_scoped3A : memref<!tpu.dma_semaphore, #tpu.memory_space<semaphore_mem>>)
      %dma_wait3A = arith.constant 0 : i32
      %dma_wait3A_16 = tpu.memref_slice %arg6[%arg0, %mul3A_0, %dma_wait3A] : memref<2x5248x128xf32, #tpu.memory_space<hbm>> -> memref<1x328x128xf32, #tpu.memory_space<hbm>>
      %dma_wait3A_17 = tpu.memref_squeeze %dma_wait3A_16 : memref<1x328x128xf32, #tpu.memory_space<hbm>> -> memref<328x128xf32, #tpu.memory_space<hbm>>
      %dma_wait3A_18 = arith.constant 0 : i32
      %dma_wait3A_19 = tpu.memref_slice %arg17[%mul3A_0, %dma_wait3A_18] : memref<5248x128xf32, #tpu.memory_space<vmem_shared>> -> memref<328x128xf32, #tpu.memory_space<vmem_shared>>
      tpu.wait_dma2 semaphore(%run_scoped3A : memref<!tpu.dma_semaphore, #tpu.memory_space<semaphore_mem>>) src(%dma_wait3A_19 : memref<328x128xf32, #tpu.memory_space<vmem_shared>>) dst(%dma_wait3A_17 : memref<328x128xf32, #tpu.memory_space<hbm>>)
      tpu.yield
    }) : () -> ()
    return
  }
}

module attributes {stable_mosaic.version = 14 : i64} {
  func.func @_mid_body(%arg0: memref<2x5248x128xf32, #tpu.memory_space<vmem>>, %arg1: memref<64x256xf32, #tpu.memory_space<vmem>>, %arg2: memref<128xf32, #tpu.memory_space<vmem>>, %arg3: memref<10240x128xf32, #tpu.memory_space<vmem>>, %arg4: memref<10240x128xf32, #tpu.memory_space<vmem>>) attributes {dimension_semantics = [], scalar_prefetch = 0 : i64, scratch_operands = 0 : i64, tpu.core_type = #tpu.core_type<tc>} {
    %get3A = arith.constant 0 : index
    %get3A_0 = arith.constant 0 : index
    %get3A_1 = arith.constant 0 : index
    %get3A_2 = vector.load %arg0[%get3A, %get3A_0, %get3A_1] : memref<2x5248x128xf32, #tpu.memory_space<vmem>>, vector<1x5120x128xf32>
    %get3A_3 = vector.shape_cast %get3A_2 : vector<1x5120x128xf32> to vector<5120x128xf32>
    %get3A_4 = arith.constant 1 : index
    %get3A_5 = arith.constant 0 : index
    %get3A_6 = arith.constant 0 : index
    %get3A_7 = vector.load %arg0[%get3A_4, %get3A_5, %get3A_6] : memref<2x5248x128xf32, #tpu.memory_space<vmem>>, vector<1x5120x128xf32>
    %get3A_8 = vector.shape_cast %get3A_7 : vector<1x5120x128xf32> to vector<5120x128xf32>
    %concatenate3A = tpu.concatenate %get3A_3, %get3A_8 in 0 : vector<5120x128xf32>, vector<5120x128xf32> -> vector<10240x128xf32>
    %slice3A = vector.extract_strided_slice %concatenate3A {offsets = [0, 64], sizes = [10240, 1], strides = [1, 1]} : vector<10240x128xf32> to vector<10240x1xf32>
    %squeeze3A = vector.shape_cast %slice3A : vector<10240x1xf32> to vector<10240xf32>
    %max3A = arith.constant 1.000000e+00 : f32
    %max3A_9 = vector.broadcast %max3A : f32 to vector<10240xf32>
    %max3A_10 = arith.maximumf %squeeze3A, %max3A_9 : vector<10240xf32>
    %slice3A_11 = vector.extract_strided_slice %concatenate3A {offsets = [0, 0], sizes = [10240, 64], strides = [1, 1]} : vector<10240x128xf32> to vector<10240x64xf32>
    %broadcast_in_dim3A = vector.shape_cast %max3A_10 : vector<10240xf32> to vector<10240x1xf32>
    %div3A = vector.broadcast %broadcast_in_dim3A : vector<10240x1xf32> to vector<10240x64xf32>
    %div3A_12 = arith.divf %slice3A_11, %div3A : vector<10240x64xf32>
    %get3A_13 = arith.constant 0 : index
    %get3A_14 = arith.constant 0 : index
    %get3A_15 = vector.load %arg1[%get3A_13, %get3A_14] : memref<64x256xf32, #tpu.memory_space<vmem>>, vector<64x256xf32>
    %dot_general3A = arith.constant dense<0.000000e+00> : vector<10240x256xf32>
    %dot_general3A_16 = tpu.matmul %div3A_12, %get3A_15, %dot_general3A {dimension_numbers = #tpu.dot_dimension_numbers<[1], [0], [0], [1], [0, 0, 1, 1], [], []>, transpose_lhs_hint = false} : vector<10240x64xf32>, vector<64x256xf32>, vector<10240x256xf32> -> vector<10240x256xf32>
    %slice3A_17 = vector.extract_strided_slice %dot_general3A_16 {offsets = [0, 0], sizes = [10240, 128], strides = [1, 1]} : vector<10240x256xf32> to vector<10240x128xf32>
    %get3A_18 = arith.constant 0 : index
    %get3A_19 = vector.load %arg2[%get3A_18] : memref<128xf32, #tpu.memory_space<vmem>>, vector<128xf32>
    %broadcast_in_dim3A_20 = vector.shape_cast %get3A_19 : vector<128xf32> to vector<1x128xf32>
    %add3A = vector.broadcast %broadcast_in_dim3A_20 : vector<1x128xf32> to vector<10240x128xf32>
    %add3A_21 = arith.addf %slice3A_17, %add3A : vector<10240x128xf32>
    %swap3A = arith.constant 0 : index
    %swap3A_22 = arith.constant 0 : index
    %swap3A_23 = vector.load %arg3[%swap3A, %swap3A_22] : memref<10240x128xf32, #tpu.memory_space<vmem>>, vector<10240x128xf32>
    tpu.vector_store %arg3[%swap3A, %swap3A_22], %add3A_21 {strides = array<i32>} : memref<10240x128xf32, #tpu.memory_space<vmem>>, vector<10240x128xf32>,
    %slice3A_24 = vector.extract_strided_slice %dot_general3A_16 {offsets = [0, 128], sizes = [10240, 128], strides = [1, 1]} : vector<10240x256xf32> to vector<10240x128xf32>
    %swap3A_25 = arith.constant 0 : index
    %swap3A_26 = arith.constant 0 : index
    %swap3A_27 = vector.load %arg4[%swap3A_25, %swap3A_26] : memref<10240x128xf32, #tpu.memory_space<vmem>>, vector<10240x128xf32>
    tpu.vector_store %arg4[%swap3A_25, %swap3A_26], %slice3A_24 {strides = array<i32>} : memref<10240x128xf32, #tpu.memory_space<vmem>>, vector<10240x128xf32>,
    return
  }
}

module attributes {stable_mosaic.version = 14 : i64} {
  func.func @_proj1_body(%arg0: memref<10000x128xf32, #tpu.memory_space<vmem>>, %arg1: memref<128x128xf32, #tpu.memory_space<vmem>>, %arg2: memref<128xf32, #tpu.memory_space<vmem>>, %arg3: memref<10000x128xf32, #tpu.memory_space<vmem>>) attributes {dimension_semantics = [], scalar_prefetch = 0 : i64, scratch_operands = 0 : i64, tpu.core_type = #tpu.core_type<tc>} {
    %get3A = arith.constant 0 : index
    %get3A_0 = arith.constant 0 : index
    %get3A_1 = vector.load %arg0[%get3A, %get3A_0] : memref<10000x128xf32, #tpu.memory_space<vmem>>, vector<10000x128xf32>
    %get3A_2 = arith.constant 0 : index
    %get3A_3 = arith.constant 0 : index
    %get3A_4 = vector.load %arg1[%get3A_2, %get3A_3] : memref<128x128xf32, #tpu.memory_space<vmem>>, vector<128x128xf32>
    %dot_general3A = arith.constant dense<0.000000e+00> : vector<10000x128xf32>
    %dot_general3A_5 = tpu.matmul %get3A_1, %get3A_4, %dot_general3A {dimension_numbers = #tpu.dot_dimension_numbers<[1], [0], [0], [1], [0, 0, 1, 1], [], []>, transpose_lhs_hint = false} : vector<10000x128xf32>, vector<128x128xf32>, vector<10000x128xf32> -> vector<10000x128xf32>
    %get3A_6 = arith.constant 0 : index
    %get3A_7 = vector.load %arg2[%get3A_6] : memref<128xf32, #tpu.memory_space<vmem>>, vector<128xf32>
    %broadcast_in_dim3A = vector.shape_cast %get3A_7 : vector<128xf32> to vector<1x128xf32>
    %add3A = vector.broadcast %broadcast_in_dim3A : vector<1x128xf32> to vector<10000x128xf32>
    %add3A_8 = arith.addf %dot_general3A_5, %add3A : vector<10000x128xf32>
    %swap3A = arith.constant 0 : index
    %swap3A_9 = arith.constant 0 : index
    %swap3A_10 = vector.load %arg3[%swap3A, %swap3A_9] : memref<10000x128xf32, #tpu.memory_space<vmem>>, vector<10000x128xf32>
    tpu.vector_store %arg3[%swap3A, %swap3A_9], %add3A_8 {strides = array<i32>} : memref<10000x128xf32, #tpu.memory_space<vmem>>, vector<10000x128xf32>,
    return
  }
}

module attributes {stable_mosaic.version = 14 : i64} {
  func.func @_final_body(%arg0: memref<2x5248x128xf32, #tpu.memory_space<vmem>>, %arg1: memref<2x5248x128xf32, #tpu.memory_space<vmem>>, %arg2: memref<128x256xf32, #tpu.memory_space<vmem>>, %arg3: memref<256xf32, #tpu.memory_space<vmem>>, %arg4: memref<256x1xf32, #tpu.memory_space<vmem>>, %arg5: memref<1xf32, #tpu.memory_space<vmem>>, %arg6: memref<10240x1xf32, #tpu.memory_space<vmem>>) attributes {dimension_semantics = [], scalar_prefetch = 0 : i64, scratch_operands = 0 : i64, tpu.core_type = #tpu.core_type<tc>} {
    %get3A = arith.constant 0 : index
    %get3A_0 = arith.constant 0 : index
    %get3A_1 = arith.constant 0 : index
    %get3A_2 = vector.load %arg0[%get3A, %get3A_0, %get3A_1] : memref<2x5248x128xf32, #tpu.memory_space<vmem>>, vector<1x5120x128xf32>
    %get3A_3 = vector.shape_cast %get3A_2 : vector<1x5120x128xf32> to vector<5120x128xf32>
    %get3A_4 = arith.constant 1 : index
    %get3A_5 = arith.constant 0 : index
    %get3A_6 = arith.constant 0 : index
    %get3A_7 = vector.load %arg0[%get3A_4, %get3A_5, %get3A_6] : memref<2x5248x128xf32, #tpu.memory_space<vmem>>, vector<1x5120x128xf32>
    %get3A_8 = vector.shape_cast %get3A_7 : vector<1x5120x128xf32> to vector<5120x128xf32>
    %concatenate3A = tpu.concatenate %get3A_3, %get3A_8 in 0 : vector<5120x128xf32>, vector<5120x128xf32> -> vector<10240x128xf32>
    %slice3A = vector.extract_strided_slice %concatenate3A {offsets = [0, 64], sizes = [10240, 1], strides = [1, 1]} : vector<10240x128xf32> to vector<10240x1xf32>
    %squeeze3A = vector.shape_cast %slice3A : vector<10240x1xf32> to vector<10240xf32>
    %max3A = arith.constant 1.000000e+00 : f32
    %max3A_9 = vector.broadcast %max3A : f32 to vector<10240xf32>
    %max3A_10 = arith.maximumf %squeeze3A, %max3A_9 : vector<10240xf32>
    %get3A_11 = arith.constant 0 : index
    %get3A_12 = arith.constant 0 : index
    %get3A_13 = arith.constant 0 : index
    %get3A_14 = vector.load %arg1[%get3A_11, %get3A_12, %get3A_13] : memref<2x5248x128xf32, #tpu.memory_space<vmem>>, vector<1x5120x128xf32>
    %get3A_15 = vector.shape_cast %get3A_14 : vector<1x5120x128xf32> to vector<5120x128xf32>
    %get3A_16 = arith.constant 1 : index
    %get3A_17 = arith.constant 0 : index
    %get3A_18 = arith.constant 0 : index
    %get3A_19 = vector.load %arg1[%get3A_16, %get3A_17, %get3A_18] : memref<2x5248x128xf32, #tpu.memory_space<vmem>>, vector<1x5120x128xf32>
    %get3A_20 = vector.shape_cast %get3A_19 : vector<1x5120x128xf32> to vector<5120x128xf32>
    %concatenate3A_21 = tpu.concatenate %get3A_15, %get3A_20 in 0 : vector<5120x128xf32>, vector<5120x128xf32> -> vector<10240x128xf32>
    %broadcast_in_dim3A = vector.shape_cast %max3A_10 : vector<10240xf32> to vector<10240x1xf32>
    %div3A = vector.broadcast %broadcast_in_dim3A : vector<10240x1xf32> to vector<10240x128xf32>
    %div3A_22 = arith.divf %concatenate3A_21, %div3A : vector<10240x128xf32>
    %get3A_23 = arith.constant 0 : index
    %get3A_24 = arith.constant 0 : index
    %get3A_25 = vector.load %arg2[%get3A_23, %get3A_24] : memref<128x256xf32, #tpu.memory_space<vmem>>, vector<128x256xf32>
    %dot_general3A = arith.constant dense<0.000000e+00> : vector<10240x256xf32>
    %dot_general3A_26 = tpu.matmul %div3A_22, %get3A_25, %dot_general3A {dimension_numbers = #tpu.dot_dimension_numbers<[1], [0], [0], [1], [0, 0, 1, 1], [], []>, transpose_lhs_hint = false} : vector<10240x128xf32>, vector<128x256xf32>, vector<10240x256xf32> -> vector<10240x256xf32>
    %get3A_27 = arith.constant 0 : index
    %get3A_28 = vector.load %arg3[%get3A_27] : memref<256xf32, #tpu.memory_space<vmem>>, vector<256xf32>
    %broadcast_in_dim3A_29 = vector.shape_cast %get3A_28 : vector<256xf32> to vector<1x256xf32>
    %add3A = vector.broadcast %broadcast_in_dim3A_29 : vector<1x256xf32> to vector<10240x256xf32>
    %add3A_30 = arith.addf %dot_general3A_26, %add3A : vector<10240x256xf32>
    %max3A_31 = arith.constant 0.000000e+00 : f32
    %max3A_32 = vector.broadcast %max3A_31 : f32 to vector<10240x256xf32>
    %max3A_33 = arith.maximumf %add3A_30, %max3A_32 : vector<10240x256xf32>
    %get3A_34 = arith.constant 0 : index
    %get3A_35 = arith.constant 0 : index
    %get3A_36 = vector.load %arg4[%get3A_34, %get3A_35] : memref<256x1xf32, #tpu.memory_space<vmem>>, vector<256x1xf32>
    %dot_general3A_37 = arith.constant dense<0.000000e+00> : vector<10240x1xf32>
    %dot_general3A_38 = tpu.matmul %max3A_33, %get3A_36, %dot_general3A_37 {dimension_numbers = #tpu.dot_dimension_numbers<[1], [0], [0], [1], [0, 0, 1, 1], [], []>, transpose_lhs_hint = false} : vector<10240x256xf32>, vector<256x1xf32>, vector<10240x1xf32> -> vector<10240x1xf32>
    %get3A_39 = arith.constant 0 : index
    %get3A_40 = vector.load %arg5[%get3A_39] : memref<1xf32, #tpu.memory_space<vmem>>, vector<1xf32>
    %broadcast_in_dim3A_41 = vector.shape_cast %get3A_40 : vector<1xf32> to vector<1x1xf32>
    %add3A_42 = vector.broadcast %broadcast_in_dim3A_41 : vector<1x1xf32> to vector<10240x1xf32>
    %add3A_43 = arith.addf %dot_general3A_38, %add3A_42 : vector<10240x1xf32>
    %neg3A = arith.constant 0.000000e+00 : f32
    %neg3A_44 = vector.broadcast %neg3A : f32 to vector<10240x1xf32>
    %neg3A_45 = arith.subf %neg3A_44, %add3A_43 : vector<10240x1xf32>
    %exp3A = math.exp %neg3A_45 : vector<10240x1xf32>
    %add3A_46 = arith.constant 1.000000e+00 : f32
    %add3A_47 = vector.broadcast %add3A_46 : f32 to vector<10240x1xf32>
    %add3A_48 = arith.addf %add3A_47, %exp3A : vector<10240x1xf32>
    %div3A_49 = arith.constant 1.000000e+00 : f32
    %div3A_50 = vector.broadcast %div3A_49 : f32 to vector<10240x1xf32>
    %div3A_51 = arith.divf %div3A_50, %add3A_48 : vector<10240x1xf32>
    %swap3A = arith.constant 0 : index
    %swap3A_52 = arith.constant 0 : index
    %swap3A_53 = vector.load %arg6[%swap3A, %swap3A_52] : memref<10240x1xf32, #tpu.memory_space<vmem>>, vector<10240x1xf32>
    tpu.vector_store %arg6[%swap3A, %swap3A_52], %div3A_51 {strides = array<i32>} : memref<10240x1xf32, #tpu.memory_space<vmem>>, vector<10240x1xf32>,
    return
  }
}

</mosaic_0001>

<sc_bundles>
// kernel: kernel.10.cloned.1.call-start
scs
__scs_entry_jumppad:
0x0: {  	(pc) =	sbr.rel $0x88, $3  }
0x1: {  	(tag) =	ssettag $0x0;
	lr =	simm.s32 $0x1  }
0x2: {  	[smem:$0x3F97] =	sst lr;
	_ =	strace $0xD0000000  }
0x3: {  	_ = 	snop  }
0x4: {  	_ = 	snop  }
0x5: {  	_ = 	snop  }
0x6: {  	_ = 	snop  }
0x7: {  	_ = 	snop  }
__scs_overlays_trampoline_lowered:
0x8: {  	[smem:$0x3FA6] =	sst s0  }
0x9: {  	[smem:$0x3FA7] =	sst s1  }
0xa: {  	[smem:$0x3FA8] =	sst s2  }
0xb: {  	[smem:$0x3FA9] =	sst s3  }
0xc: {  	[smem:$0x3FAA] =	sst s4  }
0xd: {  	[smem:$0x3FAB] =	sst s5  }
0xe: {  	[smem:$0x3FAC] =	sst s6  }
0xf: {  	[smem:$0x3FAD] =	sst s7  }
0x10: {  	[smem:$0x3FAE] =	sst s8  }
0x11: {  	[smem:$0x3FAF] =	sst s9;
	s0 =	simm.s32 @!p0 $0x0  }
0x12: {  	s1 =	sld [smem:$0x3F95];
	s0 =	simm.s32 @p0 $0x1  }
0x13: {  	[smem:$0x3FB0] =	sst s0;
	s0 =	simm.s32 @!p1 $0x0  }
0x14: {  	s2 =	sld [smem:$0x3F94];
	s0 =	simm.s32 @p1 $0x1  }
0x15: {  	[smem:$0x3FB1] =	sst s0;
	s0 =	simm.s32 @!p2 $0x0  }
0x16: {  	s3 =	sld [smem:$0x3FDB];
	s0 =	simm.s32 @p2 $0x1  }
0x17: {  	s4 =	simm.s32 $0x1BF5;
	[smem:$0x3FB3] =	sst s0  }
0x18: {  	s0 =	sld [smem:$0x3F96];
	_ =	swait.ge [sflag:s4], $0x0  }
0x19: {  	s7 =	sld [smem:$0x3F97]  }
0x1a: {  	s8 =	sadd.s32 $0xFFFFE003, lr  }
0x1b: {  	s9 =	sadd.s32 $0xFFFFFEF7, lr;
	s5 =	simm.s32 $0xFFFFFFFF;
	p2 =	slt.u32 s8, $0xFFFFF086  }
0x1c: {  	p1 =	slt.u32 s9, $0xF7A;
	s5 =	simm.s32 @!p2 $0x0  }
0x1d: {  	s5 =	simm.s32 @p1 $0x1;
	p0 =	seq.s32 s7, s2  }
0x1e: {  	s7 =	smul.u32 @!p0 $0xF7A, s2;
	p2 =	seq.s32 @!p0 s5, $0x0  }
0x1f: {  	s9 =	smul.u32 $0xF7A, s1;
	s8 =	simm.s32 @!p0 $0x1BF5;
	p2 =	por !p2, p0  }
0x20: {  	[sflag:s8] =	ssyncset.s32 @!p0 $0xFFFFF086;
	s6 =	sadd.s32 @!p0 s3, s7;
	s7 =	simm.s32 @!p0 $0x108  }
0x21: {  	s3 =	sadd.s32 s3, s9;
	s6 =	sadd.s32 @!p0 $0x88, s6;
	s7 =	simm.s32 @p2 $0x1082  }
0x22: {  	[simem:s7], [sflag:s8] =	dma.local @!p0 [hbm:s6], $0xF7A  }
0x23: {  	s9 =	sor.u32 $0xD0000000, s2;
	s6 =	simm.s32 $0x108;
	_ =	swait.ge @!p0 [sflag:s8], $0x0  }
0x24: {  	s3 =	sadd.s32 $0x88, s3;
	s6 =	simm.s32 @!p1 $0x1082;
	[sflag:s4] =	ssyncset.s32 $0xFFFFF086  }
0x25: {  	[simem:s6], [sflag:s4] =	dma.local [hbm:s3], $0xF7A  }
0x26: {  	[smem:$0x3F97] =	sst s1;
	(tag) =	ssettag s2;
	_ =	strace s9  }
0x27: {  	s1 =	sld [smem:$0x3FA7]  }
0x28: {  	s2 =	sld [smem:$0x3FA8]  }
0x29: {  	s4 =	sld [smem:$0x3FAA]  }
0x2a: {  	p0 =	seq.s32 s5, $0x0;
	s5 =	sld [smem:$0x3FAB]  }
0x2b: {  	s6 =	sld [smem:$0x3FAC]  }
0x2c: {  	s7 =	sld [smem:$0x3FAD]  }
0x2d: {  	s3 =	simm.s32 $0x108;
	s8 =	sld [smem:$0x3FAE]  }
0x2e: {  	s3 =	simm.s32 @!p0 $0x1082;
	s9 =	sld [smem:$0x3FAF]  }
0x2f: {  	lr =	sadd.s32 s0, s3;
	s0 =	sld [smem:$0x3FA6]  }
0x30: {  	s3 =	sld [smem:$0x3FA9]  }
0x31: {  	[smem:$0x3FB2] =	sst s10  }
0x32: {  	s10 =	sld [smem:$0x3FB0];
	_ =	sdelay $0x3  }
0x33: {  	p0 =	seq.s32 s10, $0x1;
	s10 =	sld [smem:$0x3FB2];
	_ =	sdelay $0x3  }
0x34: {  	[smem:$0x3FB2] =	sst s10  }
0x35: {  	s10 =	sld [smem:$0x3FB1];
	_ =	sdelay $0x3  }
0x36: {  	p1 =	seq.s32 s10, $0x1;
	s10 =	sld [smem:$0x3FB2];
	_ =	sdelay $0x3  }
0x37: {  	[smem:$0x3FB2] =	sst s10  }
0x38: {  	s10 =	sld [smem:$0x3FB3]  }
0x39: {  	_ = 	snop;
	(pc) =	sbr.ind lr, $3  }
0x3a: {  	_ = 	snop  }
0x3b: {  	_ = 	snop  }
0x3c: {  	p2 =	seq.s32 s10, $0x1;
	s10 =	sld [smem:$0x3FB2]  }
0x3d: {  	_ =	shalt  }
0x3e: {  	_ =	shalt  }
0x3f: {  	_ =	shalt  }
0x40: {  	_ =	shalt  }
0x41: {  	_ =	shalt  }
0x42: {  	_ =	shalt  }
0x43: {  	_ =	shalt  }
0x44: {  	_ =	shalt  }
0x45: {  	_ =	shalt  }
0x46: {  	_ =	shalt  }
0x47: {  	_ =	shalt  }
0x48: {  	_ =	shalt  }
0x49: {  	_ =	shalt  }
0x4a: {  	_ =	shalt  }
0x4b: {  	_ =	shalt  }
0x4c: {  	_ =	shalt  }
0x4d: {  	_ =	shalt  }
0x4e: {  	_ =	shalt  }
0x4f: {  	_ =	shalt  }
0x50: {  	_ =	shalt  }
0x51: {  	_ =	shalt  }
0x52: {  	_ =	shalt  }
0x53: {  	_ =	shalt  }
0x54: {  	_ =	shalt  }
0x55: {  	_ =	shalt  }
0x56: {  	_ =	shalt  }
0x57: {  	_ =	shalt  }
0x58: {  	_ =	shalt  }
0x59: {  	_ =	shalt  }
0x5a: {  	_ =	shalt  }
0x5b: {  	_ =	shalt  }
0x5c: {  	_ =	shalt  }
0x5d: {  	_ =	shalt  }
0x5e: {  	_ =	shalt  }
0x5f: {  	_ =	shalt  }
0x60: {  	_ =	shalt  }
0x61: {  	_ =	shalt  }
0x62: {  	_ =	shalt  }
0x63: {  	_ =	shalt  }
0x64: {  	_ =	shalt  }
0x65: {  	_ =	shalt  }
0x66: {  	_ =	shalt  }
0x67: {  	_ =	shalt  }
0x68: {  	_ =	shalt  }
0x69: {  	_ =	shalt  }
0x6a: {  	_ =	shalt  }
0x6b: {  	_ =	shalt  }
0x6c: {  	_ =	shalt  }
0x6d: {  	_ =	shalt  }
0x6e: {  	_ =	shalt  }
0x6f: {  	_ =	shalt  }
0x70: {  	_ =	shalt  }
0x71: {  	_ =	shalt  }
0x72: {  	_ =	shalt  }
0x73: {  	_ =	shalt  }
0x74: {  	_ =	shalt  }
0x75: {  	_ =	shalt  }
0x76: {  	_ =	shalt  }
0x77: {  	_ =	shalt  }
0x78: {  	_ =	shalt  }
0x79: {  	_ =	shalt  }
0x7a: {  	_ =	shalt  }
0x7b: {  	_ =	shalt  }
0x7c: {  	_ =	shalt  }
0x7d: {  	_ =	shalt  }
0x7e: {  	_ =	shalt  }
0x7f: {  	_ =	shalt  }
0x80: {  	_ =	shalt  }
0x81: {  	_ =	shalt  }
0x82: {  	_ =	shalt  }
0x83: {  	_ =	shalt  }
0x84: {  	_ =	shalt  }
0x85: {  	_ =	shalt  }
0x86: {  	_ =	shalt  }
0x87: {  	_ =	shalt  }
.Lfunc_end0:
.L_simem_size_0:
called_computation.1_lowered:
.L_overlay_start_0:
0x88: {  	s2 =	sld [smem:$0x3FD9]  }
0x89: {  	s3 =	sld [smem:$0x3FFE];
	_ =	sdelay $0x1  }
0x8a: {  	s1 =	srdreg.scid  }
0x8b: {  	s0 =	sand.u32 $0x1, s1  }
0x8c: {  	s17 =	sshll.u32 s0, $0xA;
	s2 =	sadd.s32 s3, s2  }
0x8d: {  	s2 =	sadd.s32 s2, s17  }
0x8e: {  	[smem:$0x3FBE] =	sst s2  }
0x8f: {  	_ = 	snop  }
0x90: {  	s2 =	sld [smem:$0x3FC8];
	(tm) =	ssettm $0x1  }
0x91: {  	s18 =	sld [smem:$0x3FFB];
	_ =	sdelay $0x3  }
0x92: {  	_ =	strace s18  }
0x93: {  	s3 =	sld [smem:$0x3FFC];
	_ =	sdelay $0x3  }
0x94: {  	_ =	strace s3  }
0x95: {  	s3 =	sld [smem:$0x3FFD];
	_ =	sdelay $0x3  }
0x96: {  	_ =	strace s3  }
0x97: {  	_ =	strace $0x8FFFFFFF  }
0x98: {  	s19 =	sld [smem:$0x3FDB];
	_ =	sdelay $0x1  }
0x99: {  	s4 =	simm.s32 $_scs_section_size  }
0x9a: {  	s5 =	simm.s32 $_size__tile_overlayer_lowered;
	s6 =	simm.s32 $_tile_overlayer_lowered  }
0x9b: {  	s22 =	simm.s32 $0x1BFF;
	s21 =	sshll.u32 s6, $0x1;
	s3 =	sadd.s32 s4, s19  }
0x9c: {  	s7 =	simm.s32 $0x0;
	s20 =	sshll.u32 s5, $0x1;
	s5 =	sadd.s32 s21, s3  }
0x9d: {  	[timem:s7], [sflag:s22] =	dma.local [hbm:s5], s20  }
0x9e: {  	_ =	swait.ge [sflag:s22], s20  }
0x9f: {  	s4 =	ssub.s32 $0x0, s20;
	[sflag:s22] =	ssyncset.done $0x0  }
0xa0: {  	[sflag:s22] =	ssyncadd.s32 s4;
	_ =	sdelay $0x1  }
0xa1: {  	s23 =	simm.s32 $0x1B8B  }
0xa2: {  	_ =	swait.ge [sflag:s23], $0x1  }
0xa3: {  	[sflag:s23] =	ssyncset.done $0x0  }
0xa4: {  	s25 =	simm.s32 $0x1B8E;
	s24 =	sld [smem:$0x3FFE];
	[sflag:s23] =	ssyncadd.s32 $0xFFFFFFFF  }
0xa5: {  	s26 =	simm.s32 $execute0_lowered;
	[smem:$0x3FD2] =	sst s25  }
0xa6: {  	s5 =	sshll.u32 s26, $0x1;
	_ =	strace $0x80000049;
	[dreg:$0x1] =	wrdreg $0xFFFFFFFF  }
0xa7: {  	s28 =	simm.s32 $_size_execute0_lowered;
	s3 =	sadd.s32 s3, s5;
	[dreg:$0x0] =	wrdreg $0x0  }
0xa8: {  	s5 =	sshll.u32 s28, $0x1;
	[dreg:$0x2] =	wrdreg s3  }
0xa9: {  	[dreg:$0x3] =	wrdreg s5  }
0xaa: {  	[dreg:$0x4] =	wrdreg $0xC0  }
0xab: {  	_ =	task [dreg:s7], $0x5FFFF  }
0xac: {  	[dreg:$0x1] =	wrdreg $0xFFFFFFFF  }
0xad: {  	[dreg:$0x0] =	wrdreg $0x60  }
0xae: {  	[dreg:$0x2] =	wrdreg s24  }
0xaf: {  	[dreg:$0x3] =	wrdreg s2  }
0xb0: {  	[dreg:$0x4] =	wrdreg $0x142800  }
0xb1: {  	[dreg:$0x5] =	wrdreg $0x9  }
0xb2: {  	_ =	task.clear_ibuf [dreg:s7], $0x6FFFF;
	_ =	strace $0x90000049  }
0xb3: {  	s29 =	simm.s32 $0x9;
	_ =	strace $0x8000004B  }
0xb4: {  	_ =	swait.ge [sflag:s29], $0x1  }
0xb5: {  	[sflag:s29] =	ssyncadd.s32 $0xFFFFFFFF  }
0xb6: {  	_ =	strace $0x9000004B  }
0xb7: {  	_ =	sfence  }
0xb8: {  	s30 =	sld [smem:$0x0];
	_ =	sdelay $0x2  }
0xb9: {  	s31 =	sshll.u32 s1, $0xD;
	s1 =	sshrl.u32 s1, $0x2  }
0xba: {  	s3 =	sand.u32 $0x4000, s31;
	s1 =	sadd.s32 s1, s30  }
0xbb: {  	s0 =	sor.u32 s3, s0;
	s1 =	sshll.u32 s1, $0x11  }
0xbc: {  	s0 =	sor.u32 s1, s0  }
0xbd: {  	s0 =	sadd.s32 $0x8F2B, s0  }
0xbe: {  	[sflag:s0] =	ssyncadd.remote.s32 $0x1  }
0xbf: {  	_ =	sfence.sel $0xFFFF  }
0xc0: {  	[dreg:$0x0] =	wrdreg $0xFFFFFFFF;
	(pc) =	sbr.abs _section_cstart, $3  }
0xc1: {  	[dreg:$0x1] =	wrdreg $0xFFFFFFFF  }
0xc2: {  	_ =	task.clear_ibuf [dreg:s7], $0x2FFFF;
	_ =	strace $0x9FFFFFFF  }
0xc3: {  	(tm) =	ssettm $0x7FFFFFFF  }
tec
execute0_lowered:
.L_overlay_start_1:
0x0: {  	(tag) =	ssettag $0x1  }
0x1: {  	s0 =	rddreg [dreg:$0x0]  }
0x2: {  	s2 =	rddreg [dreg:$0x1]  }
0x3: {  	s3 =	rddreg [dreg:$0x2];
	s1 =	stileid.u32  }
0x4: {  	s5 =	srdreg.scid;
	s4 =	simm.s32 $0x0;
	s15 =	simm.s32 $0x5  }
0x5: {  	s16 =	simm.s32 $0x100;
	s17 =	simm.s32 $0x80;
	s18 =	simm.s32 $0x280  }
0x6: {  	s19 =	simm.s32 $0x8280;
	s20 =	simm.s32 $0x1;
	s21 =	simm.s32 $0x3  }
0x7: {  	s28 =	simm.s32 $0x0;
	s7 =	smul.u32 $0xA400, s1;
	s9 =	sand.u32 $0x1, s5  }
0x8: {  	[smem:$0x7FF] =	sst s4;
	s5 =	sadd.s32 $0x3DA00, s0;
	s6 =	sadd.s32 $0x65A00, s0  }
0x9: {  	s11 =	smul.u32 $0x29000, s1;
	s25 =	sshll.u32 s1, $0x6;
	s29 =	sshll.u32 s1, $0x5  }
0xa: {  	s8 =	smul.u32 $0xA4000, s9;
	_ =	strace $0x8000004A;
	s22 =	ssub.s32 $0x2, s9  }
0xb: {  	s31 =	sadd.s32 s2, s29;
	s10 =	sshrl.u32 s7, $0x3;
	s23 =	sshrl.u32 s22, $0x1  }
0xc: {  	s24 =	sshrl.u32 s11, $0x2;
	[dreg:$0x6] =	wrdreg s31;
	s7 =	sadd.s32 s7, s8  }
0xd: {  	s10 =	sadd.s32 s10, s0;
	s14 =	sadd.s32 s24, s3;
	s8 =	sor.u32 $0x1C05, s25  }
0xe: {  	s25 =	smul.u32 $0x1400, s9;
	s9 =	sadd.s32 $0x10, s2;
	s24 =	simm.s32 $0x6  }
.Ltmp0:
0xf: {  	s7 =	sshrl.u32 s7, $0x3;
	s26 =	sadd.s32 $0x29200, s10;
	(pc) =	sbr.rel .LBB2_1-.Ltmp0, $4  }
0x10: {  	s30 =	sadd.s32 s29, s9;
	s14 =	sshrl.u32 s14, $0x3;
	[dreg:$0x4] =	wrdreg s26  }
0x11: {  	s0 =	sadd.s32 s7, s0;
	s7 =	ssub.s32 s22, s23;
	[dreg:$0x5] =	wrdreg s30  }
0x12: {  	s22 =	simm.s32 $0x200;
	s23 =	simm.s32 $0x10280;
	v0 =	vmov s25;
	s25 =	simm.s32 $0x2  }
0x13: {  	s26 =	simm.s32 $0x4;
	s12 =	sadd.s32 $0x8DA00, s0;
	s13 =	smax.u32 s7, $0x1  }
.LBB2_12:
0x14: {  	s28 =	sadd.s32 $0x1, s28  }
0x15: {  	p0 =	sne.s32 s28, s13  }
.Ltmp1:
0x16: {  	[bflag:$0x0] =	sbarrier.arrive $0xFFFF;
	(pc) =	sbr.rel @!p0 .LBB2_13-.Ltmp1, $4  }
0x17: {  	[hbm:s12], [sflag:s8] =	dma.local [spmem:s14], $0x1480  }
0x18: {  	_ =	swait.ge [sflag:s15], $0x1480  }
0x19: {  	[sflag:s15] =	ssyncset.done $0x0  }
0x1a: {  	[sflag:s15] =	ssyncadd.s32 $0xFFFFEB80  }
.LBB2_1:
0x1b: {  	s0 =	rddreg [dreg:$0x4]  }
0x1c: {  	[spmem:s14], [sflag:s8] =	dma.local [hbm:s0], $0x1480  }
0x1d: {  	_ =	swait.ge [sflag:s15], $0x1480  }
0x1e: {  	[sflag:s15] =	ssyncset.done $0x0  }
0x1f: {  	[sflag:s15] =	ssyncadd.s32 $0xFFFFEB80  }
0x20: {  	[bflag:$0x0] =	sbarrier.arrive $0xFFFF  }
0x21: {  	s30 =	rddreg [dreg:$0x5]  }
0x22: {  	[tilespmem:s4], [sflag:$0x5] =	stream.linear.gather [hbm4b:s30+s4], $0x80, $0x38;
	[tilespmem:$0x1E680] =	vst v63  }
0x23: {  	_ =	swait.ge [sflag:s15], $0x80  }
0x24: {  	[sflag:s15] =	ssyncset.done $0x0  }
0x25: {  	s31 =	rddreg [dreg:$0x6];
	[sflag:s15] =	ssyncadd.s32 $0xFFFFFF80  }
0x26: {  	[tilespmem:s16], [sflag:$0x5] =	stream.linear.gather [hbm4b:s31+s4], $0x80, $0x38;
	[tilespmem:$0x1E680] =	vst v63  }
0x27: {  	_ =	swait.ge [sflag:s15], $0x80  }
.Ltmp2:
0x28: {  	[sflag:s15] =	ssyncset.done $0x0;
	(pc) =	sbr.rel .LBB2_2-.Ltmp2, $4  }
0x29: {  	[sflag:s15] =	ssyncadd.s32 $0xFFFFFF80  }
0x2a: {  	[tilespmem:s18], [sflag:$0x1] =	stream.indirect.gather [hbm4b:s5+s17], $0x80, s4, s17, $0xb8;
	[tilespmem:$0x1E680] =	vst v63  }
0x2b: {  	s29 =	simm.s32 $0x0  }
0x2c: {  	[tilespmem:s19], [sflag:$0x3] =	stream.indirect.gather [hbm4b:s6+s17], $0x80, s16, s17, $0xb8;
	[tilespmem:$0x1E680] =	vst v63  }
.LBB2_11:
0x2d: {  	s29 =	sadd.s32 $0x1, s29  }
0x2e: {  	p0 =	sne.s32 s29, $0x4F  }
.Ltmp3:
0x2f: {  	_ = 	snop;
	(pc) =	sbr.rel @!p0 .LBB2_12-.Ltmp3, $1  }
0x30: {  	_ =	sdelay $0x3  }
.LBB2_2:
0x31: {  	s0 =	sshll.u32 s29, $0x5  }
0x32: {  	s30 =	sor.u32 s1, s0  }
0x33: {  	s0 =	sor.u32 $0x10, s30  }
0x34: {  	p0 =	sgt.u32 s0, $0x9C3  }
0x35: {  	s0 =	sshll.u32 @!p0 s0, $0x5  }
0x36: {  	s31 =	simm.s32 @!p0 $0x0;
	s10 =	simm.s32 @!p0 $0x80;
	s7 =	sadd.s32 @!p0 s0, s9  }
0x37: {  	[tilespmem:s10], [sflag:$0x6] =	stream.linear.gather @!p0 [hbm4b:s7+s31], $0x80, $0x38;
	[tilespmem:$0x1E680] =	vst v63  }
0x38: {  	s7 =	simm.s32 @!p0 $0x6  }
0x39: {  	_ =	swait.ge @!p0 [sflag:s7], $0x80  }
0x3a: {  	[sflag:s7] =	ssyncset.done @!p0 $0x0  }
0x3b: {  	s11 =	simm.s32 @!p0 $0x180;
	s0 =	sadd.s32 @!p0 s2, s0;
	[sflag:s7] =	ssyncadd.s32 @!p0 $0xFFFFFF80  }
0x3c: {  	[tilespmem:s11], [sflag:$0x6] =	stream.linear.gather @!p0 [hbm4b:s0+s31], $0x80, $0x38;
	[tilespmem:$0x1E680] =	vst v63  }
0x3d: {  	p1 =	sgt.u32 s30, $0x9C3;
	_ =	swait.ge @!p0 [sflag:s7], $0x80  }
.Ltmp4:
0x3e: {  	[sflag:s7] =	ssyncset.done @!p0 $0x0;
	(pc) =	sbr.rel @p1 .LBB2_11-.Ltmp4, $4  }
0x3f: {  	s0 =	simm.s32 @!p0 $0x4280;
	[sflag:s7] =	ssyncadd.s32 @!p0 $0xFFFFFF80  }
0x40: {  	[tilespmem:s0], [sflag:$0x2] =	stream.indirect.gather @!p0 [hbm4b:s5+s10], $0x80, s10, s10, $0xb8;
	[tilespmem:$0x1E680] =	vst v63  }
0x41: {  	s0 =	simm.s32 @!p0 $0xC280  }
0x42: {  	[tilespmem:s0], [sflag:$0x4] =	stream.indirect.gather @!p0 [hbm4b:s6+s10], $0x80, s11, s10, $0xb8;
	[tilespmem:$0x1E680] =	vst v63  }
0x43: {  	_ =	swait.ge [sflag:s20], $0x4000  }
0x44: {  	[sflag:s20] =	ssyncset.done $0x0  }
0x45: {  	[sflag:s20] =	ssyncadd.s32 $0xFFFFC000  }
0x46: {  	_ =	swait.ge [sflag:s21], $0x4000  }
0x47: {  	[sflag:s21] =	ssyncset.done $0x0  }
0x48: {  	s31 =	simm.s32 $0x0;
	[sflag:s21] =	ssyncadd.s32 $0xFFFFC000  }
0x49: {  	v1 =	vld [tilespmem:s31+$0x2F0]  }
0x4a: {  	v2 =	vld [tilespmem:s31+$0x82F0]  }
0x4b: {  	v3 =	vld [tilespmem:s31+$0x280]  }
0x4c: {  	v4 =	vld [tilespmem:s31+$0x8280]  }
0x4d: {  	v5 =	vld [tilespmem:s31+$0x290]  }
0x4e: {  	v6 =	vld [tilespmem:s31+$0x8290]  }
0x4f: {  	v7 =	vld [tilespmem:s31+$0x2A0]  }
0x50: {  	v1 =	vadd.f32 v2, v1;
	v2 =	vld [tilespmem:s31+$0x82A0]  }
0x51: {  	v8 =	vld [tilespmem:s31+$0x2B0]  }
0x52: {  	v9 =	vld [tilespmem:s31+$0x82B0];
	v3 =	vadd.f32 v4, v3  }
0x53: {  	v10 =	vld [tilespmem:s31+$0x2C0];
	v1 =	vmax.f32 v1, $0.0e+00  }
0x54: {  	[tilespmem:s31+$0x102F0] =	vst v1;
	v1 =	vmax.f32 v3, $0.0e+00;
	v3 =	vadd.f32 v6, v5;
	v6 =	vld [tilespmem:s31+$0x82C0]  }
0x55: {  	v4 =	vld [tilespmem:s31+$0x82D0];
	v2 =	vadd.f32 v2, v7  }
0x56: {  	[tilespmem:s31+$0x10280] =	vst v1;
	v1 =	vld [tilespmem:s31+$0x2D0];
	v3 =	vmax.f32 v3, $0.0e+00  }
0x57: {  	v5 =	vld [tilespmem:s31+$0x82E0];
	v7 =	vadd.f32 v9, v8;
	[tilespmem:s31+$0x10290] =	vst v3;
	v3 =	vmax.f32 v2, $0.0e+00  }
0x58: {  	s0 =	simm.s32 $0x80;
	v2 =	vld [tilespmem:s31+$0x2E0];
	[tilespmem:s31+$0x102A0] =	vst v3  }
0x59: {  	s7 =	simm.s32 $0x400;
	v7 =	vmax.f32 v7, $0.0e+00;
	v6 =	vadd.f32 v6, v10;
	v3 =	vld [tilespmem:s0+$0x2F0]  }
.LBB2_4:
0x5a: {  	p1 =	sne.s32 s7, $0xFE00;
	v8 =	vld [tilespmem:s0+$0x82F0];
	[tilespmem:s31+$0x102B0] =	vst v7  }
0x5b: {  	v7 =	vld [tilespmem:s0+$0x280];
	v6 =	vmax.f32 v6, $0.0e+00;
	v1 =	vadd.f32 v4, v1  }
0x5c: {  	v4 =	vld [tilespmem:s0+$0x8280];
	[tilespmem:s31+$0x102C0] =	vst v6  }
0x5d: {  	v6 =	vld [tilespmem:s0+$0x290];
	v1 =	vmax.f32 v1, $0.0e+00;
	v2 =	vadd.f32 v5, v2  }
0x5e: {  	v5 =	vld [tilespmem:s0+$0x8290];
	[tilespmem:s31+$0x102D0] =	vst v1  }
0x5f: {  	v1 =	vld [tilespmem:s0+$0x2A0];
	v3 =	vadd.f32 v8, v3;
	v2 =	vmax.f32 v2, $0.0e+00  }
0x60: {  	v8 =	vld [tilespmem:s0+$0x82A0];
	[tilespmem:s31+$0x102E0] =	vst v2;
	s31 =	smov.u32 s0  }
0x61: {  	v2 =	vadd.f32 v4, v7;
	v7 =	vld [tilespmem:s31+$0x2B0];
	v3 =	vmax.f32 v3, $0.0e+00  }
0x62: {  	v9 =	vld [tilespmem:s31+$0x82B0];
	[tilespmem:s31+$0x102F0] =	vst v3  }
0x63: {  	v2 =	vmax.f32 v2, $0.0e+00;
	v3 =	vadd.f32 v5, v6;
	v6 =	vld [tilespmem:s31+$0x2C0]  }
0x64: {  	[tilespmem:s31+$0x10280] =	vst v2;
	v10 =	vld [tilespmem:s31+$0x82C0]  }
.Ltmp5:
0x65: {  	v2 =	vmax.f32 v3, $0.0e+00;
	v3 =	vadd.f32 v8, v1;
	v1 =	vld [tilespmem:s31+$0x2D0];
	(pc) =	sbr.rel @p1 .LBB2_4-.Ltmp5, $4  }
0x66: {  	[tilespmem:s31+$0x10290] =	vst v2;
	v4 =	vld [tilespmem:s31+$0x82D0]  }
0x67: {  	v3 =	vmax.f32 v3, $0.0e+00;
	v7 =	vadd.f32 v9, v7;
	v2 =	vld [tilespmem:s31+$0x2E0]  }
0x68: {  	s0 =	sshra.s32 s7, $0x2;
	[tilespmem:s31+$0x102A0] =	vst v3;
	v5 =	vld [tilespmem:s31+$0x82E0]  }
0x69: {  	s7 =	sadd.s32 $0x200, s7;
	v3 =	vld [tilespmem:s0+$0x2F0];
	v7 =	vmax.f32 v7, $0.0e+00;
	v6 =	vadd.f32 v10, v6  }
0x6a: {  	v8 =	vld [tilespmem:s0+$0x82F0];
	[tilespmem:s31+$0x102B0] =	vst v7  }
0x6b: {  	v7 =	vld [tilespmem:s0+$0x280];
	v6 =	vmax.f32 v6, $0.0e+00;
	v1 =	vadd.f32 v4, v1  }
0x6c: {  	v9 =	vld [tilespmem:s0+$0x8280];
	[tilespmem:s31+$0x102C0] =	vst v6  }
0x6d: {  	v53 =	vld [tilespmem:s0+$0x290];
	v1 =	vmax.f32 v1, $0.0e+00;
	v2 =	vadd.f32 v5, v2  }
0x6e: {  	v6 =	vld [tilespmem:s0+$0x8290];
	[tilespmem:s31+$0x102D0] =	vst v1  }
0x6f: {  	v1 =	vld [tilespmem:s0+$0x2A0];
	v2 =	vmax.f32 v2, $0.0e+00  }
0x70: {  	v54 =	vld [tilespmem:s0+$0x82A0];
	[tilespmem:s31+$0x102E0] =	vst v2  }
0x71: {  	v2 =	vld [tilespmem:s0+$0x2B0]  }
0x72: {  	v3 =	vadd.f32 v8, v3;
	v55 =	vld [tilespmem:s0+$0x82B0]  }
0x73: {  	v7 =	vadd.f32 v9, v7;
	v56 =	vld [tilespmem:s0+$0x2C0]  }
0x74: {  	v3 =	vmax.f32 v3, $0.0e+00;
	v57 =	vld [tilespmem:s0+$0x2D0]  }
0x75: {  	v58 =	vld [tilespmem:s0+$0x82D0];
	[tilespmem:s0+$0x102F0] =	vst v3;
	v3 =	vmax.f32 v7, $0.0e+00;
	v1 =	vadd.f32 v54, v1  }
0x76: {  	[tilespmem:s0+$0x10280] =	vst v3;
	v3 =	vld [tilespmem:s0+$0x82C0]  }
0x77: {  	v59 =	vld [tilespmem:s0+$0x2E0];
	v1 =	vmax.f32 v1, $0.0e+00  }
0x78: {  	[tilespmem:s0+$0x102A0] =	vst v1;
	v1 =	vld [tilespmem:s0+$0x82E0]  }
0x79: {  	v4 =	vadd.f32 v6, v53  }
0x7a: {  	v2 =	vadd.f32 v55, v2  }
0x7b: {  	v4 =	vmax.f32 v4, $0.0e+00;
	v3 =	vadd.f32 v3, v56  }
0x7c: {  	[tilespmem:s0+$0x10290] =	vst v4;
	v4 =	vadd.f32 v58, v57;
	v2 =	vmax.f32 v2, $0.0e+00  }
0x7d: {  	[tilespmem:s0+$0x102B0] =	vst v2;
	v2 =	vmax.f32 v3, $0.0e+00;
	v1 =	vadd.f32 v1, v59  }
0x7e: {  	[tilespmem:s0+$0x102C0] =	vst v2;
	v2 =	vmax.f32 v4, $0.0e+00  }
0x7f: {  	[tilespmem:s0+$0x102D0] =	vst v2;
	v1 =	vmax.f32 v1, $0.0e+00  }
0x80: {  	[tilespmem:s0+$0x102E0] =	vst v1  }
0x81: {  	v1 =	vld [tilespmem:$0x0]  }
0x82: {  	v2 =	vld [tilespmem:$0x10]  }
0x83: {  	v3 =	vld [tilespmem:$0x20]  }
0x84: {  	v60 =	vld [tilespmem:$0x30]  }
0x85: {  	v61 =	vld [tilespmem:$0x40]  }
0x86: {  	v62 =	vld [tilespmem:$0x50];
	v1 =	vsub.s32 v1, v0  }
0x87: {  	v63 =	vld [tilespmem:$0x60];
	v2 =	vsub.s32 v2, v0;
	v1 =	vmin.u32 v1, $0x1400  }
0x88: {  	[tilespmem:$0x200] =	vst v1;
	v1 =	vmin.u32 v2, $0x1400;
	v2 =	vsub.s32 v3, v0;
	v3 =	vld [tilespmem:$0x70]  }
0x89: {  	[tilespmem:$0x210] =	vst v1;
	v1 =	vmin.u32 v2, $0x1400;
	v2 =	vsub.s32 v60, v0  }
0x8a: {  	[tilespmem:$0x220] =	vst v1;
	v1 =	vmin.u32 v2, $0x1400;
	v2 =	vsub.s32 v61, v0  }
0x8b: {  	[tilespmem:$0x230] =	vst v1;
	v1 =	vmin.u32 v2, $0x1400;
	v2 =	vsub.s32 v62, v0  }
0x8c: {  	[tilespmem:$0x240] =	vst v1;
	v1 =	vmin.u32 v2, $0x1400;
	v2 =	vsub.s32 v63, v0  }
0x8d: {  	[tilespmem:$0x250] =	vst v1;
	v1 =	vmin.u32 v2, $0x1400;
	v2 =	vsub.s32 v3, v0  }
0x8e: {  	p1 =	sgt.u32 s30, $0x9A3;
	[tilespmem:$0x260] =	vst v1;
	v1 =	vmin.u32 v2, $0x1400  }
.Ltmp6:
0x8f: {  	[tilespmem:$0x270] =	vst v1;
	(pc) =	sbr.rel @p1 .LBB2_7-.Ltmp6, $4  }
0x90: {  	[spmem:s3] =	stream.indirect.scatter.add.f32 [tilespmem:s23], [sflag:$0x6], $0x80, s22, s17, $0xb8;
	[tilespmem:$0x1E680] =	vst v63  }
0x91: {  	_ =	swait.ge [sflag:s24], $0x4000  }
0x92: {  	[sflag:s24] =	ssyncset.done $0x0  }
0x93: {  	[sflag:s24] =	ssyncadd.s32 $0xFFFFC000  }
0x94: {  	s0 =	sshll.u32 s30, $0x5  }
0x95: {  	s0 =	sadd.s32 $0x400, s0  }
0x96: {  	s7 =	sadd.s32 s0, s9  }
0x97: {  	[tilespmem:s4], [sflag:$0x6] =	stream.linear.gather [hbm4b:s7+s4], $0x80, $0x38;
	[tilespmem:$0x1E680] =	vst v63  }
0x98: {  	_ =	swait.ge [sflag:s24], $0x80  }
0x99: {  	[sflag:s24] =	ssyncset.done $0x0  }
0x9a: {  	s0 =	sadd.s32 s2, s0;
	[sflag:s24] =	ssyncadd.s32 $0xFFFFFF80  }
0x9b: {  	[tilespmem:s16], [sflag:$0x6] =	stream.linear.gather [hbm4b:s0+s4], $0x80, $0x38;
	[tilespmem:$0x1E680] =	vst v63  }
0x9c: {  	_ =	swait.ge [sflag:s24], $0x80  }
.Ltmp7:
0x9d: {  	[sflag:s24] =	ssyncset.done $0x0;
	(pc) =	sbr.rel .LBB2_8-.Ltmp7, $4  }
0x9e: {  	[sflag:s24] =	ssyncadd.s32 $0xFFFFFF80  }
0x9f: {  	[tilespmem:s18], [sflag:$0x1] =	stream.indirect.gather [hbm4b:s5+s17], $0x80, s4, s17, $0xb8;
	[tilespmem:$0x1E680] =	vst v63  }
0xa0: {  	_ = 	snop  }
0xa1: {  	[tilespmem:s19], [sflag:$0x3] =	stream.indirect.gather [hbm4b:s6+s17], $0x80, s16, s17, $0xb8;
	[tilespmem:$0x1E680] =	vst v63  }
.LBB2_7:
.Ltmp8:
0xa2: {  	(pc) =	sbr.rel @p0 .LBB2_11-.Ltmp8, $1  }
0xa3: {  	_ =	sdelay $0x3  }
.LBB2_8:
0xa4: {  	_ =	swait.ge [sflag:s25], $0x4000  }
0xa5: {  	[sflag:s25] =	ssyncset.done $0x0  }
0xa6: {  	[sflag:s25] =	ssyncadd.s32 $0xFFFFC000  }
0xa7: {  	_ =	swait.ge [sflag:s26], $0x4000  }
0xa8: {  	[sflag:s26] =	ssyncset.done $0x0  }
0xa9: {  	s30 =	simm.s32 $0x0;
	[sflag:s26] =	ssyncadd.s32 $0xFFFFC000  }
0xaa: {  	v1 =	vld [tilespmem:s30+$0x42F0]  }
0xab: {  	v2 =	vld [tilespmem:s30+$0xC2F0]  }
0xac: {  	v3 =	vld [tilespmem:s30+$0x4280]  }
0xad: {  	v4 =	vld [tilespmem:s30+$0xC280]  }
0xae: {  	v5 =	vld [tilespmem:s30+$0x4290]  }
0xaf: {  	v6 =	vld [tilespmem:s30+$0xC290]  }
0xb0: {  	v7 =	vld [tilespmem:s30+$0x42A0]  }
0xb1: {  	v1 =	vadd.f32 v2, v1;
	v2 =	vld [tilespmem:s30+$0xC2A0]  }
0xb2: {  	v8 =	vld [tilespmem:s30+$0x42B0]  }
0xb3: {  	v9 =	vld [tilespmem:s30+$0xC2B0];
	v3 =	vadd.f32 v4, v3  }
0xb4: {  	v10 =	vld [tilespmem:s30+$0x42C0];
	v1 =	vmax.f32 v1, $0.0e+00  }
0xb5: {  	[tilespmem:s30+$0x102F0] =	vst v1;
	v1 =	vmax.f32 v3, $0.0e+00;
	v3 =	vadd.f32 v6, v5;
	v6 =	vld [tilespmem:s30+$0xC2C0]  }
0xb6: {  	v4 =	vld [tilespmem:s30+$0xC2D0];
	v2 =	vadd.f32 v2, v7  }
0xb7: {  	[tilespmem:s30+$0x10280] =	vst v1;
	v1 =	vld [tilespmem:s30+$0x42D0];
	v3 =	vmax.f32 v3, $0.0e+00  }
0xb8: {  	v5 =	vld [tilespmem:s30+$0xC2E0];
	v7 =	vadd.f32 v9, v8;
	[tilespmem:s30+$0x10290] =	vst v3;
	v3 =	vmax.f32 v2, $0.0e+00  }
0xb9: {  	s0 =	simm.s32 $0x80;
	v2 =	vld [tilespmem:s30+$0x42E0];
	[tilespmem:s30+$0x102A0] =	vst v3  }
0xba: {  	s7 =	simm.s32 $0x400;
	v7 =	vmax.f32 v7, $0.0e+00;
	v6 =	vadd.f32 v6, v10;
	v3 =	vld [tilespmem:s0+$0x42F0]  }
.LBB2_9:
0xbb: {  	p0 =	sne.s32 s7, $0xFE00;
	v8 =	vld [tilespmem:s0+$0xC2F0];
	[tilespmem:s30+$0x102B0] =	vst v7  }
0xbc: {  	v7 =	vld [tilespmem:s0+$0x4280];
	v6 =	vmax.f32 v6, $0.0e+00;
	v1 =	vadd.f32 v4, v1  }
0xbd: {  	v4 =	vld [tilespmem:s0+$0xC280];
	[tilespmem:s30+$0x102C0] =	vst v6  }
0xbe: {  	v6 =	vld [tilespmem:s0+$0x4290];
	v1 =	vmax.f32 v1, $0.0e+00;
	v2 =	vadd.f32 v5, v2  }
0xbf: {  	v5 =	vld [tilespmem:s0+$0xC290];
	[tilespmem:s30+$0x102D0] =	vst v1  }
0xc0: {  	v1 =	vld [tilespmem:s0+$0x42A0];
	v3 =	vadd.f32 v8, v3;
	v2 =	vmax.f32 v2, $0.0e+00  }
0xc1: {  	v8 =	vld [tilespmem:s0+$0xC2A0];
	[tilespmem:s30+$0x102E0] =	vst v2;
	s30 =	smov.u32 s0  }
0xc2: {  	v2 =	vadd.f32 v4, v7;
	v7 =	vld [tilespmem:s30+$0x42B0];
	v3 =	vmax.f32 v3, $0.0e+00  }
0xc3: {  	v9 =	vld [tilespmem:s30+$0xC2B0];
	[tilespmem:s30+$0x102F0] =	vst v3  }
0xc4: {  	v2 =	vmax.f32 v2, $0.0e+00;
	v3 =	vadd.f32 v5, v6;
	v6 =	vld [tilespmem:s30+$0x42C0]  }
0xc5: {  	[tilespmem:s30+$0x10280] =	vst v2;
	v10 =	vld [tilespmem:s30+$0xC2C0]  }
.Ltmp9:
0xc6: {  	v2 =	vmax.f32 v3, $0.0e+00;
	v3 =	vadd.f32 v8, v1;
	v1 =	vld [tilespmem:s30+$0x42D0];
	(pc) =	sbr.rel @p0 .LBB2_9-.Ltmp9, $4  }
0xc7: {  	[tilespmem:s30+$0x10290] =	vst v2;
	v4 =	vld [tilespmem:s30+$0xC2D0]  }
0xc8: {  	v3 =	vmax.f32 v3, $0.0e+00;
	v7 =	vadd.f32 v9, v7;
	v2 =	vld [tilespmem:s30+$0x42E0]  }
0xc9: {  	s0 =	sshra.s32 s7, $0x2;
	[tilespmem:s30+$0x102A0] =	vst v3;
	v5 =	vld [tilespmem:s30+$0xC2E0]  }
0xca: {  	s7 =	sadd.s32 $0x200, s7;
	v3 =	vld [tilespmem:s0+$0x42F0];
	v7 =	vmax.f32 v7, $0.0e+00;
	v6 =	vadd.f32 v10, v6  }
0xcb: {  	v8 =	vld [tilespmem:s0+$0xC2F0];
	[tilespmem:s30+$0x102B0] =	vst v7  }
0xcc: {  	v7 =	vld [tilespmem:s0+$0x4280];
	v6 =	vmax.f32 v6, $0.0e+00;
	v1 =	vadd.f32 v4, v1  }
0xcd: {  	v9 =	vld [tilespmem:s0+$0xC280];
	[tilespmem:s30+$0x102C0] =	vst v6  }
0xce: {  	v53 =	vld [tilespmem:s0+$0x4290];
	v1 =	vmax.f32 v1, $0.0e+00;
	v2 =	vadd.f32 v5, v2  }
0xcf: {  	v6 =	vld [tilespmem:s0+$0xC290];
	[tilespmem:s30+$0x102D0] =	vst v1  }
0xd0: {  	v1 =	vld [tilespmem:s0+$0x42A0];
	v2 =	vmax.f32 v2, $0.0e+00  }
0xd1: {  	v54 =	vld [tilespmem:s0+$0xC2A0];
	[tilespmem:s30+$0x102E0] =	vst v2  }
0xd2: {  	v2 =	vld [tilespmem:s0+$0x42B0]  }
0xd3: {  	v3 =	vadd.f32 v8, v3;
	v55 =	vld [tilespmem:s0+$0xC2B0]  }
0xd4: {  	v7 =	vadd.f32 v9, v7;
	v56 =	vld [tilespmem:s0+$0x42C0]  }
0xd5: {  	v3 =	vmax.f32 v3, $0.0e+00;
	v57 =	vld [tilespmem:s0+$0x42D0]  }
0xd6: {  	v58 =	vld [tilespmem:s0+$0xC2D0];
	[tilespmem:s0+$0x102F0] =	vst v3;
	v3 =	vmax.f32 v7, $0.0e+00;
	v1 =	vadd.f32 v54, v1  }
0xd7: {  	[tilespmem:s0+$0x10280] =	vst v3;
	v3 =	vld [tilespmem:s0+$0xC2C0]  }
0xd8: {  	v59 =	vld [tilespmem:s0+$0x42E0];
	v1 =	vmax.f32 v1, $0.0e+00  }
0xd9: {  	[tilespmem:s0+$0x102A0] =	vst v1;
	v1 =	vld [tilespmem:s0+$0xC2E0]  }
0xda: {  	v4 =	vadd.f32 v6, v53  }
0xdb: {  	v2 =	vadd.f32 v55, v2  }
0xdc: {  	v4 =	vmax.f32 v4, $0.0e+00;
	v3 =	vadd.f32 v3, v56  }
0xdd: {  	[tilespmem:s0+$0x10290] =	vst v4;
	v4 =	vadd.f32 v58, v57;
	v2 =	vmax.f32 v2, $0.0e+00  }
0xde: {  	[tilespmem:s0+$0x102B0] =	vst v2;
	v2 =	vmax.f32 v3, $0.0e+00;
	v1 =	vadd.f32 v1, v59  }
0xdf: {  	[tilespmem:s0+$0x102C0] =	vst v2;
	v2 =	vmax.f32 v4, $0.0e+00  }
0xe0: {  	[tilespmem:s0+$0x102D0] =	vst v2;
	v1 =	vmax.f32 v1, $0.0e+00  }
0xe1: {  	[tilespmem:s0+$0x102E0] =	vst v1  }
0xe2: {  	v1 =	vld [tilespmem:$0x80]  }
0xe3: {  	v2 =	vld [tilespmem:$0x90]  }
0xe4: {  	v3 =	vld [tilespmem:$0xA0]  }
0xe5: {  	v60 =	vld [tilespmem:$0xB0]  }
0xe6: {  	v61 =	vld [tilespmem:$0xC0]  }
0xe7: {  	v62 =	vld [tilespmem:$0xD0];
	v1 =	vsub.s32 v1, v0  }
0xe8: {  	v63 =	vld [tilespmem:$0xE0];
	v2 =	vsub.s32 v2, v0;
	v1 =	vmin.u32 v1, $0x1400  }
0xe9: {  	[tilespmem:$0x200] =	vst v1;
	v1 =	vmin.u32 v2, $0x1400;
	v2 =	vsub.s32 v3, v0;
	v3 =	vld [tilespmem:$0xF0]  }
0xea: {  	[tilespmem:$0x210] =	vst v1;
	v1 =	vmin.u32 v2, $0x1400;
	v2 =	vsub.s32 v60, v0  }
0xeb: {  	[tilespmem:$0x220] =	vst v1;
	v1 =	vmin.u32 v2, $0x1400;
	v2 =	vsub.s32 v61, v0  }
0xec: {  	[tilespmem:$0x230] =	vst v1;
	v1 =	vmin.u32 v2, $0x1400;
	v2 =	vsub.s32 v62, v0  }
0xed: {  	[tilespmem:$0x240] =	vst v1;
	v1 =	vmin.u32 v2, $0x1400;
	v2 =	vsub.s32 v63, v0  }
0xee: {  	[tilespmem:$0x250] =	vst v1;
	v1 =	vmin.u32 v2, $0x1400;
	v2 =	vsub.s32 v3, v0  }
0xef: {  	[tilespmem:$0x260] =	vst v1;
	v1 =	vmin.u32 v2, $0x1400  }
.Ltmp10:
0xf0: {  	[tilespmem:$0x270] =	vst v1;
	(pc) =	sbr.rel .LBB2_11-.Ltmp10, $4  }
0xf1: {  	[spmem:s3] =	stream.indirect.scatter.add.f32 [tilespmem:s23], [sflag:$0x5], $0x80, s22, s17, $0xb8;
	[tilespmem:$0x1E680] =	vst v63  }
0xf2: {  	_ =	swait.ge [sflag:s15], $0x4000  }
0xf3: {  	[sflag:s15] =	ssyncset.done $0x0  }
0xf4: {  	[sflag:s15] =	ssyncadd.s32 $0xFFFFC000  }
.LBB2_13:
0xf5: {  	_ =	sfence.sel $0x180000  }
0xf6: {  	[bflag:$0x0] =	sbarrier.arrive $0xFFFF  }
0xf7: {  	_ =	strace $0x9000004A  }
0xf8: {  	[bflag:$0x2] =	sbarrier.arrive $0xFFFF  }
0xf9: {  	p0 =	sne.s32 s1, $0x0;
	s0 =	rddreg [dreg:$0x3]  }
0xfa: {  	s0 =	sadd.s32 @!p0 $0x100000, s0  }
0xfb: {  	[sflag:s0] =	ssyncadd.tile.s32 @!p0 $0x1;
	_ =	shalt  }
.Lfunc_end2:
_tile_overlayer_lowered:
.L_overlay_start_2:
0xfc: {  	(tag) =	ssettag $0x2  }
0xfd: {  	s0 =	rddreg [dreg:$0x0];
	s2 =	stileid.u32  }
0xfe: {  	s1 =	rddreg [dreg:$0x1];
	p0 =	sne.s32 s2, $0x0  }
0xff: {  	s3 =	rddreg [dreg:$0x2];
	[bflag:$0x3] =	sbarrier.arrive $0xFFFF;
	s2 =	simm.s32 @!p0 $0x1C05  }
0x100: {  	[timem:s3], [sflag:s2] =	dma.local @!p0 [hbm:s0], s1  }
0x101: {  	s0 =	simm.s32 @!p0 $0x5  }
0x102: {  	_ =	swait.ge @!p0 [sflag:s0], s1  }
0x103: {  	s1 =	ssub.s32 @!p0 $0x0, s1;
	[sflag:s0] =	ssyncset.done @!p0 $0x0  }
0x104: {  	[sflag:s0] =	ssyncadd.s32 @!p0 s1  }
0x105: {  	[bflag:$0x3] =	sbarrier.arrive $0xFFFF  }
0x106: {  	_ =	shalt  }

// kernel: kernel.7.cloned.1.call-start
scs
__scs_entry_jumppad:
0x0: {  	(pc) =	sbr.rel $0x88, $3  }
0x1: {  	(tag) =	ssettag $0x0;
	lr =	simm.s32 $0x1  }
0x2: {  	[smem:$0x3F97] =	sst lr;
	_ =	strace $0xD0000000  }
0x3: {  	_ = 	snop  }
0x4: {  	_ = 	snop  }
0x5: {  	_ = 	snop  }
0x6: {  	_ = 	snop  }
0x7: {  	_ = 	snop  }
__scs_overlays_trampoline_lowered:
0x8: {  	[smem:$0x3FA6] =	sst s0  }
0x9: {  	[smem:$0x3FA7] =	sst s1  }
0xa: {  	[smem:$0x3FA8] =	sst s2  }
0xb: {  	[smem:$0x3FA9] =	sst s3  }
0xc: {  	[smem:$0x3FAA] =	sst s4  }
0xd: {  	[smem:$0x3FAB] =	sst s5  }
0xe: {  	[smem:$0x3FAC] =	sst s6  }
0xf: {  	[smem:$0x3FAD] =	sst s7  }
0x10: {  	[smem:$0x3FAE] =	sst s8  }
0x11: {  	[smem:$0x3FAF] =	sst s9;
	s0 =	simm.s32 @!p0 $0x0  }
0x12: {  	s1 =	sld [smem:$0x3F95];
	s0 =	simm.s32 @p0 $0x1  }
0x13: {  	[smem:$0x3FB0] =	sst s0;
	s0 =	simm.s32 @!p1 $0x0  }
0x14: {  	s2 =	sld [smem:$0x3F94];
	s0 =	simm.s32 @p1 $0x1  }
0x15: {  	[smem:$0x3FB1] =	sst s0;
	s0 =	simm.s32 @!p2 $0x0  }
0x16: {  	s3 =	sld [smem:$0x3FDB];
	s0 =	simm.s32 @p2 $0x1  }
0x17: {  	s4 =	simm.s32 $0x1BF5;
	[smem:$0x3FB3] =	sst s0  }
0x18: {  	s0 =	sld [smem:$0x3F96];
	_ =	swait.ge [sflag:s4], $0x0  }
0x19: {  	s7 =	sld [smem:$0x3F97]  }
0x1a: {  	s8 =	sadd.s32 $0xFFFFE003, lr  }
0x1b: {  	s9 =	sadd.s32 $0xFFFFFEF7, lr;
	s5 =	simm.s32 $0xFFFFFFFF;
	p2 =	slt.u32 s8, $0xFFFFF086  }
0x1c: {  	p1 =	slt.u32 s9, $0xF7A;
	s5 =	simm.s32 @!p2 $0x0  }
0x1d: {  	s5 =	simm.s32 @p1 $0x1;
	p0 =	seq.s32 s7, s2  }
0x1e: {  	s7 =	smul.u32 @!p0 $0xF7A, s2;
	p2 =	seq.s32 @!p0 s5, $0x0  }
0x1f: {  	s9 =	smul.u32 $0xF7A, s1;
	s8 =	simm.s32 @!p0 $0x1BF5;
	p2 =	por !p2, p0  }
0x20: {  	[sflag:s8] =	ssyncset.s32 @!p0 $0xFFFFF086;
	s6 =	sadd.s32 @!p0 s3, s7;
	s7 =	simm.s32 @!p0 $0x108  }
0x21: {  	s3 =	sadd.s32 s3, s9;
	s6 =	sadd.s32 @!p0 $0x88, s6;
	s7 =	simm.s32 @p2 $0x1082  }
0x22: {  	[simem:s7], [sflag:s8] =	dma.local @!p0 [hbm:s6], $0xF7A  }
0x23: {  	s9 =	sor.u32 $0xD0000000, s2;
	s6 =	simm.s32 $0x108;
	_ =	swait.ge @!p0 [sflag:s8], $0x0  }
0x24: {  	s3 =	sadd.s32 $0x88, s3;
	s6 =	simm.s32 @!p1 $0x1082;
	[sflag:s4] =	ssyncset.s32 $0xFFFFF086  }
0x25: {  	[simem:s6], [sflag:s4] =	dma.local [hbm:s3], $0xF7A  }
0x26: {  	[smem:$0x3F97] =	sst s1;
	(tag) =	ssettag s2;
	_ =	strace s9  }
0x27: {  	s1 =	sld [smem:$0x3FA7]  }
0x28: {  	s2 =	sld [smem:$0x3FA8]  }
0x29: {  	s4 =	sld [smem:$0x3FAA]  }
0x2a: {  	p0 =	seq.s32 s5, $0x0;
	s5 =	sld [smem:$0x3FAB]  }
0x2b: {  	s6 =	sld [smem:$0x3FAC]  }
0x2c: {  	s7 =	sld [smem:$0x3FAD]  }
0x2d: {  	s3 =	simm.s32 $0x108;
	s8 =	sld [smem:$0x3FAE]  }
0x2e: {  	s3 =	simm.s32 @!p0 $0x1082;
	s9 =	sld [smem:$0x3FAF]  }
0x2f: {  	lr =	sadd.s32 s0, s3;
	s0 =	sld [smem:$0x3FA6]  }
0x30: {  	s3 =	sld [smem:$0x3FA9]  }
0x31: {  	[smem:$0x3FB2] =	sst s10  }
0x32: {  	s10 =	sld [smem:$0x3FB0];
	_ =	sdelay $0x3  }
0x33: {  	p0 =	seq.s32 s10, $0x1;
	s10 =	sld [smem:$0x3FB2];
	_ =	sdelay $0x3  }
0x34: {  	[smem:$0x3FB2] =	sst s10  }
0x35: {  	s10 =	sld [smem:$0x3FB1];
	_ =	sdelay $0x3  }
0x36: {  	p1 =	seq.s32 s10, $0x1;
	s10 =	sld [smem:$0x3FB2];
	_ =	sdelay $0x3  }
0x37: {  	[smem:$0x3FB2] =	sst s10  }
0x38: {  	s10 =	sld [smem:$0x3FB3]  }
0x39: {  	_ = 	snop;
	(pc) =	sbr.ind lr, $3  }
0x3a: {  	_ = 	snop  }
0x3b: {  	_ = 	snop  }
0x3c: {  	p2 =	seq.s32 s10, $0x1;
	s10 =	sld [smem:$0x3FB2]  }
0x3d: {  	_ =	shalt  }
0x3e: {  	_ =	shalt  }
0x3f: {  	_ =	shalt  }
0x40: {  	_ =	shalt  }
0x41: {  	_ =	shalt  }
0x42: {  	_ =	shalt  }
0x43: {  	_ =	shalt  }
0x44: {  	_ =	shalt  }
0x45: {  	_ =	shalt  }
0x46: {  	_ =	shalt  }
0x47: {  	_ =	shalt  }
0x48: {  	_ =	shalt  }
0x49: {  	_ =	shalt  }
0x4a: {  	_ =	shalt  }
0x4b: {  	_ =	shalt  }
0x4c: {  	_ =	shalt  }
0x4d: {  	_ =	shalt  }
0x4e: {  	_ =	shalt  }
0x4f: {  	_ =	shalt  }
0x50: {  	_ =	shalt  }
0x51: {  	_ =	shalt  }
0x52: {  	_ =	shalt  }
0x53: {  	_ =	shalt  }
0x54: {  	_ =	shalt  }
0x55: {  	_ =	shalt  }
0x56: {  	_ =	shalt  }
0x57: {  	_ =	shalt  }
0x58: {  	_ =	shalt  }
0x59: {  	_ =	shalt  }
0x5a: {  	_ =	shalt  }
0x5b: {  	_ =	shalt  }
0x5c: {  	_ =	shalt  }
0x5d: {  	_ =	shalt  }
0x5e: {  	_ =	shalt  }
0x5f: {  	_ =	shalt  }
0x60: {  	_ =	shalt  }
0x61: {  	_ =	shalt  }
0x62: {  	_ =	shalt  }
0x63: {  	_ =	shalt  }
0x64: {  	_ =	shalt  }
0x65: {  	_ =	shalt  }
0x66: {  	_ =	shalt  }
0x67: {  	_ =	shalt  }
0x68: {  	_ =	shalt  }
0x69: {  	_ =	shalt  }
0x6a: {  	_ =	shalt  }
0x6b: {  	_ =	shalt  }
0x6c: {  	_ =	shalt  }
0x6d: {  	_ =	shalt  }
0x6e: {  	_ =	shalt  }
0x6f: {  	_ =	shalt  }
0x70: {  	_ =	shalt  }
0x71: {  	_ =	shalt  }
0x72: {  	_ =	shalt  }
0x73: {  	_ =	shalt  }
0x74: {  	_ =	shalt  }
0x75: {  	_ =	shalt  }
0x76: {  	_ =	shalt  }
0x77: {  	_ =	shalt  }
0x78: {  	_ =	shalt  }
0x79: {  	_ =	shalt  }
0x7a: {  	_ =	shalt  }
0x7b: {  	_ =	shalt  }
0x7c: {  	_ =	shalt  }
0x7d: {  	_ =	shalt  }
0x7e: {  	_ =	shalt  }
0x7f: {  	_ =	shalt  }
0x80: {  	_ =	shalt  }
0x81: {  	_ =	shalt  }
0x82: {  	_ =	shalt  }
0x83: {  	_ =	shalt  }
0x84: {  	_ =	shalt  }
0x85: {  	_ =	shalt  }
0x86: {  	_ =	shalt  }
0x87: {  	_ =	shalt  }
.Lfunc_end0:
.L_simem_size_0:
called_computation_lowered:
.L_overlay_start_0:
0x88: {  	s2 =	sld [smem:$0x3FD9]  }
0x89: {  	s3 =	sld [smem:$0x3FFE];
	_ =	sdelay $0x1  }
0x8a: {  	s1 =	srdreg.scid  }
0x8b: {  	s0 =	sand.u32 $0x1, s1  }
0x8c: {  	s17 =	sshll.u32 s0, $0xA;
	s2 =	sadd.s32 s3, s2  }
0x8d: {  	s2 =	sadd.s32 s2, s17  }
0x8e: {  	[smem:$0x3FBE] =	sst s2  }
0x8f: {  	_ = 	snop  }
0x90: {  	s2 =	sld [smem:$0x3FC8];
	(tm) =	ssettm $0x1  }
0x91: {  	s18 =	sld [smem:$0x3FFB];
	_ =	sdelay $0x3  }
0x92: {  	_ =	strace s18  }
0x93: {  	s3 =	sld [smem:$0x3FFC];
	_ =	sdelay $0x3  }
0x94: {  	_ =	strace s3  }
0x95: {  	s3 =	sld [smem:$0x3FFD];
	_ =	sdelay $0x3  }
0x96: {  	_ =	strace s3  }
0x97: {  	_ =	strace $0x8FFFFFFF  }
0x98: {  	s19 =	sld [smem:$0x3FDB];
	_ =	sdelay $0x1  }
0x99: {  	s4 =	simm.s32 $_scs_section_size  }
0x9a: {  	s5 =	simm.s32 $_size__tile_overlayer_lowered;
	s6 =	simm.s32 $_tile_overlayer_lowered  }
0x9b: {  	s22 =	simm.s32 $0x1BFF;
	s21 =	sshll.u32 s6, $0x1;
	s3 =	sadd.s32 s4, s19  }
0x9c: {  	s7 =	simm.s32 $0x0;
	s20 =	sshll.u32 s5, $0x1;
	s5 =	sadd.s32 s21, s3  }
0x9d: {  	[timem:s7], [sflag:s22] =	dma.local [hbm:s5], s20  }
0x9e: {  	_ =	swait.ge [sflag:s22], s20  }
0x9f: {  	s4 =	ssub.s32 $0x0, s20;
	[sflag:s22] =	ssyncset.done $0x0  }
0xa0: {  	[sflag:s22] =	ssyncadd.s32 s4;
	_ =	sdelay $0x1  }
0xa1: {  	s23 =	simm.s32 $0x1B8B  }
0xa2: {  	_ =	swait.ge [sflag:s23], $0x1  }
0xa3: {  	[sflag:s23] =	ssyncset.done $0x0  }
0xa4: {  	s25 =	simm.s32 $0x1B8E;
	s24 =	sld [smem:$0x3FFE];
	[sflag:s23] =	ssyncadd.s32 $0xFFFFFFFF  }
0xa5: {  	s26 =	simm.s32 $execute0_lowered;
	[smem:$0x3FD2] =	sst s25  }
0xa6: {  	s5 =	sshll.u32 s26, $0x1;
	_ =	strace $0x80000046;
	[dreg:$0x1] =	wrdreg $0xFFFFFFFF  }
0xa7: {  	s28 =	simm.s32 $_size_execute0_lowered;
	s3 =	sadd.s32 s3, s5;
	[dreg:$0x0] =	wrdreg $0x0  }
0xa8: {  	s5 =	sshll.u32 s28, $0x1;
	[dreg:$0x2] =	wrdreg s3  }
0xa9: {  	[dreg:$0x3] =	wrdreg s5  }
0xaa: {  	[dreg:$0x4] =	wrdreg $0xC0  }
0xab: {  	_ =	task [dreg:s7], $0x5FFFF  }
0xac: {  	[dreg:$0x1] =	wrdreg $0xFFFFFFFF  }
0xad: {  	[dreg:$0x0] =	wrdreg $0x60  }
0xae: {  	[dreg:$0x2] =	wrdreg s24  }
0xaf: {  	[dreg:$0x3] =	wrdreg s2  }
0xb0: {  	[dreg:$0x4] =	wrdreg $0x142800  }
0xb1: {  	[dreg:$0x5] =	wrdreg $0x9  }
0xb2: {  	_ =	task.clear_ibuf [dreg:s7], $0x6FFFF;
	_ =	strace $0x90000046  }
0xb3: {  	s29 =	simm.s32 $0x9;
	_ =	strace $0x80000048  }
0xb4: {  	_ =	swait.ge [sflag:s29], $0x1  }
0xb5: {  	[sflag:s29] =	ssyncadd.s32 $0xFFFFFFFF  }
0xb6: {  	_ =	strace $0x90000048  }
0xb7: {  	_ =	sfence  }
0xb8: {  	s30 =	sld [smem:$0x0];
	_ =	sdelay $0x2  }
0xb9: {  	s31 =	sshll.u32 s1, $0xD;
	s1 =	sshrl.u32 s1, $0x2  }
0xba: {  	s3 =	sand.u32 $0x4000, s31;
	s1 =	sadd.s32 s1, s30  }
0xbb: {  	s0 =	sor.u32 s3, s0;
	s1 =	sshll.u32 s1, $0x11  }
0xbc: {  	s0 =	sor.u32 s1, s0  }
0xbd: {  	s0 =	sadd.s32 $0x8F2B, s0  }
0xbe: {  	[sflag:s0] =	ssyncadd.remote.s32 $0x1  }
0xbf: {  	_ =	sfence.sel $0xFFFF  }
0xc0: {  	[dreg:$0x0] =	wrdreg $0xFFFFFFFF;
	(pc) =	sbr.abs _section_cstart, $3  }
0xc1: {  	[dreg:$0x1] =	wrdreg $0xFFFFFFFF  }
0xc2: {  	_ =	task.clear_ibuf [dreg:s7], $0x2FFFF;
	_ =	strace $0x9FFFFFFF  }
0xc3: {  	(tm) =	ssettm $0x7FFFFFFF  }
tec
execute0_lowered:
.L_overlay_start_1:
0x0: {  	(tag) =	ssettag $0x1  }
0x1: {  	s0 =	rddreg [dreg:$0x0]  }
0x2: {  	s2 =	rddreg [dreg:$0x1]  }
0x3: {  	s3 =	rddreg [dreg:$0x2]  }
0x4: {  	s1 =	stileid.u32;
	s5 =	srdreg.scid  }
0x5: {  	s4 =	simm.s32 $0x0;
	s14 =	simm.s32 $0x5;
	s15 =	simm.s32 $0x100  }
0x6: {  	s16 =	simm.s32 $0x80;
	s17 =	simm.s32 $0x280;
	s18 =	simm.s32 $0x8280  }
0x7: {  	s19 =	simm.s32 $0x1;
	s20 =	simm.s32 $0x3;
	s21 =	simm.s32 $0x200  }
0x8: {  	s22 =	simm.s32 $0x10280;
	s23 =	simm.s32 $0x6;
	s6 =	smul.u32 $0xA400, s1  }
0x9: {  	s8 =	sand.u32 $0x1, s5;
	[smem:$0x7FF] =	sst s4;
	s5 =	sadd.s32 $0x2000, s0  }
0xa: {  	s10 =	smul.u32 $0x29000, s1;
	s28 =	sshll.u32 s1, $0x6;
	s30 =	sshll.u32 s1, $0x5  }
0xb: {  	s7 =	smul.u32 $0xA4000, s8;
	_ =	strace $0x80000047;
	s24 =	ssub.s32 $0x2, s8  }
0xc: {  	s9 =	sshrl.u32 s6, $0x3;
	s25 =	sshrl.u32 s24, $0x1;
	s26 =	sshrl.u32 s10, $0x2  }
0xd: {  	s10 =	sadd.s32 s2, s30;
	s6 =	sadd.s32 s6, s7;
	s9 =	sadd.s32 s9, s0  }
0xe: {  	s12 =	ssub.s32 s24, s25;
	s13 =	sadd.s32 s26, s3;
	s24 =	smul.u32 $0x1400, s8  }
.Ltmp0:
0xf: {  	s7 =	sor.u32 $0x1C05, s28;
	s8 =	sadd.s32 $0x10, s2;
	(pc) =	sbr.rel .LBB2_1-.Ltmp0, $4  }
0x10: {  	s25 =	simm.s32 $0x4;
	s26 =	simm.s32 $0x0;
	s6 =	sshrl.u32 s6, $0x3  }
0x11: {  	s29 =	sadd.s32 $0x29200, s9;
	s31 =	sadd.s32 s30, s8;
	s12 =	smax.u32 s12, $0x1  }
0x12: {  	s13 =	sshrl.u32 s13, $0x3;
	s0 =	sadd.s32 s6, s0;
	[dreg:$0x4] =	wrdreg s29  }
0x13: {  	v1 =	vimm.f32 $1.000000000e+00;
	[dreg:$0x5] =	wrdreg s31;
	v0 =	vmov s24;
	s24 =	simm.s32 $0x2;
	s11 =	sadd.s32 $0x3DA00, s0  }
.LBB2_14:
0x14: {  	s26 =	sadd.s32 $0x1, s26  }
0x15: {  	p0 =	sne.s32 s26, s12  }
.Ltmp1:
0x16: {  	[bflag:$0x0] =	sbarrier.arrive $0xFFFF;
	(pc) =	sbr.rel @!p0 .LBB2_15-.Ltmp1, $4  }
0x17: {  	[hbm:s11], [sflag:s7] =	dma.local [spmem:s13], $0x1480  }
0x18: {  	_ =	swait.ge [sflag:s14], $0x1480  }
0x19: {  	[sflag:s14] =	ssyncset.done $0x0  }
0x1a: {  	[sflag:s14] =	ssyncadd.s32 $0xFFFFEB80  }
.LBB2_1:
0x1b: {  	s0 =	rddreg [dreg:$0x4]  }
0x1c: {  	[spmem:s13], [sflag:s7] =	dma.local [hbm:s0], $0x1480  }
0x1d: {  	_ =	swait.ge [sflag:s14], $0x1480  }
0x1e: {  	[sflag:s14] =	ssyncset.done $0x0  }
0x1f: {  	s28 =	simm.s32 $0xFFFF0200;
	s0 =	simm.s32 $0xFFFFC000;
	[sflag:s14] =	ssyncadd.s32 $0xFFFFEB80  }
.LBB2_2:
0x20: {  	p0 =	sne.s32 s28, $0xFFFFFE00;
	[tilespmem:s0+$0x142F0] =	vst v1;
	s29 =	smov.u32 s28;
	s28 =	sadd.s32 $0x200, s28  }
.Ltmp2:
0x21: {  	[tilespmem:s0+$0x142E0] =	vst v1;
	(pc) =	sbr.rel @p0 .LBB2_2-.Ltmp2, $3  }
0x22: {  	[tilespmem:s0+$0x142C0] =	vst v1  }
0x23: {  	[tilespmem:s0+$0x142D0] =	vst v1;
	_ =	sdelay $0x1  }
0x24: {  	s0 =	sshra.s32 s29, $0x2  }
0x25: {  	[tilespmem:s0+$0x142F0] =	vst v1  }
0x26: {  	[tilespmem:s0+$0x142E0] =	vst v1  }
0x27: {  	[tilespmem:s0+$0x142C0] =	vst v1  }
0x28: {  	[tilespmem:s0+$0x142D0] =	vst v1  }
0x29: {  	[bflag:$0x0] =	sbarrier.arrive $0xFFFF  }
0x2a: {  	s28 =	simm.s32 $0x0;
	s31 =	rddreg [dreg:$0x5]  }
0x2b: {  	[tilespmem:s28], [sflag:$0x5] =	stream.linear.gather [hbm4b:s31+s28], $0x80, $0x38;
	[tilespmem:$0x1E680] =	vst v63  }
0x2c: {  	_ =	swait.ge [sflag:s14], $0x80  }
0x2d: {  	[sflag:s14] =	ssyncset.done $0x0  }
0x2e: {  	[sflag:s14] =	ssyncadd.s32 $0xFFFFFF80  }
0x2f: {  	[tilespmem:s15], [sflag:$0x5] =	stream.linear.gather [hbm4b:s10+s28], $0x80, $0x38;
	[tilespmem:$0x1E680] =	vst v63  }
0x30: {  	_ =	swait.ge [sflag:s14], $0x80  }
.Ltmp3:
0x31: {  	[sflag:s14] =	ssyncset.done $0x0;
	(pc) =	sbr.rel .LBB2_4-.Ltmp3, $4  }
0x32: {  	[sflag:s14] =	ssyncadd.s32 $0xFFFFFF80  }
0x33: {  	[tilespmem:s17], [sflag:$0x1] =	stream.indirect.gather [hbm4b:s5+s16], $0x80, s28, s16, $0xb8;
	[tilespmem:$0x1E680] =	vst v63  }
0x34: {  	_ = 	snop  }
0x35: {  	[tilespmem:s18], [sflag:$0x3] =	stream.indirect.gather [hbm4b:s5+s16], $0x80, s15, s16, $0xb8;
	[tilespmem:$0x1E680] =	vst v63  }
.LBB2_13:
0x36: {  	s28 =	sadd.s32 $0x1, s28  }
0x37: {  	p0 =	sne.s32 s28, $0x4F  }
.Ltmp4:
0x38: {  	_ = 	snop;
	(pc) =	sbr.rel @!p0 .LBB2_14-.Ltmp4, $1  }
0x39: {  	_ =	sdelay $0x3  }
.LBB2_4:
0x3a: {  	s0 =	sshll.u32 s28, $0x5  }
0x3b: {  	s29 =	sor.u32 s1, s0  }
0x3c: {  	s0 =	sor.u32 $0x10, s29  }
0x3d: {  	p0 =	sgt.u32 s0, $0x9C3  }
0x3e: {  	s0 =	sshll.u32 @!p0 s0, $0x5  }
0x3f: {  	s31 =	simm.s32 @!p0 $0x0;
	s6 =	simm.s32 @!p0 $0x80;
	s30 =	sadd.s32 @!p0 s0, s8  }
0x40: {  	[tilespmem:s6], [sflag:$0x6] =	stream.linear.gather @!p0 [hbm4b:s30+s31], $0x80, $0x38;
	[tilespmem:$0x1E680] =	vst v63  }
0x41: {  	s30 =	simm.s32 @!p0 $0x6  }
0x42: {  	_ =	swait.ge @!p0 [sflag:s30], $0x80  }
0x43: {  	[sflag:s30] =	ssyncset.done @!p0 $0x0  }
0x44: {  	s9 =	simm.s32 @!p0 $0x180;
	s0 =	sadd.s32 @!p0 s2, s0;
	[sflag:s30] =	ssyncadd.s32 @!p0 $0xFFFFFF80  }
0x45: {  	[tilespmem:s9], [sflag:$0x6] =	stream.linear.gather @!p0 [hbm4b:s0+s31], $0x80, $0x38;
	[tilespmem:$0x1E680] =	vst v63  }
0x46: {  	p1 =	sgt.u32 s29, $0x9C3;
	_ =	swait.ge @!p0 [sflag:s30], $0x80  }
.Ltmp5:
0x47: {  	[sflag:s30] =	ssyncset.done @!p0 $0x0;
	(pc) =	sbr.rel @p1 .LBB2_13-.Ltmp5, $4  }
0x48: {  	s0 =	simm.s32 @!p0 $0x4280;
	[sflag:s30] =	ssyncadd.s32 @!p0 $0xFFFFFF80  }
0x49: {  	[tilespmem:s0], [sflag:$0x2] =	stream.indirect.gather @!p0 [hbm4b:s5+s6], $0x80, s6, s6, $0xb8;
	[tilespmem:$0x1E680] =	vst v63  }
0x4a: {  	s0 =	simm.s32 @!p0 $0xC280  }
0x4b: {  	[tilespmem:s0], [sflag:$0x4] =	stream.indirect.gather @!p0 [hbm4b:s5+s6], $0x80, s9, s6, $0xb8;
	[tilespmem:$0x1E680] =	vst v63  }
0x4c: {  	_ =	swait.ge [sflag:s19], $0x4000  }
0x4d: {  	[sflag:s19] =	ssyncset.done $0x0  }
0x4e: {  	[sflag:s19] =	ssyncadd.s32 $0xFFFFC000  }
0x4f: {  	_ =	swait.ge [sflag:s20], $0x4000  }
0x50: {  	[sflag:s20] =	ssyncset.done $0x0  }
0x51: {  	s31 =	simm.s32 $0x0;
	[sflag:s20] =	ssyncadd.s32 $0xFFFFC000  }
0x52: {  	v4 =	vld [tilespmem:s31+$0x2B0]  }
0x53: {  	v5 =	vld [tilespmem:s31+$0x82F0]  }
0x54: {  	v7 =	vld [tilespmem:s31+$0x280]  }
0x55: {  	v8 =	vld [tilespmem:s31+$0x82C0]  }
0x56: {  	v3 =	vld [tilespmem:s31+$0x290]  }
0x57: {  	v6 =	vld [tilespmem:s31+$0x82D0]  }
0x58: {  	v2 =	vld [tilespmem:s31+$0x2A0];
	v9 =	vadd.f32 v5, v4  }
0x59: {  	s30 =	simm.s32 $0x80;
	v5 =	vld [tilespmem:s31+$0x82E0]  }
0x5a: {  	s0 =	simm.s32 $0x400;
	v4 =	vld [tilespmem:s30+$0x2B0];
	v7 =	vadd.f32 v8, v7;
	v8 =	vmax.f32 v9, $0.0e+00  }
.LBB2_6:
0x5b: {  	p1 =	sne.s32 s0, $0xFE00;
	v9 =	vld [tilespmem:s30+$0x82F0];
	[tilespmem:s31+$0x102B0] =	vst v8  }
0x5c: {  	v8 =	vld [tilespmem:s30+$0x280];
	v7 =	vmax.f32 v7, $0.0e+00;
	v6 =	vadd.f32 v6, v3  }
0x5d: {  	v10 =	vld [tilespmem:s30+$0x82C0];
	[tilespmem:s31+$0x10280] =	vst v7  }
.Ltmp6:
0x5e: {  	v3 =	vld [tilespmem:s30+$0x290];
	v7 =	vmax.f32 v6, $0.0e+00;
	v5 =	vadd.f32 v5, v2;
	(pc) =	sbr.rel @p1 .LBB2_6-.Ltmp6, $4  }
0x5f: {  	v6 =	vld [tilespmem:s30+$0x82D0];
	[tilespmem:s31+$0x10290] =	vst v7  }
0x60: {  	v2 =	vld [tilespmem:s30+$0x2A0];
	v9 =	vadd.f32 v9, v4;
	v4 =	vmax.f32 v5, $0.0e+00  }
0x61: {  	v5 =	vld [tilespmem:s30+$0x82E0];
	[tilespmem:s31+$0x102A0] =	vst v4;
	s31 =	smov.u32 s30;
	s30 =	sshra.s32 s0, $0x2  }
0x62: {  	s0 =	sadd.s32 $0x200, s0;
	v4 =	vld [tilespmem:s30+$0x2B0];
	v7 =	vadd.f32 v10, v8;
	v8 =	vmax.f32 v9, $0.0e+00  }
0x63: {  	v9 =	vld [tilespmem:s30+$0x82F0];
	[tilespmem:s31+$0x102B0] =	vst v8  }
0x64: {  	v8 =	vld [tilespmem:s30+$0x280];
	v7 =	vmax.f32 v7, $0.0e+00;
	v3 =	vadd.f32 v6, v3  }
0x65: {  	v10 =	vld [tilespmem:s30+$0x82C0];
	[tilespmem:s31+$0x10280] =	vst v7  }
0x66: {  	v55 =	vld [tilespmem:s30+$0x290];
	v3 =	vmax.f32 v3, $0.0e+00  }
0x67: {  	v7 =	vld [tilespmem:s30+$0x82D0];
	[tilespmem:s31+$0x10290] =	vst v3  }
0x68: {  	v3 =	vld [tilespmem:s30+$0x2A0]  }
0x69: {  	v11 =	vld [tilespmem:s30+$0x82E0]  }
0x6a: {  	v2 =	vadd.f32 v5, v2  }
0x6b: {  	v4 =	vadd.f32 v9, v4  }
0x6c: {  	v2 =	vmax.f32 v2, $0.0e+00;
	v56 =	vadd.f32 v10, v8  }
0x6d: {  	[tilespmem:s31+$0x102A0] =	vst v2;
	v2 =	vmax.f32 v4, $0.0e+00;
	v57 =	vadd.f32 v7, v55  }
0x6e: {  	[tilespmem:s30+$0x102B0] =	vst v2;
	v2 =	vmax.f32 v56, $0.0e+00;
	v3 =	vadd.f32 v11, v3  }
0x6f: {  	[tilespmem:s30+$0x10280] =	vst v2;
	v2 =	vmax.f32 v57, $0.0e+00  }
0x70: {  	[tilespmem:s30+$0x10290] =	vst v2;
	v2 =	vmax.f32 v3, $0.0e+00  }
0x71: {  	[tilespmem:s30+$0x102A0] =	vst v2  }
0x72: {  	v2 =	vld [tilespmem:$0x0]  }
0x73: {  	v3 =	vld [tilespmem:$0x10]  }
0x74: {  	v58 =	vld [tilespmem:$0x20]  }
0x75: {  	v59 =	vld [tilespmem:$0x30]  }
0x76: {  	v60 =	vld [tilespmem:$0x40]  }
0x77: {  	v61 =	vld [tilespmem:$0x50];
	v2 =	vsub.s32 v2, v0  }
0x78: {  	v62 =	vld [tilespmem:$0x60];
	v3 =	vsub.s32 v3, v0;
	v2 =	vmin.u32 v2, $0x1400  }
0x79: {  	v63 =	vld [tilespmem:$0x70];
	[tilespmem:$0x200] =	vst v2;
	v2 =	vmin.u32 v3, $0x1400;
	v3 =	vsub.s32 v58, v0  }
0x7a: {  	[tilespmem:$0x210] =	vst v2;
	v2 =	vmin.u32 v3, $0x1400;
	v3 =	vsub.s32 v59, v0  }
0x7b: {  	[tilespmem:$0x220] =	vst v2;
	v2 =	vmin.u32 v3, $0x1400;
	v3 =	vsub.s32 v60, v0  }
0x7c: {  	[tilespmem:$0x230] =	vst v2;
	v2 =	vmin.u32 v3, $0x1400;
	v3 =	vsub.s32 v61, v0  }
0x7d: {  	[tilespmem:$0x240] =	vst v2;
	v2 =	vmin.u32 v3, $0x1400;
	v3 =	vsub.s32 v62, v0  }
0x7e: {  	[tilespmem:$0x250] =	vst v2;
	v2 =	vmin.u32 v3, $0x1400;
	v3 =	vsub.s32 v63, v0  }
0x7f: {  	p1 =	sgt.u32 s29, $0x9A3;
	[tilespmem:$0x260] =	vst v2;
	v2 =	vmin.u32 v3, $0x1400  }
.Ltmp7:
0x80: {  	[tilespmem:$0x270] =	vst v2;
	(pc) =	sbr.rel @p1 .LBB2_9-.Ltmp7, $4  }
0x81: {  	[spmem:s3] =	stream.indirect.scatter.add.f32 [tilespmem:s22], [sflag:$0x6], $0x80, s21, s16, $0xb8;
	[tilespmem:$0x1E680] =	vst v63  }
0x82: {  	_ =	swait.ge [sflag:s23], $0x4000  }
0x83: {  	[sflag:s23] =	ssyncset.done $0x0  }
0x84: {  	[sflag:s23] =	ssyncadd.s32 $0xFFFFC000  }
0x85: {  	s0 =	sshll.u32 s29, $0x5  }
0x86: {  	s0 =	sadd.s32 $0x400, s0  }
0x87: {  	s6 =	sadd.s32 s0, s8  }
0x88: {  	[tilespmem:s4], [sflag:$0x6] =	stream.linear.gather [hbm4b:s6+s4], $0x80, $0x38;
	[tilespmem:$0x1E680] =	vst v63  }
0x89: {  	_ =	swait.ge [sflag:s23], $0x80  }
0x8a: {  	[sflag:s23] =	ssyncset.done $0x0  }
0x8b: {  	s0 =	sadd.s32 s2, s0;
	[sflag:s23] =	ssyncadd.s32 $0xFFFFFF80  }
0x8c: {  	[tilespmem:s15], [sflag:$0x6] =	stream.linear.gather [hbm4b:s0+s4], $0x80, $0x38;
	[tilespmem:$0x1E680] =	vst v63  }
0x8d: {  	_ =	swait.ge [sflag:s23], $0x80  }
.Ltmp8:
0x8e: {  	[sflag:s23] =	ssyncset.done $0x0;
	(pc) =	sbr.rel .LBB2_10-.Ltmp8, $4  }
0x8f: {  	[sflag:s23] =	ssyncadd.s32 $0xFFFFFF80  }
0x90: {  	[tilespmem:s17], [sflag:$0x1] =	stream.indirect.gather [hbm4b:s5+s16], $0x80, s4, s16, $0xb8;
	[tilespmem:$0x1E680] =	vst v63  }
0x91: {  	_ = 	snop  }
0x92: {  	[tilespmem:s18], [sflag:$0x3] =	stream.indirect.gather [hbm4b:s5+s16], $0x80, s15, s16, $0xb8;
	[tilespmem:$0x1E680] =	vst v63  }
.LBB2_9:
.Ltmp9:
0x93: {  	(pc) =	sbr.rel @p0 .LBB2_13-.Ltmp9, $1  }
0x94: {  	_ =	sdelay $0x3  }
.LBB2_10:
0x95: {  	_ =	swait.ge [sflag:s24], $0x4000  }
0x96: {  	[sflag:s24] =	ssyncset.done $0x0  }
0x97: {  	[sflag:s24] =	ssyncadd.s32 $0xFFFFC000  }
0x98: {  	_ =	swait.ge [sflag:s25], $0x4000  }
0x99: {  	[sflag:s25] =	ssyncset.done $0x0  }
0x9a: {  	s30 =	simm.s32 $0x0;
	[sflag:s25] =	ssyncadd.s32 $0xFFFFC000  }
0x9b: {  	v4 =	vld [tilespmem:s30+$0x42B0]  }
0x9c: {  	v5 =	vld [tilespmem:s30+$0xC2F0]  }
0x9d: {  	v7 =	vld [tilespmem:s30+$0x4280]  }
0x9e: {  	v8 =	vld [tilespmem:s30+$0xC2C0]  }
0x9f: {  	v3 =	vld [tilespmem:s30+$0x4290]  }
0xa0: {  	v6 =	vld [tilespmem:s30+$0xC2D0]  }
0xa1: {  	v2 =	vld [tilespmem:s30+$0x42A0];
	v9 =	vadd.f32 v5, v4  }
0xa2: {  	s29 =	simm.s32 $0x80;
	v5 =	vld [tilespmem:s30+$0xC2E0]  }
0xa3: {  	s0 =	simm.s32 $0x400;
	v4 =	vld [tilespmem:s29+$0x42B0];
	v7 =	vadd.f32 v8, v7;
	v8 =	vmax.f32 v9, $0.0e+00  }
.LBB2_11:
0xa4: {  	p0 =	sne.s32 s0, $0xFE00;
	v9 =	vld [tilespmem:s29+$0xC2F0];
	[tilespmem:s30+$0x102B0] =	vst v8  }
0xa5: {  	v8 =	vld [tilespmem:s29+$0x4280];
	v7 =	vmax.f32 v7, $0.0e+00;
	v6 =	vadd.f32 v6, v3  }
0xa6: {  	v10 =	vld [tilespmem:s29+$0xC2C0];
	[tilespmem:s30+$0x10280] =	vst v7  }
.Ltmp10:
0xa7: {  	v3 =	vld [tilespmem:s29+$0x4290];
	v7 =	vmax.f32 v6, $0.0e+00;
	v5 =	vadd.f32 v5, v2;
	(pc) =	sbr.rel @p0 .LBB2_11-.Ltmp10, $4  }
0xa8: {  	v6 =	vld [tilespmem:s29+$0xC2D0];
	[tilespmem:s30+$0x10290] =	vst v7  }
0xa9: {  	v2 =	vld [tilespmem:s29+$0x42A0];
	v9 =	vadd.f32 v9, v4;
	v4 =	vmax.f32 v5, $0.0e+00  }
0xaa: {  	v5 =	vld [tilespmem:s29+$0xC2E0];
	[tilespmem:s30+$0x102A0] =	vst v4;
	s30 =	smov.u32 s29;
	s29 =	sshra.s32 s0, $0x2  }
0xab: {  	s0 =	sadd.s32 $0x200, s0;
	v4 =	vld [tilespmem:s29+$0x42B0];
	v7 =	vadd.f32 v10, v8;
	v8 =	vmax.f32 v9, $0.0e+00  }
0xac: {  	v9 =	vld [tilespmem:s29+$0xC2F0];
	[tilespmem:s30+$0x102B0] =	vst v8  }
0xad: {  	v8 =	vld [tilespmem:s29+$0x4280];
	v7 =	vmax.f32 v7, $0.0e+00;
	v3 =	vadd.f32 v6, v3  }
0xae: {  	v10 =	vld [tilespmem:s29+$0xC2C0];
	[tilespmem:s30+$0x10280] =	vst v7  }
0xaf: {  	v55 =	vld [tilespmem:s29+$0x4290];
	v3 =	vmax.f32 v3, $0.0e+00  }
0xb0: {  	v7 =	vld [tilespmem:s29+$0xC2D0];
	[tilespmem:s30+$0x10290] =	vst v3  }
0xb1: {  	v3 =	vld [tilespmem:s29+$0x42A0]  }
0xb2: {  	v11 =	vld [tilespmem:s29+$0xC2E0]  }
0xb3: {  	v2 =	vadd.f32 v5, v2  }
0xb4: {  	v4 =	vadd.f32 v9, v4  }
0xb5: {  	v2 =	vmax.f32 v2, $0.0e+00;
	v56 =	vadd.f32 v10, v8  }
0xb6: {  	[tilespmem:s30+$0x102A0] =	vst v2;
	v2 =	vmax.f32 v4, $0.0e+00;
	v57 =	vadd.f32 v7, v55  }
0xb7: {  	[tilespmem:s29+$0x102B0] =	vst v2;
	v2 =	vmax.f32 v56, $0.0e+00;
	v3 =	vadd.f32 v11, v3  }
0xb8: {  	[tilespmem:s29+$0x10280] =	vst v2;
	v2 =	vmax.f32 v57, $0.0e+00  }
0xb9: {  	[tilespmem:s29+$0x10290] =	vst v2;
	v2 =	vmax.f32 v3, $0.0e+00  }
0xba: {  	[tilespmem:s29+$0x102A0] =	vst v2  }
0xbb: {  	v2 =	vld [tilespmem:$0x80]  }
0xbc: {  	v3 =	vld [tilespmem:$0x90]  }
0xbd: {  	v58 =	vld [tilespmem:$0xA0]  }
0xbe: {  	v59 =	vld [tilespmem:$0xB0]  }
0xbf: {  	v60 =	vld [tilespmem:$0xC0]  }
0xc0: {  	v61 =	vld [tilespmem:$0xD0];
	v2 =	vsub.s32 v2, v0  }
0xc1: {  	v62 =	vld [tilespmem:$0xE0];
	v3 =	vsub.s32 v3, v0;
	v2 =	vmin.u32 v2, $0x1400  }
0xc2: {  	v63 =	vld [tilespmem:$0xF0];
	[tilespmem:$0x200] =	vst v2;
	v2 =	vmin.u32 v3, $0x1400;
	v3 =	vsub.s32 v58, v0  }
0xc3: {  	[tilespmem:$0x210] =	vst v2;
	v2 =	vmin.u32 v3, $0x1400;
	v3 =	vsub.s32 v59, v0  }
0xc4: {  	[tilespmem:$0x220] =	vst v2;
	v2 =	vmin.u32 v3, $0x1400;
	v3 =	vsub.s32 v60, v0  }
0xc5: {  	[tilespmem:$0x230] =	vst v2;
	v2 =	vmin.u32 v3, $0x1400;
	v3 =	vsub.s32 v61, v0  }
0xc6: {  	[tilespmem:$0x240] =	vst v2;
	v2 =	vmin.u32 v3, $0x1400;
	v3 =	vsub.s32 v62, v0  }
0xc7: {  	[tilespmem:$0x250] =	vst v2;
	v2 =	vmin.u32 v3, $0x1400;
	v3 =	vsub.s32 v63, v0  }
0xc8: {  	[tilespmem:$0x260] =	vst v2;
	v2 =	vmin.u32 v3, $0x1400  }
.Ltmp11:
0xc9: {  	[tilespmem:$0x270] =	vst v2;
	(pc) =	sbr.rel .LBB2_13-.Ltmp11, $4  }
0xca: {  	[spmem:s3] =	stream.indirect.scatter.add.f32 [tilespmem:s22], [sflag:$0x5], $0x80, s21, s16, $0xb8;
	[tilespmem:$0x1E680] =	vst v63  }
0xcb: {  	_ =	swait.ge [sflag:s14], $0x4000  }
0xcc: {  	[sflag:s14] =	ssyncset.done $0x0  }
0xcd: {  	[sflag:s14] =	ssyncadd.s32 $0xFFFFC000  }
.LBB2_15:
0xce: {  	_ =	sfence.sel $0x180000  }
0xcf: {  	[bflag:$0x0] =	sbarrier.arrive $0xFFFF  }
0xd0: {  	_ =	strace $0x90000047  }
0xd1: {  	[bflag:$0x2] =	sbarrier.arrive $0xFFFF  }
0xd2: {  	p0 =	sne.s32 s1, $0x0;
	s0 =	rddreg [dreg:$0x3]  }
0xd3: {  	s0 =	sadd.s32 @!p0 $0x100000, s0  }
0xd4: {  	[sflag:s0] =	ssyncadd.tile.s32 @!p0 $0x1;
	_ =	shalt  }
.Lfunc_end2:
_tile_overlayer_lowered:
.L_overlay_start_2:
0xd5: {  	(tag) =	ssettag $0x2  }
0xd6: {  	s0 =	rddreg [dreg:$0x0];
	s2 =	stileid.u32  }
0xd7: {  	s1 =	rddreg [dreg:$0x1];
	p0 =	sne.s32 s2, $0x0  }
0xd8: {  	s3 =	rddreg [dreg:$0x2];
	[bflag:$0x3] =	sbarrier.arrive $0xFFFF;
	s2 =	simm.s32 @!p0 $0x1C05  }
0xd9: {  	[timem:s3], [sflag:s2] =	dma.local @!p0 [hbm:s0], s1  }
0xda: {  	s0 =	simm.s32 @!p0 $0x5  }
0xdb: {  	_ =	swait.ge @!p0 [sflag:s0], s1  }
0xdc: {  	s1 =	ssub.s32 @!p0 $0x0, s1;
	[sflag:s0] =	ssyncset.done @!p0 $0x0  }
0xdd: {  	[sflag:s0] =	ssyncadd.s32 @!p0 s1  }
0xde: {  	[bflag:$0x3] =	sbarrier.arrive $0xFFFF  }
0xdf: {  	_ =	shalt  }

</sc_bundles>
